<compile_context>
chip_gen: v7x
topology: tpu7x:2x2x1
jax: 0.10.2.dev20260603
libtpu: 0.0.44.dev20260713+nightly
codegen_flags: <defaults>
</compile_context>

<pallas_src>
import functools

import jax
import jax.numpy as jnp
from jax import lax
from jax.experimental import pallas as pl
from jax.experimental.pallas import tpu as pltpu
from jax.experimental.pallas import tpu_sc as plsc

NQ = 4
K = 8192
D = 256
B = 8
T = 576
N = B * T

TN = 2304
NT = N // TN
KT = 1024
NKT = K // KT

SC_CORES = 2
SC_SUBCORES = 16
NW = SC_CORES * SC_SUBCORES
BPW = N // NW
GCHUNK = 72
IPW = (NQ * N) // NW


def _stage_core(cb_ref, idx_ref, bval, bidx, btile, row2s, r2s):
    k = pl.program_id(1)
    cbt = cb_ref[...]
    cb2 = jnp.sum(cbt * cbt, axis=1)
    mm2 = lax.dot_general(r2s[...], cbt, (((1,), (1,)), ((), ())),
                          preferred_element_type=jnp.float32)
    dist = (row2s[...] - mm2) + cb2[None, :]
    NC128 = KT // 128
    iof = lax.broadcasted_iota(jnp.int32, (TN, 128), 1).astype(jnp.float32)
    bv = dist[:, 0:128]
    bi = iof
    for c in range(1, NC128):
        dc = dist[:, c * 128:(c + 1) * 128]
        lt = dc < bv
        bv = jnp.minimum(bv, dc)
        bi = jnp.where(lt, iof + (c * 128.0), bi)
    @pl.when(k == 0)
    def _first():
        bval[...] = bv
        bidx[...] = bi
        btile[...] = jnp.zeros((TN, 128), jnp.float32)

    @pl.when(k > 0)
    def _update():
        lt = bv < bval[...]
        bval[...] = jnp.minimum(bval[...], bv)
        bidx[...] = jnp.where(lt, bi, bidx[...])
        btile[...] = jnp.where(lt, k.astype(jnp.float32), btile[...])

    @pl.when(k == NKT - 1)
    def _emit():
        bvs = bval[...]
        gidx = btile[...] * float(KT) + bidx[...]
        tmin = jnp.min(bvs, axis=1, keepdims=True)
        sel = jnp.where(bvs == tmin, gidx, float(K))
        idx_ref[...] = jnp.min(sel, axis=1, keepdims=True).astype(jnp.int32)


def _stage_body(r_prev_ref, q_prev_ref, cb_ref, idx_ref, r_out_ref, loss_ref,
                bval, bidx, btile, row2s, r2s):
    t = pl.program_id(0)
    k = pl.program_id(1)

    @pl.when(k == 0)
    def _init():
        r = r_prev_ref[...] - q_prev_ref[...]
        r_out_ref[...] = r
        r2s[...] = r + r
        row2 = jnp.sum(r * r, axis=1, keepdims=True)
        row2s[...] = row2
        s = jnp.sum(row2)

        @pl.when(t == 0)
        def _():
            loss_ref[0, 0] = s

        @pl.when(t > 0)
        def _():
            loss_ref[0, 0] = loss_ref[0, 0] + s

    _stage_core(cb_ref, idx_ref, bval, bidx, btile, row2s, r2s)


def _stage_body0(r_prev_ref, cb_ref, idx_ref, bval, bidx, btile, row2s, r2s):
    k = pl.program_id(1)

    @pl.when(k == 0)
    def _init():
        r = r_prev_ref[...]
        r2s[...] = r + r
        row2s[...] = jnp.sum(r * r, axis=1, keepdims=True)

    _stage_core(cb_ref, idx_ref, bval, bidx, btile, row2s, r2s)


_stage_scratch = [
    pltpu.VMEM((TN, 128), jnp.float32),
    pltpu.VMEM((TN, 128), jnp.float32),
    pltpu.VMEM((TN, 128), jnp.float32),
    pltpu.VMEM((TN, 1), jnp.float32),
    pltpu.VMEM((TN, D), jnp.float32),
]

_stage_call = pl.pallas_call(
    _stage_body,
    grid=(NT, NKT),
    in_specs=[
        pl.BlockSpec((TN, D), lambda t, k: (t, 0)),
        pl.BlockSpec((TN, D), lambda t, k: (t, 0)),
        pl.BlockSpec((KT, D), lambda t, k: (k, 0)),
    ],
    out_specs=[
        pl.BlockSpec((TN, 1), lambda t, k: (t, 0)),
        pl.BlockSpec((TN, D), lambda t, k: (t, 0)),
        pl.BlockSpec((1, 1), lambda t, k: (0, 0), memory_space=pltpu.SMEM),
    ],
    out_shape=[
        jax.ShapeDtypeStruct((N, 1), jnp.int32),
        jax.ShapeDtypeStruct((N, D), jnp.float32),
        jax.ShapeDtypeStruct((1, 1), jnp.float32),
    ],
    scratch_shapes=list(_stage_scratch),
    compiler_params=pltpu.CompilerParams(
        dimension_semantics=("arbitrary", "arbitrary")),
)

_stage_call0 = pl.pallas_call(
    _stage_body0,
    grid=(NT, NKT),
    in_specs=[
        pl.BlockSpec((TN, D), lambda t, k: (t, 0)),
        pl.BlockSpec((KT, D), lambda t, k: (k, 0)),
    ],
    out_specs=[
        pl.BlockSpec((TN, 1), lambda t, k: (t, 0)),
    ],
    out_shape=[
        jax.ShapeDtypeStruct((N, 1), jnp.int32),
    ],
    scratch_shapes=list(_stage_scratch),
    compiler_params=pltpu.CompilerParams(
        dimension_semantics=("arbitrary", "arbitrary")),
)


def _final_body(x_ref, r3_ref, q3_ref, hist_ref, l1_ref, l2_ref, l3_ref,
                qout_ref, losses_ref, perp_ref):
    r4 = r3_ref[...] - q3_ref[...]
    qout_ref[...] = x_ref[...] - r4
    inv = 1.0 / (N * D)
    losses_ref[0, 0] = l1_ref[0, 0] * inv
    losses_ref[1, 0] = l2_ref[0, 0] * inv
    losses_ref[2, 0] = l3_ref[0, 0] * inv
    losses_ref[3, 0] = jnp.sum(r4 * r4) * inv
    counts = jnp.sum(hist_ref[...], axis=0)
    p = counts * (1.0 / (NQ * N))
    ent = jnp.sum(p * jnp.log(p + 1e-10))
    perp_ref[0, 0] = jnp.exp(-ent)


_final_call = pl.pallas_call(
    _final_body,
    in_specs=[
        pl.BlockSpec((N, D), lambda: (0, 0)),
        pl.BlockSpec((N, D), lambda: (0, 0)),
        pl.BlockSpec((N, D), lambda: (0, 0)),
        pl.BlockSpec((NW, K), lambda: (0, 0)),
        pl.BlockSpec(memory_space=pltpu.SMEM),
        pl.BlockSpec(memory_space=pltpu.SMEM),
        pl.BlockSpec(memory_space=pltpu.SMEM),
    ],
    out_shape=[
        jax.ShapeDtypeStruct((N, D), jnp.float32),
        jax.ShapeDtypeStruct((4, 1), jnp.float32),
        jax.ShapeDtypeStruct((1, 1), jnp.float32),
    ],
    out_specs=[
        pl.BlockSpec((N, D), lambda: (0, 0)),
        pl.BlockSpec(memory_space=pltpu.SMEM),
        pl.BlockSpec(memory_space=pltpu.SMEM),
    ],
)

@functools.lru_cache(maxsize=None)
def _get_sc_kernels():
    mesh = plsc.VectorSubcoreMesh(
        core_axis_name="c", subcore_axis_name="s",
        num_cores=SC_CORES, num_subcores=SC_SUBCORES)

    @functools.partial(
        pl.kernel,
        out_type=jax.ShapeDtypeStruct((N, D), jnp.float32),
        mesh=mesh,
        scratch_types=[
            pltpu.VMEM((2, GCHUNK), jnp.int32),
            pltpu.VMEM((BPW, D), jnp.float32),
            pltpu.SemaphoreType.DMA,
        ],
    )
    def _sc_gather(cb_hbm, idx_hbm, out_hbm, idx_v, rows_v, sem):
        wid = lax.axis_index("s") * SC_CORES + lax.axis_index("c")
        pltpu.sync_copy(idx_hbm.at[wid], idx_v)
        cp0 = pltpu.async_copy(cb_hbm.at[idx_v.at[0]],
                               rows_v.at[pl.ds(0, GCHUNK)], sem)
        cp1 = pltpu.async_copy(cb_hbm.at[idx_v.at[1]],
                               rows_v.at[pl.ds(GCHUNK, GCHUNK)], sem)
        cp0.wait()
        cp1.wait()
        pltpu.sync_copy(rows_v, out_hbm.at[pl.ds(wid * BPW, BPW)])

    @functools.partial(
        pl.kernel,
        out_type=(jax.ShapeDtypeStruct((N, D), jnp.float32),
                  jax.ShapeDtypeStruct((NW, K), jnp.float32)),
        mesh=mesh,
        scratch_types=[
            pltpu.VMEM((2, GCHUNK), jnp.int32),
            pltpu.VMEM((BPW, D), jnp.float32),
            pltpu.VMEM((BPW,), jnp.int32),
            pltpu.VMEM((K,), jnp.float32),
            pltpu.SemaphoreType.DMA,
        ],
        compiler_params=pltpu.CompilerParams(needs_layout_passes=False),
    )
    def _sc_gather_hist(cb_hbm, idx3g_hbm, idx0_hbm, idx1_hbm, idx2_hbm,
                        idx3_hbm, out_hbm, hist_hbm, idx_v, rows_v, idxh_v,
                        hist_v, sem):
        wid = lax.axis_index("s") * SC_CORES + lax.axis_index("c")
        pltpu.sync_copy(idx3g_hbm.at[wid], idx_v)
        cp0 = pltpu.async_copy(cb_hbm.at[idx_v.at[0]],
                               rows_v.at[pl.ds(0, GCHUNK)], sem)
        cp1 = pltpu.async_copy(cb_hbm.at[idx_v.at[1]],
                               rows_v.at[pl.ds(GCHUNK, GCHUNK)], sem)

        zeros16 = jnp.zeros((16,), jnp.float32)

        def _zero(i, carry):
            hist_v[pl.ds(i * 16, 16)] = zeros16
            return carry

        lax.fori_loop(0, K // 16, _zero, 0)

        ones16 = jnp.ones((16,), jnp.float32)

        def _accum(i, carry):
            idx16 = idxh_v[pl.ds(i * 16, 16)]
            plsc.addupdate_scatter(hist_v, [idx16], ones16)
            return carry

        for stage_hbm in (idx0_hbm, idx1_hbm, idx2_hbm, idx3_hbm):
            pltpu.sync_copy(stage_hbm.at[wid], idxh_v)
            lax.fori_loop(0, BPW // 16, _accum, 0)

        pltpu.sync_copy(hist_v, hist_hbm.at[wid])
        cp0.wait()
        cp1.wait()
        pltpu.sync_copy(rows_v, out_hbm.at[pl.ds(wid * BPW, BPW)])

    return _sc_gather, _sc_gather_hist


@jax.jit
def kernel(x, codebooks):
    sc_gather, sc_gather_hist = _get_sc_kernels()
    flat = x.reshape(N, D)
    r = flat
    idxs = []
    loss_sums = []
    for i in range(NQ):
        if i == 0:
            (idx_i,) = _stage_call0(flat, codebooks[0])
            r_i = flat
        else:
            idx_i, r_i, lsum = _stage_call(r, q, codebooks[i])
            loss_sums.append(lsum)
        if i < NQ - 1:
            q = sc_gather(codebooks[i], idx_i.reshape(NW, 2, GCHUNK))
        else:
            q, hist = sc_gather_hist(
                codebooks[i], idx_i.reshape(NW, 2, GCHUNK),
                idxs[0].reshape(NW, BPW), idxs[1].reshape(NW, BPW),
                idxs[2].reshape(NW, BPW), idx_i.reshape(NW, BPW))
        r = r_i
        idxs.append(idx_i)
    idx_all = jnp.concatenate(idxs, axis=1)
    qout, losses, perp = _final_call(flat, r, q, hist, *loss_sums)
    return (qout.reshape(B, T, D),
            idx_all.reshape(B, T, NQ),
            losses.reshape(NQ),
            perp[0, 0])

# --- scband reference (transcript-rebuilt; emitter-appended) ---
"""Pipeline reference for scband-residual-vq-87952340288139 (READ-ONLY COPY).

The authoritative reference and input builder live on the scoring server;
editing this copy changes nothing except your own understanding.
"""

import jax, jax.numpy as jnp
import numpy as np

NUM_Q = 4
CODEBOOK_SIZE = 8192
DIM = 256
COMMITMENT_WEIGHT = 1.0


def setup_inputs(seed: int = 0) -> dict:
    key = jax.random.key(seed)
    k1, k2 = jax.random.split(key)
    x = jax.random.normal(k1, (8, 576, DIM), dtype=jnp.float32)
    codebooks = jax.random.normal(k2, (NUM_Q, CODEBOOK_SIZE, DIM), dtype=jnp.float32)
    return {"x": x, "codebooks": codebooks}


def _vq_layer(x, codebook):
    # x: [B, T, D], codebook: [K, D]
    flat = x.reshape(-1, x.shape[-1])
    dist = (
        jnp.sum(flat ** 2, axis=1, keepdims=True)
        - 2.0 * flat @ codebook.T
        + jnp.sum(codebook ** 2, axis=1)[None, :]
    )
    embed_ind = jnp.argmin(dist, axis=-1)
    embed_onehot = jax.nn.one_hot(embed_ind, codebook.shape[0], dtype=jnp.float32)
    quantize = jnp.take(codebook, embed_ind, axis=0).reshape(x.shape)
    loss = COMMITMENT_WEIGHT * jnp.mean((jax.lax.stop_gradient(quantize) - x) ** 2)
    # straight-through estimator
    quantize = x + jax.lax.stop_gradient(quantize - x)
    return quantize, embed_ind.reshape(x.shape[:-1]), loss, embed_onehot


def reference(x, codebooks):
    quantized_out = jnp.zeros_like(x)
    residual = x
    all_losses = []
    all_indices = []
    embed_onehots = jnp.zeros((x.shape[0] * x.shape[1], codebooks.shape[1]), dtype=jnp.float32)
    for i in range(codebooks.shape[0]):
        quantized, indices, loss, onehot = _vq_layer(residual, codebooks[i])
        embed_onehots = embed_onehots + onehot
        residual = residual - quantized
        quantized_out = quantized_out + quantized
        all_indices.append(indices)
        all_losses.append(loss)
    embed_onehots = embed_onehots / codebooks.shape[0]
    all_losses = jnp.stack(all_losses, axis=-1)
    all_indices = jnp.stack(all_indices, axis=-1)
    avg_probs = jnp.mean(embed_onehots, axis=0)
    perplexity = jnp.exp(-jnp.sum(avg_probs * jnp.log(avg_probs + 1e-10)))
    return quantized_out, all_indices, all_losses, perplexity

if __name__ == "__main__":
    import jax
    _d = setup_inputs()
    print(jax.jit(kernel)(*tuple(_d.values())))

</pallas_src>

<mosaic_0001>
#map = affine_map<(d0, d1) -> (0, 0)>
#map1 = affine_map<(d0, d1) -> (0, 0, 0)>
module attributes {stable_mosaic.version = 14 : i64} {
  func.func @_sc_gather(%arg0: i32, %arg1: i32, %arg2: memref<8192x256xf32, #tpu.memory_space<hbm>>, %arg3: memref<32x2x72xi32, #tpu.memory_space<hbm>>, %arg4: memref<4608x256xf32, #tpu.memory_space<hbm>>, %arg5: memref<2x72xi32, #tpu.memory_space<vmem>>, %arg6: memref<144x256xf32, #tpu.memory_space<vmem>>, %arg7: memref<!tpu.dma_semaphore, #tpu.memory_space<semaphore_mem>>) attributes {dimension_semantics = [#tpu.dimension_semantics<core_parallel>, #tpu.dimension_semantics<subcore_parallel>], iteration_bounds = array<i64: 2, 16>, scalar_prefetch = 0 : i64, scratch_operands = 3 : i64, tpu.core_type = #tpu.core_type<sc_vector_subcore>, window_params = [{transform_indices = #map}, {transform_indices = #map1}, {transform_indices = #map}]} {
    %mul3A = arith.constant 2 : i32
    %mul3A_0 = arith.muli %arg1, %mul3A : i32
    %add3A = arith.addi %mul3A_0, %arg0 : i32
    "tpu.region"() ({
      %run_scoped3A = tpu.sem_alloc : memref<!tpu.dma_semaphore, #tpu.memory_space<semaphore_mem>>
      %dma_start3A_41 = arith.constant 0 : i32
      %dma_start3A_42 = arith.constant 0 : i32
      %dma_start3A_43 = tpu.memref_slice %arg3[%add3A, %dma_start3A_41, %dma_start3A_42] : memref<32x2x72xi32, #tpu.memory_space<hbm>> -> memref<1x2x72xi32, #tpu.memory_space<hbm>>
      %dma_start3A_44 = tpu.memref_squeeze %dma_start3A_43 : memref<1x2x72xi32, #tpu.memory_space<hbm>> -> memref<2x72xi32, #tpu.memory_space<hbm>>
      %dma_start3A_45 = arith.constant 0 : i32
      %dma_start3A_46 = arith.constant 0 : i32
      %dma_start3A_47 = tpu.memref_slice %arg3[%add3A, %dma_start3A_45, %dma_start3A_46] : memref<32x2x72xi32, #tpu.memory_space<hbm>> -> memref<1x2x72xi32, #tpu.memory_space<hbm>>
      %dma_start3A_48 = tpu.memref_squeeze %dma_start3A_47 : memref<1x2x72xi32, #tpu.memory_space<hbm>> -> memref<2x72xi32, #tpu.memory_space<hbm>>
      tpu.enqueue_dma source(%dma_start3A_48 : memref<2x72xi32, #tpu.memory_space<hbm>>) target(%arg5 : memref<2x72xi32, #tpu.memory_space<vmem>>) target_semaphore(%run_scoped3A : memref<!tpu.dma_semaphore, #tpu.memory_space<semaphore_mem>>)
      %dma_wait3A_49 = arith.constant 0 : i32
      %dma_wait3A_50 = arith.constant 0 : i32
      %dma_wait3A_51 = tpu.memref_slice %arg3[%add3A, %dma_wait3A_49, %dma_wait3A_50] : memref<32x2x72xi32, #tpu.memory_space<hbm>> -> memref<1x2x72xi32, #tpu.memory_space<hbm>>
      %dma_wait3A_52 = tpu.memref_squeeze %dma_wait3A_51 : memref<1x2x72xi32, #tpu.memory_space<hbm>> -> memref<2x72xi32, #tpu.memory_space<hbm>>
      %dma_wait3A_53 = arith.constant 0 : i32
      %dma_wait3A_54 = arith.constant 0 : i32
      %dma_wait3A_55 = tpu.memref_slice %arg3[%add3A, %dma_wait3A_53, %dma_wait3A_54] : memref<32x2x72xi32, #tpu.memory_space<hbm>> -> memref<1x2x72xi32, #tpu.memory_space<hbm>>
      %dma_wait3A_56 = tpu.memref_squeeze %dma_wait3A_55 : memref<1x2x72xi32, #tpu.memory_space<hbm>> -> memref<2x72xi32, #tpu.memory_space<hbm>>
      tpu.wait_dma2 semaphore(%run_scoped3A : memref<!tpu.dma_semaphore, #tpu.memory_space<semaphore_mem>>) src(%dma_wait3A_56 : memref<2x72xi32, #tpu.memory_space<hbm>>) dst(%arg5 : memref<2x72xi32, #tpu.memory_space<vmem>>)
      tpu.yield
    }) : () -> ()
    %dma_start3A = arith.constant 0 : i32
    %dma_start3A_1 = arith.constant 0 : i32
    %dma_start3A_2 = arith.constant 0 : i32
    %dma_start3A_3 = tpu.memref_slice %arg6[%dma_start3A_1, %dma_start3A_2] : memref<144x256xf32, #tpu.memory_space<vmem>> -> memref<72x256xf32, #tpu.memory_space<vmem>>
    %dma_start3A_4 = arith.constant 0 : i32
    %dma_start3A_5 = tpu.memref_slice %arg5[%dma_start3A, %dma_start3A_4] : memref<2x72xi32, #tpu.memory_space<vmem>> -> memref<1x72xi32, #tpu.memory_space<vmem>>
    %dma_start3A_6 = tpu.memref_squeeze %dma_start3A_5 : memref<1x72xi32, #tpu.memory_space<vmem>> -> memref<72xi32, #tpu.memory_space<vmem>>
    %dma_start3A_7 = arith.constant 0 : i32
    %dma_start3A_8 = arith.constant 0 : i32
    %dma_start3A_9 = tpu.memref_slice %arg2[%dma_start3A_7, %dma_start3A_8] : memref<8192x256xf32, #tpu.memory_space<hbm>> -> memref<8192x256xf32, #tpu.memory_space<hbm>>
    tpu.enqueue_indirect_dma source(%dma_start3A_9 : memref<8192x256xf32, #tpu.memory_space<hbm>>) target(%dma_start3A_3 : memref<72x256xf32, #tpu.memory_space<vmem>>) offsets(%dma_start3A_6 : memref<72xi32, #tpu.memory_space<vmem>>) semaphore(%arg7 : memref<!tpu.dma_semaphore, #tpu.memory_space<semaphore_mem>>)
    %dma_start3A_10 = arith.constant 1 : i32
    %dma_start3A_11 = arith.constant 72 : i32
    %dma_start3A_12 = arith.constant 0 : i32
    %dma_start3A_13 = tpu.memref_slice %arg6[%dma_start3A_11, %dma_start3A_12] : memref<144x256xf32, #tpu.memory_space<vmem>> -> memref<72x256xf32, #tpu.memory_space<vmem>>
    %dma_start3A_14 = arith.constant 0 : i32
    %dma_start3A_15 = tpu.memref_slice %arg5[%dma_start3A_10, %dma_start3A_14] : memref<2x72xi32, #tpu.memory_space<vmem>> -> memref<1x72xi32, #tpu.memory_space<vmem>>
    %dma_start3A_16 = tpu.memref_squeeze %dma_start3A_15 : memref<1x72xi32, #tpu.memory_space<vmem>> -> memref<72xi32, #tpu.memory_space<vmem>>
    %dma_start3A_17 = arith.constant 0 : i32
    %dma_start3A_18 = arith.constant 0 : i32
    %dma_start3A_19 = tpu.memref_slice %arg2[%dma_start3A_17, %dma_start3A_18] : memref<8192x256xf32, #tpu.memory_space<hbm>> -> memref<8192x256xf32, #tpu.memory_space<hbm>>
    tpu.enqueue_indirect_dma source(%dma_start3A_19 : memref<8192x256xf32, #tpu.memory_space<hbm>>) target(%dma_start3A_13 : memref<72x256xf32, #tpu.memory_space<vmem>>) offsets(%dma_start3A_16 : memref<72xi32, #tpu.memory_space<vmem>>) semaphore(%arg7 : memref<!tpu.dma_semaphore, #tpu.memory_space<semaphore_mem>>)
    %dma_wait3A = arith.constant 0 : i32
    %dma_wait3A_20 = arith.constant 0 : i32
    %dma_wait3A_21 = arith.constant 0 : i32
    %dma_wait3A_22 = tpu.memref_slice %arg6[%dma_wait3A_20, %dma_wait3A_21] : memref<144x256xf32, #tpu.memory_space<vmem>> -> memref<72x256xf32, #tpu.memory_space<vmem>>
    %dma_wait3A_23 = arith.constant 0 : i32
    %dma_wait3A_24 = tpu.memref_slice %arg5[%dma_wait3A, %dma_wait3A_23] : memref<2x72xi32, #tpu.memory_space<vmem>> -> memref<1x72xi32, #tpu.memory_space<vmem>>
    %dma_wait3A_25 = tpu.memref_squeeze %dma_wait3A_24 : memref<1x72xi32, #tpu.memory_space<vmem>> -> memref<72xi32, #tpu.memory_space<vmem>>
    %dma_wait3A_26 = arith.constant 0 : i32
    %dma_wait3A_27 = arith.constant 0 : i32
    %dma_wait3A_28 = tpu.memref_slice %arg2[%dma_wait3A_26, %dma_wait3A_27] : memref<8192x256xf32, #tpu.memory_space<hbm>> -> memref<8192x256xf32, #tpu.memory_space<hbm>>
    tpu.wait_indirect_dma semaphore(%arg7 : memref<!tpu.dma_semaphore, #tpu.memory_space<semaphore_mem>>) src(%dma_wait3A_28 : memref<8192x256xf32, #tpu.memory_space<hbm>>) dst(%dma_wait3A_22 : memref<72x256xf32, #tpu.memory_space<vmem>>)
    %dma_wait3A_29 = arith.constant 1 : i32
    %dma_wait3A_30 = arith.constant 72 : i32
    %dma_wait3A_31 = arith.constant 0 : i32
    %dma_wait3A_32 = tpu.memref_slice %arg6[%dma_wait3A_30, %dma_wait3A_31] : memref<144x256xf32, #tpu.memory_space<vmem>> -> memref<72x256xf32, #tpu.memory_space<vmem>>
    %dma_wait3A_33 = arith.constant 0 : i32
    %dma_wait3A_34 = tpu.memref_slice %arg5[%dma_wait3A_29, %dma_wait3A_33] : memref<2x72xi32, #tpu.memory_space<vmem>> -> memref<1x72xi32, #tpu.memory_space<vmem>>
    %dma_wait3A_35 = tpu.memref_squeeze %dma_wait3A_34 : memref<1x72xi32, #tpu.memory_space<vmem>> -> memref<72xi32, #tpu.memory_space<vmem>>
    %dma_wait3A_36 = arith.constant 0 : i32
    %dma_wait3A_37 = arith.constant 0 : i32
    %dma_wait3A_38 = tpu.memref_slice %arg2[%dma_wait3A_36, %dma_wait3A_37] : memref<8192x256xf32, #tpu.memory_space<hbm>> -> memref<8192x256xf32, #tpu.memory_space<hbm>>
    tpu.wait_indirect_dma semaphore(%arg7 : memref<!tpu.dma_semaphore, #tpu.memory_space<semaphore_mem>>) src(%dma_wait3A_38 : memref<8192x256xf32, #tpu.memory_space<hbm>>) dst(%dma_wait3A_32 : memref<72x256xf32, #tpu.memory_space<vmem>>)
    %mul3A_39 = arith.constant 144 : i32
    %mul3A_40 = arith.muli %add3A, %mul3A_39 : i32
    "tpu.region"() ({
      %run_scoped3A = tpu.sem_alloc : memref<!tpu.dma_semaphore, #tpu.memory_space<semaphore_mem>>
      %dma_start3A_41 = arith.constant 0 : i32
      %dma_start3A_42 = tpu.memref_slice %arg4[%mul3A_40, %dma_start3A_41] : memref<4608x256xf32, #tpu.memory_space<hbm>> -> memref<144x256xf32, #tpu.memory_space<hbm>>
      %dma_start3A_43 = arith.constant 0 : i32
      %dma_start3A_44 = tpu.memref_slice %arg4[%mul3A_40, %dma_start3A_43] : memref<4608x256xf32, #tpu.memory_space<hbm>> -> memref<144x256xf32, #tpu.memory_space<hbm>>
      tpu.enqueue_dma source(%arg6 : memref<144x256xf32, #tpu.memory_space<vmem>>) target(%dma_start3A_44 : memref<144x256xf32, #tpu.memory_space<hbm>>) target_semaphore(%run_scoped3A : memref<!tpu.dma_semaphore, #tpu.memory_space<semaphore_mem>>)
      %dma_wait3A_45 = arith.constant 0 : i32
      %dma_wait3A_46 = tpu.memref_slice %arg4[%mul3A_40, %dma_wait3A_45] : memref<4608x256xf32, #tpu.memory_space<hbm>> -> memref<144x256xf32, #tpu.memory_space<hbm>>
      %dma_wait3A_47 = arith.constant 0 : i32
      %dma_wait3A_48 = tpu.memref_slice %arg4[%mul3A_40, %dma_wait3A_47] : memref<4608x256xf32, #tpu.memory_space<hbm>> -> memref<144x256xf32, #tpu.memory_space<hbm>>
      tpu.wait_dma2 semaphore(%run_scoped3A : memref<!tpu.dma_semaphore, #tpu.memory_space<semaphore_mem>>) src(%arg6 : memref<144x256xf32, #tpu.memory_space<vmem>>) dst(%dma_wait3A_48 : memref<144x256xf32, #tpu.memory_space<hbm>>)
      tpu.yield
    }) : () -> ()
    return
  }
}

#map = affine_map<(d0, d1) -> (0, 0)>
#map1 = affine_map<(d0, d1) -> (0, 0, 0)>
module attributes {stable_mosaic.version = 14 : i64} {
  func.func @_sc_gather(%arg0: i32, %arg1: i32, %arg2: memref<8192x256xf32, #tpu.memory_space<hbm>>, %arg3: memref<32x2x72xi32, #tpu.memory_space<hbm>>, %arg4: memref<4608x256xf32, #tpu.memory_space<hbm>>, %arg5: memref<2x72xi32, #tpu.memory_space<vmem>>, %arg6: memref<144x256xf32, #tpu.memory_space<vmem>>, %arg7: memref<!tpu.dma_semaphore, #tpu.memory_space<semaphore_mem>>) attributes {dimension_semantics = [#tpu.dimension_semantics<core_parallel>, #tpu.dimension_semantics<subcore_parallel>], iteration_bounds = array<i64: 2, 16>, scalar_prefetch = 0 : i64, scratch_operands = 3 : i64, tpu.core_type = #tpu.core_type<sc_vector_subcore>, window_params = [{transform_indices = #map}, {transform_indices = #map1}, {transform_indices = #map}]} {
    %mul3A = arith.constant 2 : i32
    %mul3A_0 = arith.muli %arg1, %mul3A : i32
    %add3A = arith.addi %mul3A_0, %arg0 : i32
    "tpu.region"() ({
      %run_scoped3A = tpu.sem_alloc : memref<!tpu.dma_semaphore, #tpu.memory_space<semaphore_mem>>
      %dma_start3A_41 = arith.constant 0 : i32
      %dma_start3A_42 = arith.constant 0 : i32
      %dma_start3A_43 = tpu.memref_slice %arg3[%add3A, %dma_start3A_41, %dma_start3A_42] : memref<32x2x72xi32, #tpu.memory_space<hbm>> -> memref<1x2x72xi32, #tpu.memory_space<hbm>>
      %dma_start3A_44 = tpu.memref_squeeze %dma_start3A_43 : memref<1x2x72xi32, #tpu.memory_space<hbm>> -> memref<2x72xi32, #tpu.memory_space<hbm>>
      %dma_start3A_45 = arith.constant 0 : i32
      %dma_start3A_46 = arith.constant 0 : i32
      %dma_start3A_47 = tpu.memref_slice %arg3[%add3A, %dma_start3A_45, %dma_start3A_46] : memref<32x2x72xi32, #tpu.memory_space<hbm>> -> memref<1x2x72xi32, #tpu.memory_space<hbm>>
      %dma_start3A_48 = tpu.memref_squeeze %dma_start3A_47 : memref<1x2x72xi32, #tpu.memory_space<hbm>> -> memref<2x72xi32, #tpu.memory_space<hbm>>
      tpu.enqueue_dma source(%dma_start3A_48 : memref<2x72xi32, #tpu.memory_space<hbm>>) target(%arg5 : memref<2x72xi32, #tpu.memory_space<vmem>>) target_semaphore(%run_scoped3A : memref<!tpu.dma_semaphore, #tpu.memory_space<semaphore_mem>>)
      %dma_wait3A_49 = arith.constant 0 : i32
      %dma_wait3A_50 = arith.constant 0 : i32
      %dma_wait3A_51 = tpu.memref_slice %arg3[%add3A, %dma_wait3A_49, %dma_wait3A_50] : memref<32x2x72xi32, #tpu.memory_space<hbm>> -> memref<1x2x72xi32, #tpu.memory_space<hbm>>
      %dma_wait3A_52 = tpu.memref_squeeze %dma_wait3A_51 : memref<1x2x72xi32, #tpu.memory_space<hbm>> -> memref<2x72xi32, #tpu.memory_space<hbm>>
      %dma_wait3A_53 = arith.constant 0 : i32
      %dma_wait3A_54 = arith.constant 0 : i32
      %dma_wait3A_55 = tpu.memref_slice %arg3[%add3A, %dma_wait3A_53, %dma_wait3A_54] : memref<32x2x72xi32, #tpu.memory_space<hbm>> -> memref<1x2x72xi32, #tpu.memory_space<hbm>>
      %dma_wait3A_56 = tpu.memref_squeeze %dma_wait3A_55 : memref<1x2x72xi32, #tpu.memory_space<hbm>> -> memref<2x72xi32, #tpu.memory_space<hbm>>
      tpu.wait_dma2 semaphore(%run_scoped3A : memref<!tpu.dma_semaphore, #tpu.memory_space<semaphore_mem>>) src(%dma_wait3A_56 : memref<2x72xi32, #tpu.memory_space<hbm>>) dst(%arg5 : memref<2x72xi32, #tpu.memory_space<vmem>>)
      tpu.yield
    }) : () -> ()
    %dma_start3A = arith.constant 0 : i32
    %dma_start3A_1 = arith.constant 0 : i32
    %dma_start3A_2 = arith.constant 0 : i32
    %dma_start3A_3 = tpu.memref_slice %arg6[%dma_start3A_1, %dma_start3A_2] : memref<144x256xf32, #tpu.memory_space<vmem>> -> memref<72x256xf32, #tpu.memory_space<vmem>>
    %dma_start3A_4 = arith.constant 0 : i32
    %dma_start3A_5 = tpu.memref_slice %arg5[%dma_start3A, %dma_start3A_4] : memref<2x72xi32, #tpu.memory_space<vmem>> -> memref<1x72xi32, #tpu.memory_space<vmem>>
    %dma_start3A_6 = tpu.memref_squeeze %dma_start3A_5 : memref<1x72xi32, #tpu.memory_space<vmem>> -> memref<72xi32, #tpu.memory_space<vmem>>
    %dma_start3A_7 = arith.constant 0 : i32
    %dma_start3A_8 = arith.constant 0 : i32
    %dma_start3A_9 = tpu.memref_slice %arg2[%dma_start3A_7, %dma_start3A_8] : memref<8192x256xf32, #tpu.memory_space<hbm>> -> memref<8192x256xf32, #tpu.memory_space<hbm>>
    tpu.enqueue_indirect_dma source(%dma_start3A_9 : memref<8192x256xf32, #tpu.memory_space<hbm>>) target(%dma_start3A_3 : memref<72x256xf32, #tpu.memory_space<vmem>>) offsets(%dma_start3A_6 : memref<72xi32, #tpu.memory_space<vmem>>) semaphore(%arg7 : memref<!tpu.dma_semaphore, #tpu.memory_space<semaphore_mem>>)
    %dma_start3A_10 = arith.constant 1 : i32
    %dma_start3A_11 = arith.constant 72 : i32
    %dma_start3A_12 = arith.constant 0 : i32
    %dma_start3A_13 = tpu.memref_slice %arg6[%dma_start3A_11, %dma_start3A_12] : memref<144x256xf32, #tpu.memory_space<vmem>> -> memref<72x256xf32, #tpu.memory_space<vmem>>
    %dma_start3A_14 = arith.constant 0 : i32
    %dma_start3A_15 = tpu.memref_slice %arg5[%dma_start3A_10, %dma_start3A_14] : memref<2x72xi32, #tpu.memory_space<vmem>> -> memref<1x72xi32, #tpu.memory_space<vmem>>
    %dma_start3A_16 = tpu.memref_squeeze %dma_start3A_15 : memref<1x72xi32, #tpu.memory_space<vmem>> -> memref<72xi32, #tpu.memory_space<vmem>>
    %dma_start3A_17 = arith.constant 0 : i32
    %dma_start3A_18 = arith.constant 0 : i32
    %dma_start3A_19 = tpu.memref_slice %arg2[%dma_start3A_17, %dma_start3A_18] : memref<8192x256xf32, #tpu.memory_space<hbm>> -> memref<8192x256xf32, #tpu.memory_space<hbm>>
    tpu.enqueue_indirect_dma source(%dma_start3A_19 : memref<8192x256xf32, #tpu.memory_space<hbm>>) target(%dma_start3A_13 : memref<72x256xf32, #tpu.memory_space<vmem>>) offsets(%dma_start3A_16 : memref<72xi32, #tpu.memory_space<vmem>>) semaphore(%arg7 : memref<!tpu.dma_semaphore, #tpu.memory_space<semaphore_mem>>)
    %dma_wait3A = arith.constant 0 : i32
    %dma_wait3A_20 = arith.constant 0 : i32
    %dma_wait3A_21 = arith.constant 0 : i32
    %dma_wait3A_22 = tpu.memref_slice %arg6[%dma_wait3A_20, %dma_wait3A_21] : memref<144x256xf32, #tpu.memory_space<vmem>> -> memref<72x256xf32, #tpu.memory_space<vmem>>
    %dma_wait3A_23 = arith.constant 0 : i32
    %dma_wait3A_24 = tpu.memref_slice %arg5[%dma_wait3A, %dma_wait3A_23] : memref<2x72xi32, #tpu.memory_space<vmem>> -> memref<1x72xi32, #tpu.memory_space<vmem>>
    %dma_wait3A_25 = tpu.memref_squeeze %dma_wait3A_24 : memref<1x72xi32, #tpu.memory_space<vmem>> -> memref<72xi32, #tpu.memory_space<vmem>>
    %dma_wait3A_26 = arith.constant 0 : i32
    %dma_wait3A_27 = arith.constant 0 : i32
    %dma_wait3A_28 = tpu.memref_slice %arg2[%dma_wait3A_26, %dma_wait3A_27] : memref<8192x256xf32, #tpu.memory_space<hbm>> -> memref<8192x256xf32, #tpu.memory_space<hbm>>
    tpu.wait_indirect_dma semaphore(%arg7 : memref<!tpu.dma_semaphore, #tpu.memory_space<semaphore_mem>>) src(%dma_wait3A_28 : memref<8192x256xf32, #tpu.memory_space<hbm>>) dst(%dma_wait3A_22 : memref<72x256xf32, #tpu.memory_space<vmem>>)
    %dma_wait3A_29 = arith.constant 1 : i32
    %dma_wait3A_30 = arith.constant 72 : i32
    %dma_wait3A_31 = arith.constant 0 : i32
    %dma_wait3A_32 = tpu.memref_slice %arg6[%dma_wait3A_30, %dma_wait3A_31] : memref<144x256xf32, #tpu.memory_space<vmem>> -> memref<72x256xf32, #tpu.memory_space<vmem>>
    %dma_wait3A_33 = arith.constant 0 : i32
    %dma_wait3A_34 = tpu.memref_slice %arg5[%dma_wait3A_29, %dma_wait3A_33] : memref<2x72xi32, #tpu.memory_space<vmem>> -> memref<1x72xi32, #tpu.memory_space<vmem>>
    %dma_wait3A_35 = tpu.memref_squeeze %dma_wait3A_34 : memref<1x72xi32, #tpu.memory_space<vmem>> -> memref<72xi32, #tpu.memory_space<vmem>>
    %dma_wait3A_36 = arith.constant 0 : i32
    %dma_wait3A_37 = arith.constant 0 : i32
    %dma_wait3A_38 = tpu.memref_slice %arg2[%dma_wait3A_36, %dma_wait3A_37] : memref<8192x256xf32, #tpu.memory_space<hbm>> -> memref<8192x256xf32, #tpu.memory_space<hbm>>
    tpu.wait_indirect_dma semaphore(%arg7 : memref<!tpu.dma_semaphore, #tpu.memory_space<semaphore_mem>>) src(%dma_wait3A_38 : memref<8192x256xf32, #tpu.memory_space<hbm>>) dst(%dma_wait3A_32 : memref<72x256xf32, #tpu.memory_space<vmem>>)
    %mul3A_39 = arith.constant 144 : i32
    %mul3A_40 = arith.muli %add3A, %mul3A_39 : i32
    "tpu.region"() ({
      %run_scoped3A = tpu.sem_alloc : memref<!tpu.dma_semaphore, #tpu.memory_space<semaphore_mem>>
      %dma_start3A_41 = arith.constant 0 : i32
      %dma_start3A_42 = tpu.memref_slice %arg4[%mul3A_40, %dma_start3A_41] : memref<4608x256xf32, #tpu.memory_space<hbm>> -> memref<144x256xf32, #tpu.memory_space<hbm>>
      %dma_start3A_43 = arith.constant 0 : i32
      %dma_start3A_44 = tpu.memref_slice %arg4[%mul3A_40, %dma_start3A_43] : memref<4608x256xf32, #tpu.memory_space<hbm>> -> memref<144x256xf32, #tpu.memory_space<hbm>>
      tpu.enqueue_dma source(%arg6 : memref<144x256xf32, #tpu.memory_space<vmem>>) target(%dma_start3A_44 : memref<144x256xf32, #tpu.memory_space<hbm>>) target_semaphore(%run_scoped3A : memref<!tpu.dma_semaphore, #tpu.memory_space<semaphore_mem>>)
      %dma_wait3A_45 = arith.constant 0 : i32
      %dma_wait3A_46 = tpu.memref_slice %arg4[%mul3A_40, %dma_wait3A_45] : memref<4608x256xf32, #tpu.memory_space<hbm>> -> memref<144x256xf32, #tpu.memory_space<hbm>>
      %dma_wait3A_47 = arith.constant 0 : i32
      %dma_wait3A_48 = tpu.memref_slice %arg4[%mul3A_40, %dma_wait3A_47] : memref<4608x256xf32, #tpu.memory_space<hbm>> -> memref<144x256xf32, #tpu.memory_space<hbm>>
      tpu.wait_dma2 semaphore(%run_scoped3A : memref<!tpu.dma_semaphore, #tpu.memory_space<semaphore_mem>>) src(%arg6 : memref<144x256xf32, #tpu.memory_space<vmem>>) dst(%dma_wait3A_48 : memref<144x256xf32, #tpu.memory_space<hbm>>)
      tpu.yield
    }) : () -> ()
    return
  }
}

#map = affine_map<(d0, d1) -> (0, 0)>
#map1 = affine_map<(d0, d1) -> (0, 0, 0)>
module attributes {stable_mosaic.version = 14 : i64} {
  func.func @_sc_gather(%arg0: i32, %arg1: i32, %arg2: memref<8192x256xf32, #tpu.memory_space<hbm>>, %arg3: memref<32x2x72xi32, #tpu.memory_space<hbm>>, %arg4: memref<4608x256xf32, #tpu.memory_space<hbm>>, %arg5: memref<2x72xi32, #tpu.memory_space<vmem>>, %arg6: memref<144x256xf32, #tpu.memory_space<vmem>>, %arg7: memref<!tpu.dma_semaphore, #tpu.memory_space<semaphore_mem>>) attributes {dimension_semantics = [#tpu.dimension_semantics<core_parallel>, #tpu.dimension_semantics<subcore_parallel>], iteration_bounds = array<i64: 2, 16>, scalar_prefetch = 0 : i64, scratch_operands = 3 : i64, tpu.core_type = #tpu.core_type<sc_vector_subcore>, window_params = [{transform_indices = #map}, {transform_indices = #map1}, {transform_indices = #map}]} {
    %mul3A = arith.constant 2 : i32
    %mul3A_0 = arith.muli %arg1, %mul3A : i32
    %add3A = arith.addi %mul3A_0, %arg0 : i32
    "tpu.region"() ({
      %run_scoped3A = tpu.sem_alloc : memref<!tpu.dma_semaphore, #tpu.memory_space<semaphore_mem>>
      %dma_start3A_41 = arith.constant 0 : i32
      %dma_start3A_42 = arith.constant 0 : i32
      %dma_start3A_43 = tpu.memref_slice %arg3[%add3A, %dma_start3A_41, %dma_start3A_42] : memref<32x2x72xi32, #tpu.memory_space<hbm>> -> memref<1x2x72xi32, #tpu.memory_space<hbm>>
      %dma_start3A_44 = tpu.memref_squeeze %dma_start3A_43 : memref<1x2x72xi32, #tpu.memory_space<hbm>> -> memref<2x72xi32, #tpu.memory_space<hbm>>
      %dma_start3A_45 = arith.constant 0 : i32
      %dma_start3A_46 = arith.constant 0 : i32
      %dma_start3A_47 = tpu.memref_slice %arg3[%add3A, %dma_start3A_45, %dma_start3A_46] : memref<32x2x72xi32, #tpu.memory_space<hbm>> -> memref<1x2x72xi32, #tpu.memory_space<hbm>>
      %dma_start3A_48 = tpu.memref_squeeze %dma_start3A_47 : memref<1x2x72xi32, #tpu.memory_space<hbm>> -> memref<2x72xi32, #tpu.memory_space<hbm>>
      tpu.enqueue_dma source(%dma_start3A_48 : memref<2x72xi32, #tpu.memory_space<hbm>>) target(%arg5 : memref<2x72xi32, #tpu.memory_space<vmem>>) target_semaphore(%run_scoped3A : memref<!tpu.dma_semaphore, #tpu.memory_space<semaphore_mem>>)
      %dma_wait3A_49 = arith.constant 0 : i32
      %dma_wait3A_50 = arith.constant 0 : i32
      %dma_wait3A_51 = tpu.memref_slice %arg3[%add3A, %dma_wait3A_49, %dma_wait3A_50] : memref<32x2x72xi32, #tpu.memory_space<hbm>> -> memref<1x2x72xi32, #tpu.memory_space<hbm>>
      %dma_wait3A_52 = tpu.memref_squeeze %dma_wait3A_51 : memref<1x2x72xi32, #tpu.memory_space<hbm>> -> memref<2x72xi32, #tpu.memory_space<hbm>>
      %dma_wait3A_53 = arith.constant 0 : i32
      %dma_wait3A_54 = arith.constant 0 : i32
      %dma_wait3A_55 = tpu.memref_slice %arg3[%add3A, %dma_wait3A_53, %dma_wait3A_54] : memref<32x2x72xi32, #tpu.memory_space<hbm>> -> memref<1x2x72xi32, #tpu.memory_space<hbm>>
      %dma_wait3A_56 = tpu.memref_squeeze %dma_wait3A_55 : memref<1x2x72xi32, #tpu.memory_space<hbm>> -> memref<2x72xi32, #tpu.memory_space<hbm>>
      tpu.wait_dma2 semaphore(%run_scoped3A : memref<!tpu.dma_semaphore, #tpu.memory_space<semaphore_mem>>) src(%dma_wait3A_56 : memref<2x72xi32, #tpu.memory_space<hbm>>) dst(%arg5 : memref<2x72xi32, #tpu.memory_space<vmem>>)
      tpu.yield
    }) : () -> ()
    %dma_start3A = arith.constant 0 : i32
    %dma_start3A_1 = arith.constant 0 : i32
    %dma_start3A_2 = arith.constant 0 : i32
    %dma_start3A_3 = tpu.memref_slice %arg6[%dma_start3A_1, %dma_start3A_2] : memref<144x256xf32, #tpu.memory_space<vmem>> -> memref<72x256xf32, #tpu.memory_space<vmem>>
    %dma_start3A_4 = arith.constant 0 : i32
    %dma_start3A_5 = tpu.memref_slice %arg5[%dma_start3A, %dma_start3A_4] : memref<2x72xi32, #tpu.memory_space<vmem>> -> memref<1x72xi32, #tpu.memory_space<vmem>>
    %dma_start3A_6 = tpu.memref_squeeze %dma_start3A_5 : memref<1x72xi32, #tpu.memory_space<vmem>> -> memref<72xi32, #tpu.memory_space<vmem>>
    %dma_start3A_7 = arith.constant 0 : i32
    %dma_start3A_8 = arith.constant 0 : i32
    %dma_start3A_9 = tpu.memref_slice %arg2[%dma_start3A_7, %dma_start3A_8] : memref<8192x256xf32, #tpu.memory_space<hbm>> -> memref<8192x256xf32, #tpu.memory_space<hbm>>
    tpu.enqueue_indirect_dma source(%dma_start3A_9 : memref<8192x256xf32, #tpu.memory_space<hbm>>) target(%dma_start3A_3 : memref<72x256xf32, #tpu.memory_space<vmem>>) offsets(%dma_start3A_6 : memref<72xi32, #tpu.memory_space<vmem>>) semaphore(%arg7 : memref<!tpu.dma_semaphore, #tpu.memory_space<semaphore_mem>>)
    %dma_start3A_10 = arith.constant 1 : i32
    %dma_start3A_11 = arith.constant 72 : i32
    %dma_start3A_12 = arith.constant 0 : i32
    %dma_start3A_13 = tpu.memref_slice %arg6[%dma_start3A_11, %dma_start3A_12] : memref<144x256xf32, #tpu.memory_space<vmem>> -> memref<72x256xf32, #tpu.memory_space<vmem>>
    %dma_start3A_14 = arith.constant 0 : i32
    %dma_start3A_15 = tpu.memref_slice %arg5[%dma_start3A_10, %dma_start3A_14] : memref<2x72xi32, #tpu.memory_space<vmem>> -> memref<1x72xi32, #tpu.memory_space<vmem>>
    %dma_start3A_16 = tpu.memref_squeeze %dma_start3A_15 : memref<1x72xi32, #tpu.memory_space<vmem>> -> memref<72xi32, #tpu.memory_space<vmem>>
    %dma_start3A_17 = arith.constant 0 : i32
    %dma_start3A_18 = arith.constant 0 : i32
    %dma_start3A_19 = tpu.memref_slice %arg2[%dma_start3A_17, %dma_start3A_18] : memref<8192x256xf32, #tpu.memory_space<hbm>> -> memref<8192x256xf32, #tpu.memory_space<hbm>>
    tpu.enqueue_indirect_dma source(%dma_start3A_19 : memref<8192x256xf32, #tpu.memory_space<hbm>>) target(%dma_start3A_13 : memref<72x256xf32, #tpu.memory_space<vmem>>) offsets(%dma_start3A_16 : memref<72xi32, #tpu.memory_space<vmem>>) semaphore(%arg7 : memref<!tpu.dma_semaphore, #tpu.memory_space<semaphore_mem>>)
    %dma_wait3A = arith.constant 0 : i32
    %dma_wait3A_20 = arith.constant 0 : i32
    %dma_wait3A_21 = arith.constant 0 : i32
    %dma_wait3A_22 = tpu.memref_slice %arg6[%dma_wait3A_20, %dma_wait3A_21] : memref<144x256xf32, #tpu.memory_space<vmem>> -> memref<72x256xf32, #tpu.memory_space<vmem>>
    %dma_wait3A_23 = arith.constant 0 : i32
    %dma_wait3A_24 = tpu.memref_slice %arg5[%dma_wait3A, %dma_wait3A_23] : memref<2x72xi32, #tpu.memory_space<vmem>> -> memref<1x72xi32, #tpu.memory_space<vmem>>
    %dma_wait3A_25 = tpu.memref_squeeze %dma_wait3A_24 : memref<1x72xi32, #tpu.memory_space<vmem>> -> memref<72xi32, #tpu.memory_space<vmem>>
    %dma_wait3A_26 = arith.constant 0 : i32
    %dma_wait3A_27 = arith.constant 0 : i32
    %dma_wait3A_28 = tpu.memref_slice %arg2[%dma_wait3A_26, %dma_wait3A_27] : memref<8192x256xf32, #tpu.memory_space<hbm>> -> memref<8192x256xf32, #tpu.memory_space<hbm>>
    tpu.wait_indirect_dma semaphore(%arg7 : memref<!tpu.dma_semaphore, #tpu.memory_space<semaphore_mem>>) src(%dma_wait3A_28 : memref<8192x256xf32, #tpu.memory_space<hbm>>) dst(%dma_wait3A_22 : memref<72x256xf32, #tpu.memory_space<vmem>>)
    %dma_wait3A_29 = arith.constant 1 : i32
    %dma_wait3A_30 = arith.constant 72 : i32
    %dma_wait3A_31 = arith.constant 0 : i32
    %dma_wait3A_32 = tpu.memref_slice %arg6[%dma_wait3A_30, %dma_wait3A_31] : memref<144x256xf32, #tpu.memory_space<vmem>> -> memref<72x256xf32, #tpu.memory_space<vmem>>
    %dma_wait3A_33 = arith.constant 0 : i32
    %dma_wait3A_34 = tpu.memref_slice %arg5[%dma_wait3A_29, %dma_wait3A_33] : memref<2x72xi32, #tpu.memory_space<vmem>> -> memref<1x72xi32, #tpu.memory_space<vmem>>
    %dma_wait3A_35 = tpu.memref_squeeze %dma_wait3A_34 : memref<1x72xi32, #tpu.memory_space<vmem>> -> memref<72xi32, #tpu.memory_space<vmem>>
    %dma_wait3A_36 = arith.constant 0 : i32
    %dma_wait3A_37 = arith.constant 0 : i32
    %dma_wait3A_38 = tpu.memref_slice %arg2[%dma_wait3A_36, %dma_wait3A_37] : memref<8192x256xf32, #tpu.memory_space<hbm>> -> memref<8192x256xf32, #tpu.memory_space<hbm>>
    tpu.wait_indirect_dma semaphore(%arg7 : memref<!tpu.dma_semaphore, #tpu.memory_space<semaphore_mem>>) src(%dma_wait3A_38 : memref<8192x256xf32, #tpu.memory_space<hbm>>) dst(%dma_wait3A_32 : memref<72x256xf32, #tpu.memory_space<vmem>>)
    %mul3A_39 = arith.constant 144 : i32
    %mul3A_40 = arith.muli %add3A, %mul3A_39 : i32
    "tpu.region"() ({
      %run_scoped3A = tpu.sem_alloc : memref<!tpu.dma_semaphore, #tpu.memory_space<semaphore_mem>>
      %dma_start3A_41 = arith.constant 0 : i32
      %dma_start3A_42 = tpu.memref_slice %arg4[%mul3A_40, %dma_start3A_41] : memref<4608x256xf32, #tpu.memory_space<hbm>> -> memref<144x256xf32, #tpu.memory_space<hbm>>
      %dma_start3A_43 = arith.constant 0 : i32
      %dma_start3A_44 = tpu.memref_slice %arg4[%mul3A_40, %dma_start3A_43] : memref<4608x256xf32, #tpu.memory_space<hbm>> -> memref<144x256xf32, #tpu.memory_space<hbm>>
      tpu.enqueue_dma source(%arg6 : memref<144x256xf32, #tpu.memory_space<vmem>>) target(%dma_start3A_44 : memref<144x256xf32, #tpu.memory_space<hbm>>) target_semaphore(%run_scoped3A : memref<!tpu.dma_semaphore, #tpu.memory_space<semaphore_mem>>)
      %dma_wait3A_45 = arith.constant 0 : i32
      %dma_wait3A_46 = tpu.memref_slice %arg4[%mul3A_40, %dma_wait3A_45] : memref<4608x256xf32, #tpu.memory_space<hbm>> -> memref<144x256xf32, #tpu.memory_space<hbm>>
      %dma_wait3A_47 = arith.constant 0 : i32
      %dma_wait3A_48 = tpu.memref_slice %arg4[%mul3A_40, %dma_wait3A_47] : memref<4608x256xf32, #tpu.memory_space<hbm>> -> memref<144x256xf32, #tpu.memory_space<hbm>>
      tpu.wait_dma2 semaphore(%run_scoped3A : memref<!tpu.dma_semaphore, #tpu.memory_space<semaphore_mem>>) src(%arg6 : memref<144x256xf32, #tpu.memory_space<vmem>>) dst(%dma_wait3A_48 : memref<144x256xf32, #tpu.memory_space<hbm>>)
      tpu.yield
    }) : () -> ()
    return
  }
}

#map = affine_map<(d0, d1) -> (0, 0)>
#map1 = affine_map<(d0, d1) -> (0, 0, 0)>
module attributes {stable_mosaic.version = 14 : i64} {
  func.func @_sc_gather_hist(%arg0: i32, %arg1: i32, %arg2: memref<8192x256xf32, #tpu.memory_space<hbm>>, %arg3: memref<32x2x72xi32, #tpu.memory_space<hbm>>, %arg4: memref<32x144xi32, #tpu.memory_space<hbm>>, %arg5: memref<32x144xi32, #tpu.memory_space<hbm>>, %arg6: memref<32x144xi32, #tpu.memory_space<hbm>>, %arg7: memref<32x144xi32, #tpu.memory_space<hbm>>, %arg8: memref<4608x256xf32, #tpu.memory_space<hbm>>, %arg9: memref<32x8192xf32, #tpu.memory_space<hbm>>, %arg10: memref<2x72xi32, #tpu.memory_space<vmem>>, %arg11: memref<144x256xf32, #tpu.memory_space<vmem>>, %arg12: memref<144xi32, #tpu.memory_space<vmem>>, %arg13: memref<8192xf32, #tpu.memory_space<vmem>>, %arg14: memref<!tpu.dma_semaphore, #tpu.memory_space<semaphore_mem>>) attributes {dimension_semantics = [#tpu.dimension_semantics<core_parallel>, #tpu.dimension_semantics<subcore_parallel>], iteration_bounds = array<i64: 2, 16>, scalar_prefetch = 0 : i64, scratch_operands = 5 : i64, tpu.core_type = #tpu.core_type<sc_vector_subcore>, window_params = [{transform_indices = #map}, {transform_indices = #map1}, {transform_indices = #map}, {transform_indices = #map}, {transform_indices = #map}, {transform_indices = #map}, {transform_indices = #map}, {transform_indices = #map}]} {
    %mul3A = arith.constant 2 : i32
    %mul3A_0 = arith.muli %arg1, %mul3A : i32
    %add3A = arith.addi %mul3A_0, %arg0 : i32
    "tpu.region"() ({
      %run_scoped3A = tpu.sem_alloc : memref<!tpu.dma_semaphore, #tpu.memory_space<semaphore_mem>>
      %dma_start3A_73 = arith.constant 0 : i32
      %dma_start3A_74 = arith.constant 0 : i32
      %dma_start3A_75 = tpu.memref_slice %arg3[%add3A, %dma_start3A_73, %dma_start3A_74] : memref<32x2x72xi32, #tpu.memory_space<hbm>> -> memref<1x2x72xi32, #tpu.memory_space<hbm>>
      %dma_start3A_76 = tpu.memref_squeeze %dma_start3A_75 : memref<1x2x72xi32, #tpu.memory_space<hbm>> -> memref<2x72xi32, #tpu.memory_space<hbm>>
      %dma_start3A_77 = arith.constant 0 : i32
      %dma_start3A_78 = arith.constant 0 : i32
      %dma_start3A_79 = tpu.memref_slice %arg3[%add3A, %dma_start3A_77, %dma_start3A_78] : memref<32x2x72xi32, #tpu.memory_space<hbm>> -> memref<1x2x72xi32, #tpu.memory_space<hbm>>
      %dma_start3A_80 = tpu.memref_squeeze %dma_start3A_79 : memref<1x2x72xi32, #tpu.memory_space<hbm>> -> memref<2x72xi32, #tpu.memory_space<hbm>>
      tpu.enqueue_dma source(%dma_start3A_80 : memref<2x72xi32, #tpu.memory_space<hbm>>) target(%arg10 : memref<2x72xi32, #tpu.memory_space<vmem>>) target_semaphore(%run_scoped3A : memref<!tpu.dma_semaphore, #tpu.memory_space<semaphore_mem>>)
      %dma_wait3A_81 = arith.constant 0 : i32
      %dma_wait3A_82 = arith.constant 0 : i32
      %dma_wait3A_83 = tpu.memref_slice %arg3[%add3A, %dma_wait3A_81, %dma_wait3A_82] : memref<32x2x72xi32, #tpu.memory_space<hbm>> -> memref<1x2x72xi32, #tpu.memory_space<hbm>>
      %dma_wait3A_84 = tpu.memref_squeeze %dma_wait3A_83 : memref<1x2x72xi32, #tpu.memory_space<hbm>> -> memref<2x72xi32, #tpu.memory_space<hbm>>
      %dma_wait3A_85 = arith.constant 0 : i32
      %dma_wait3A_86 = arith.constant 0 : i32
      %dma_wait3A_87 = tpu.memref_slice %arg3[%add3A, %dma_wait3A_85, %dma_wait3A_86] : memref<32x2x72xi32, #tpu.memory_space<hbm>> -> memref<1x2x72xi32, #tpu.memory_space<hbm>>
      %dma_wait3A_88 = tpu.memref_squeeze %dma_wait3A_87 : memref<1x2x72xi32, #tpu.memory_space<hbm>> -> memref<2x72xi32, #tpu.memory_space<hbm>>
      tpu.wait_dma2 semaphore(%run_scoped3A : memref<!tpu.dma_semaphore, #tpu.memory_space<semaphore_mem>>) src(%dma_wait3A_88 : memref<2x72xi32, #tpu.memory_space<hbm>>) dst(%arg10 : memref<2x72xi32, #tpu.memory_space<vmem>>)
      tpu.yield
    }) : () -> ()
    %dma_start3A = arith.constant 0 : i32
    %dma_start3A_1 = arith.constant 0 : i32
    %dma_start3A_2 = arith.constant 0 : i32
    %dma_start3A_3 = tpu.memref_slice %arg11[%dma_start3A_1, %dma_start3A_2] : memref<144x256xf32, #tpu.memory_space<vmem>> -> memref<72x256xf32, #tpu.memory_space<vmem>>
    %dma_start3A_4 = arith.constant 0 : i32
    %dma_start3A_5 = tpu.memref_slice %arg10[%dma_start3A, %dma_start3A_4] : memref<2x72xi32, #tpu.memory_space<vmem>> -> memref<1x72xi32, #tpu.memory_space<vmem>>
    %dma_start3A_6 = tpu.memref_squeeze %dma_start3A_5 : memref<1x72xi32, #tpu.memory_space<vmem>> -> memref<72xi32, #tpu.memory_space<vmem>>
    %dma_start3A_7 = arith.constant 0 : i32
    %dma_start3A_8 = arith.constant 0 : i32
    %dma_start3A_9 = tpu.memref_slice %arg2[%dma_start3A_7, %dma_start3A_8] : memref<8192x256xf32, #tpu.memory_space<hbm>> -> memref<8192x256xf32, #tpu.memory_space<hbm>>
    tpu.enqueue_indirect_dma source(%dma_start3A_9 : memref<8192x256xf32, #tpu.memory_space<hbm>>) target(%dma_start3A_3 : memref<72x256xf32, #tpu.memory_space<vmem>>) offsets(%dma_start3A_6 : memref<72xi32, #tpu.memory_space<vmem>>) semaphore(%arg14 : memref<!tpu.dma_semaphore, #tpu.memory_space<semaphore_mem>>)
    %dma_start3A_10 = arith.constant 1 : i32
    %dma_start3A_11 = arith.constant 72 : i32
    %dma_start3A_12 = arith.constant 0 : i32
    %dma_start3A_13 = tpu.memref_slice %arg11[%dma_start3A_11, %dma_start3A_12] : memref<144x256xf32, #tpu.memory_space<vmem>> -> memref<72x256xf32, #tpu.memory_space<vmem>>
    %dma_start3A_14 = arith.constant 0 : i32
    %dma_start3A_15 = tpu.memref_slice %arg10[%dma_start3A_10, %dma_start3A_14] : memref<2x72xi32, #tpu.memory_space<vmem>> -> memref<1x72xi32, #tpu.memory_space<vmem>>
    %dma_start3A_16 = tpu.memref_squeeze %dma_start3A_15 : memref<1x72xi32, #tpu.memory_space<vmem>> -> memref<72xi32, #tpu.memory_space<vmem>>
    %dma_start3A_17 = arith.constant 0 : i32
    %dma_start3A_18 = arith.constant 0 : i32
    %dma_start3A_19 = tpu.memref_slice %arg2[%dma_start3A_17, %dma_start3A_18] : memref<8192x256xf32, #tpu.memory_space<hbm>> -> memref<8192x256xf32, #tpu.memory_space<hbm>>
    tpu.enqueue_indirect_dma source(%dma_start3A_19 : memref<8192x256xf32, #tpu.memory_space<hbm>>) target(%dma_start3A_13 : memref<72x256xf32, #tpu.memory_space<vmem>>) offsets(%dma_start3A_16 : memref<72xi32, #tpu.memory_space<vmem>>) semaphore(%arg14 : memref<!tpu.dma_semaphore, #tpu.memory_space<semaphore_mem>>)
    %broadcast_in_dim3A = arith.constant 0.000000e+00 : f32
    %broadcast_in_dim3A_20 = vector.broadcast %broadcast_in_dim3A : f32 to vector<16xf32>
    %scan3A = arith.constant 0 : i32
    %scan3A_21 = arith.constant 0 : i32
    %scan3A_22 = arith.constant 512 : i32
    %scan3A_23 = arith.addi %scan3A_21, %scan3A_22 : i32
    %scan3A_24 = arith.constant 1 : i32
    scf.for %scan3A_73 = %scan3A_21 to %scan3A_23 step %scan3A_24  : i32 {
      %mul3A_74 = arith.constant 16 : i32
      %mul3A_75 = arith.muli %scan3A_73, %mul3A_74 : i32
      %swap3A = arith.index_cast %mul3A_75 : i32 to index
      %swap3A_76 = tpu.vector_load %arg13[%swap3A] {strides = array<i32>} : memref<8192xf32, #tpu.memory_space<vmem>>, vector<16xf32>,
      tpu.vector_store %arg13[%swap3A], %broadcast_in_dim3A_20 {strides = array<i32>} : memref<8192xf32, #tpu.memory_space<vmem>>, vector<16xf32>,
    }
    %scan3A_25 = arith.constant 512 : i32
    %broadcast_in_dim3A_26 = arith.constant 1.000000e+00 : f32
    %broadcast_in_dim3A_27 = vector.broadcast %broadcast_in_dim3A_26 : f32 to vector<16xf32>
    "tpu.region"() ({
      %run_scoped3A = tpu.sem_alloc : memref<!tpu.dma_semaphore, #tpu.memory_space<semaphore_mem>>
      %dma_start3A_73 = arith.constant 0 : i32
      %dma_start3A_74 = tpu.memref_slice %arg4[%add3A, %dma_start3A_73] : memref<32x144xi32, #tpu.memory_space<hbm>> -> memref<1x144xi32, #tpu.memory_space<hbm>>
      %dma_start3A_75 = tpu.memref_squeeze %dma_start3A_74 : memref<1x144xi32, #tpu.memory_space<hbm>> -> memref<144xi32, #tpu.memory_space<hbm>>
      %dma_start3A_76 = arith.constant 0 : i32
      %dma_start3A_77 = tpu.memref_slice %arg4[%add3A, %dma_start3A_76] : memref<32x144xi32, #tpu.memory_space<hbm>> -> memref<1x144xi32, #tpu.memory_space<hbm>>
      %dma_start3A_78 = tpu.memref_squeeze %dma_start3A_77 : memref<1x144xi32, #tpu.memory_space<hbm>> -> memref<144xi32, #tpu.memory_space<hbm>>
      tpu.enqueue_dma source(%dma_start3A_78 : memref<144xi32, #tpu.memory_space<hbm>>) target(%arg12 : memref<144xi32, #tpu.memory_space<vmem>>) target_semaphore(%run_scoped3A : memref<!tpu.dma_semaphore, #tpu.memory_space<semaphore_mem>>)
      %dma_wait3A_79 = arith.constant 0 : i32
      %dma_wait3A_80 = tpu.memref_slice %arg4[%add3A, %dma_wait3A_79] : memref<32x144xi32, #tpu.memory_space<hbm>> -> memref<1x144xi32, #tpu.memory_space<hbm>>
      %dma_wait3A_81 = tpu.memref_squeeze %dma_wait3A_80 : memref<1x144xi32, #tpu.memory_space<hbm>> -> memref<144xi32, #tpu.memory_space<hbm>>
      %dma_wait3A_82 = arith.constant 0 : i32
      %dma_wait3A_83 = tpu.memref_slice %arg4[%add3A, %dma_wait3A_82] : memref<32x144xi32, #tpu.memory_space<hbm>> -> memref<1x144xi32, #tpu.memory_space<hbm>>
      %dma_wait3A_84 = tpu.memref_squeeze %dma_wait3A_83 : memref<1x144xi32, #tpu.memory_space<hbm>> -> memref<144xi32, #tpu.memory_space<hbm>>
      tpu.wait_dma2 semaphore(%run_scoped3A : memref<!tpu.dma_semaphore, #tpu.memory_space<semaphore_mem>>) src(%dma_wait3A_84 : memref<144xi32, #tpu.memory_space<hbm>>) dst(%arg12 : memref<144xi32, #tpu.memory_space<vmem>>)
      tpu.yield
    }) : () -> ()
    %scan3A_28 = arith.constant 0 : i32
    %scan3A_29 = arith.constant 0 : i32
    %scan3A_30 = arith.constant 9 : i32
    %scan3A_31 = arith.addi %scan3A_29, %scan3A_30 : i32
    %scan3A_32 = arith.constant 1 : i32
    scf.for %scan3A_73 = %scan3A_29 to %scan3A_31 step %scan3A_32  : i32 {
      %mul3A_74 = arith.constant 16 : i32
      %mul3A_75 = arith.muli %scan3A_73, %mul3A_74 : i32
      %get3A = arith.index_cast %mul3A_75 : i32 to index
      %get3A_76 = tpu.vector_load %arg12[%get3A] {strides = array<i32>} : memref<144xi32, #tpu.memory_space<vmem>>, vector<16xi32>,
      tpu.vector_store_idx %arg13[%get3A_76], %broadcast_in_dim3A_27 {add = true} : memref<8192xf32, #tpu.memory_space<vmem>>[vector<16xi32>], vector<16xf32>,
    }
    %scan3A_33 = arith.constant 9 : i32
    "tpu.region"() ({
      %run_scoped3A = tpu.sem_alloc : memref<!tpu.dma_semaphore, #tpu.memory_space<semaphore_mem>>
      %dma_start3A_73 = arith.constant 0 : i32
      %dma_start3A_74 = tpu.memref_slice %arg5[%add3A, %dma_start3A_73] : memref<32x144xi32, #tpu.memory_space<hbm>> -> memref<1x144xi32, #tpu.memory_space<hbm>>
      %dma_start3A_75 = tpu.memref_squeeze %dma_start3A_74 : memref<1x144xi32, #tpu.memory_space<hbm>> -> memref<144xi32, #tpu.memory_space<hbm>>
      %dma_start3A_76 = arith.constant 0 : i32
      %dma_start3A_77 = tpu.memref_slice %arg5[%add3A, %dma_start3A_76] : memref<32x144xi32, #tpu.memory_space<hbm>> -> memref<1x144xi32, #tpu.memory_space<hbm>>
      %dma_start3A_78 = tpu.memref_squeeze %dma_start3A_77 : memref<1x144xi32, #tpu.memory_space<hbm>> -> memref<144xi32, #tpu.memory_space<hbm>>
      tpu.enqueue_dma source(%dma_start3A_78 : memref<144xi32, #tpu.memory_space<hbm>>) target(%arg12 : memref<144xi32, #tpu.memory_space<vmem>>) target_semaphore(%run_scoped3A : memref<!tpu.dma_semaphore, #tpu.memory_space<semaphore_mem>>)
      %dma_wait3A_79 = arith.constant 0 : i32
      %dma_wait3A_80 = tpu.memref_slice %arg5[%add3A, %dma_wait3A_79] : memref<32x144xi32, #tpu.memory_space<hbm>> -> memref<1x144xi32, #tpu.memory_space<hbm>>
      %dma_wait3A_81 = tpu.memref_squeeze %dma_wait3A_80 : memref<1x144xi32, #tpu.memory_space<hbm>> -> memref<144xi32, #tpu.memory_space<hbm>>
      %dma_wait3A_82 = arith.constant 0 : i32
      %dma_wait3A_83 = tpu.memref_slice %arg5[%add3A, %dma_wait3A_82] : memref<32x144xi32, #tpu.memory_space<hbm>> -> memref<1x144xi32, #tpu.memory_space<hbm>>
      %dma_wait3A_84 = tpu.memref_squeeze %dma_wait3A_83 : memref<1x144xi32, #tpu.memory_space<hbm>> -> memref<144xi32, #tpu.memory_space<hbm>>
      tpu.wait_dma2 semaphore(%run_scoped3A : memref<!tpu.dma_semaphore, #tpu.memory_space<semaphore_mem>>) src(%dma_wait3A_84 : memref<144xi32, #tpu.memory_space<hbm>>) dst(%arg12 : memref<144xi32, #tpu.memory_space<vmem>>)
      tpu.yield
    }) : () -> ()
    %scan3A_34 = arith.constant 0 : i32
    %scan3A_35 = arith.constant 0 : i32
    %scan3A_36 = arith.constant 9 : i32
    %scan3A_37 = arith.addi %scan3A_35, %scan3A_36 : i32
    %scan3A_38 = arith.constant 1 : i32
    scf.for %scan3A_73 = %scan3A_35 to %scan3A_37 step %scan3A_38  : i32 {
      %mul3A_74 = arith.constant 16 : i32
      %mul3A_75 = arith.muli %scan3A_73, %mul3A_74 : i32
      %get3A = arith.index_cast %mul3A_75 : i32 to index
      %get3A_76 = tpu.vector_load %arg12[%get3A] {strides = array<i32>} : memref<144xi32, #tpu.memory_space<vmem>>, vector<16xi32>,
      tpu.vector_store_idx %arg13[%get3A_76], %broadcast_in_dim3A_27 {add = true} : memref<8192xf32, #tpu.memory_space<vmem>>[vector<16xi32>], vector<16xf32>,
    }
    %scan3A_39 = arith.constant 9 : i32
    "tpu.region"() ({
      %run_scoped3A = tpu.sem_alloc : memref<!tpu.dma_semaphore, #tpu.memory_space<semaphore_mem>>
      %dma_start3A_73 = arith.constant 0 : i32
      %dma_start3A_74 = tpu.memref_slice %arg6[%add3A, %dma_start3A_73] : memref<32x144xi32, #tpu.memory_space<hbm>> -> memref<1x144xi32, #tpu.memory_space<hbm>>
      %dma_start3A_75 = tpu.memref_squeeze %dma_start3A_74 : memref<1x144xi32, #tpu.memory_space<hbm>> -> memref<144xi32, #tpu.memory_space<hbm>>
      %dma_start3A_76 = arith.constant 0 : i32
      %dma_start3A_77 = tpu.memref_slice %arg6[%add3A, %dma_start3A_76] : memref<32x144xi32, #tpu.memory_space<hbm>> -> memref<1x144xi32, #tpu.memory_space<hbm>>
      %dma_start3A_78 = tpu.memref_squeeze %dma_start3A_77 : memref<1x144xi32, #tpu.memory_space<hbm>> -> memref<144xi32, #tpu.memory_space<hbm>>
      tpu.enqueue_dma source(%dma_start3A_78 : memref<144xi32, #tpu.memory_space<hbm>>) target(%arg12 : memref<144xi32, #tpu.memory_space<vmem>>) target_semaphore(%run_scoped3A : memref<!tpu.dma_semaphore, #tpu.memory_space<semaphore_mem>>)
      %dma_wait3A_79 = arith.constant 0 : i32
      %dma_wait3A_80 = tpu.memref_slice %arg6[%add3A, %dma_wait3A_79] : memref<32x144xi32, #tpu.memory_space<hbm>> -> memref<1x144xi32, #tpu.memory_space<hbm>>
      %dma_wait3A_81 = tpu.memref_squeeze %dma_wait3A_80 : memref<1x144xi32, #tpu.memory_space<hbm>> -> memref<144xi32, #tpu.memory_space<hbm>>
      %dma_wait3A_82 = arith.constant 0 : i32
      %dma_wait3A_83 = tpu.memref_slice %arg6[%add3A, %dma_wait3A_82] : memref<32x144xi32, #tpu.memory_space<hbm>> -> memref<1x144xi32, #tpu.memory_space<hbm>>
      %dma_wait3A_84 = tpu.memref_squeeze %dma_wait3A_83 : memref<1x144xi32, #tpu.memory_space<hbm>> -> memref<144xi32, #tpu.memory_space<hbm>>
      tpu.wait_dma2 semaphore(%run_scoped3A : memref<!tpu.dma_semaphore, #tpu.memory_space<semaphore_mem>>) src(%dma_wait3A_84 : memref<144xi32, #tpu.memory_space<hbm>>) dst(%arg12 : memref<144xi32, #tpu.memory_space<vmem>>)
      tpu.yield
    }) : () -> ()
    %scan3A_40 = arith.constant 0 : i32
    %scan3A_41 = arith.constant 0 : i32
    %scan3A_42 = arith.constant 9 : i32
    %scan3A_43 = arith.addi %scan3A_41, %scan3A_42 : i32
    %scan3A_44 = arith.constant 1 : i32
    scf.for %scan3A_73 = %scan3A_41 to %scan3A_43 step %scan3A_44  : i32 {
      %mul3A_74 = arith.constant 16 : i32
      %mul3A_75 = arith.muli %scan3A_73, %mul3A_74 : i32
      %get3A = arith.index_cast %mul3A_75 : i32 to index
      %get3A_76 = tpu.vector_load %arg12[%get3A] {strides = array<i32>} : memref<144xi32, #tpu.memory_space<vmem>>, vector<16xi32>,
      tpu.vector_store_idx %arg13[%get3A_76], %broadcast_in_dim3A_27 {add = true} : memref<8192xf32, #tpu.memory_space<vmem>>[vector<16xi32>], vector<16xf32>,
    }
    %scan3A_45 = arith.constant 9 : i32
    "tpu.region"() ({
      %run_scoped3A = tpu.sem_alloc : memref<!tpu.dma_semaphore, #tpu.memory_space<semaphore_mem>>
      %dma_start3A_73 = arith.constant 0 : i32
      %dma_start3A_74 = tpu.memref_slice %arg7[%add3A, %dma_start3A_73] : memref<32x144xi32, #tpu.memory_space<hbm>> -> memref<1x144xi32, #tpu.memory_space<hbm>>
      %dma_start3A_75 = tpu.memref_squeeze %dma_start3A_74 : memref<1x144xi32, #tpu.memory_space<hbm>> -> memref<144xi32, #tpu.memory_space<hbm>>
      %dma_start3A_76 = arith.constant 0 : i32
      %dma_start3A_77 = tpu.memref_slice %arg7[%add3A, %dma_start3A_76] : memref<32x144xi32, #tpu.memory_space<hbm>> -> memref<1x144xi32, #tpu.memory_space<hbm>>
      %dma_start3A_78 = tpu.memref_squeeze %dma_start3A_77 : memref<1x144xi32, #tpu.memory_space<hbm>> -> memref<144xi32, #tpu.memory_space<hbm>>
      tpu.enqueue_dma source(%dma_start3A_78 : memref<144xi32, #tpu.memory_space<hbm>>) target(%arg12 : memref<144xi32, #tpu.memory_space<vmem>>) target_semaphore(%run_scoped3A : memref<!tpu.dma_semaphore, #tpu.memory_space<semaphore_mem>>)
      %dma_wait3A_79 = arith.constant 0 : i32
      %dma_wait3A_80 = tpu.memref_slice %arg7[%add3A, %dma_wait3A_79] : memref<32x144xi32, #tpu.memory_space<hbm>> -> memref<1x144xi32, #tpu.memory_space<hbm>>
      %dma_wait3A_81 = tpu.memref_squeeze %dma_wait3A_80 : memref<1x144xi32, #tpu.memory_space<hbm>> -> memref<144xi32, #tpu.memory_space<hbm>>
      %dma_wait3A_82 = arith.constant 0 : i32
      %dma_wait3A_83 = tpu.memref_slice %arg7[%add3A, %dma_wait3A_82] : memref<32x144xi32, #tpu.memory_space<hbm>> -> memref<1x144xi32, #tpu.memory_space<hbm>>
      %dma_wait3A_84 = tpu.memref_squeeze %dma_wait3A_83 : memref<1x144xi32, #tpu.memory_space<hbm>> -> memref<144xi32, #tpu.memory_space<hbm>>
      tpu.wait_dma2 semaphore(%run_scoped3A : memref<!tpu.dma_semaphore, #tpu.memory_space<semaphore_mem>>) src(%dma_wait3A_84 : memref<144xi32, #tpu.memory_space<hbm>>) dst(%arg12 : memref<144xi32, #tpu.memory_space<vmem>>)
      tpu.yield
    }) : () -> ()
    %scan3A_46 = arith.constant 0 : i32
    %scan3A_47 = arith.constant 0 : i32
    %scan3A_48 = arith.constant 9 : i32
    %scan3A_49 = arith.addi %scan3A_47, %scan3A_48 : i32
    %scan3A_50 = arith.constant 1 : i32
    scf.for %scan3A_73 = %scan3A_47 to %scan3A_49 step %scan3A_50  : i32 {
      %mul3A_74 = arith.constant 16 : i32
      %mul3A_75 = arith.muli %scan3A_73, %mul3A_74 : i32
      %get3A = arith.index_cast %mul3A_75 : i32 to index
      %get3A_76 = tpu.vector_load %arg12[%get3A] {strides = array<i32>} : memref<144xi32, #tpu.memory_space<vmem>>, vector<16xi32>,
      tpu.vector_store_idx %arg13[%get3A_76], %broadcast_in_dim3A_27 {add = true} : memref<8192xf32, #tpu.memory_space<vmem>>[vector<16xi32>], vector<16xf32>,
    }
    %scan3A_51 = arith.constant 9 : i32
    "tpu.region"() ({
      %run_scoped3A = tpu.sem_alloc : memref<!tpu.dma_semaphore, #tpu.memory_space<semaphore_mem>>
      %dma_start3A_73 = arith.constant 0 : i32
      %dma_start3A_74 = tpu.memref_slice %arg9[%add3A, %dma_start3A_73] : memref<32x8192xf32, #tpu.memory_space<hbm>> -> memref<1x8192xf32, #tpu.memory_space<hbm>>
      %dma_start3A_75 = tpu.memref_squeeze %dma_start3A_74 : memref<1x8192xf32, #tpu.memory_space<hbm>> -> memref<8192xf32, #tpu.memory_space<hbm>>
      %dma_start3A_76 = arith.constant 0 : i32
      %dma_start3A_77 = tpu.memref_slice %arg9[%add3A, %dma_start3A_76] : memref<32x8192xf32, #tpu.memory_space<hbm>> -> memref<1x8192xf32, #tpu.memory_space<hbm>>
      %dma_start3A_78 = tpu.memref_squeeze %dma_start3A_77 : memref<1x8192xf32, #tpu.memory_space<hbm>> -> memref<8192xf32, #tpu.memory_space<hbm>>
      tpu.enqueue_dma source(%arg13 : memref<8192xf32, #tpu.memory_space<vmem>>) target(%dma_start3A_78 : memref<8192xf32, #tpu.memory_space<hbm>>) target_semaphore(%run_scoped3A : memref<!tpu.dma_semaphore, #tpu.memory_space<semaphore_mem>>)
      %dma_wait3A_79 = arith.constant 0 : i32
      %dma_wait3A_80 = tpu.memref_slice %arg9[%add3A, %dma_wait3A_79] : memref<32x8192xf32, #tpu.memory_space<hbm>> -> memref<1x8192xf32, #tpu.memory_space<hbm>>
      %dma_wait3A_81 = tpu.memref_squeeze %dma_wait3A_80 : memref<1x8192xf32, #tpu.memory_space<hbm>> -> memref<8192xf32, #tpu.memory_space<hbm>>
      %dma_wait3A_82 = arith.constant 0 : i32
      %dma_wait3A_83 = tpu.memref_slice %arg9[%add3A, %dma_wait3A_82] : memref<32x8192xf32, #tpu.memory_space<hbm>> -> memref<1x8192xf32, #tpu.memory_space<hbm>>
      %dma_wait3A_84 = tpu.memref_squeeze %dma_wait3A_83 : memref<1x8192xf32, #tpu.memory_space<hbm>> -> memref<8192xf32, #tpu.memory_space<hbm>>
      tpu.wait_dma2 semaphore(%run_scoped3A : memref<!tpu.dma_semaphore, #tpu.memory_space<semaphore_mem>>) src(%arg13 : memref<8192xf32, #tpu.memory_space<vmem>>) dst(%dma_wait3A_84 : memref<8192xf32, #tpu.memory_space<hbm>>)
      tpu.yield
    }) : () -> ()
    %dma_wait3A = arith.constant 0 : i32
    %dma_wait3A_52 = arith.constant 0 : i32
    %dma_wait3A_53 = arith.constant 0 : i32
    %dma_wait3A_54 = tpu.memref_slice %arg11[%dma_wait3A_52, %dma_wait3A_53] : memref<144x256xf32, #tpu.memory_space<vmem>> -> memref<72x256xf32, #tpu.memory_space<vmem>>
    %dma_wait3A_55 = arith.constant 0 : i32
    %dma_wait3A_56 = tpu.memref_slice %arg10[%dma_wait3A, %dma_wait3A_55] : memref<2x72xi32, #tpu.memory_space<vmem>> -> memref<1x72xi32, #tpu.memory_space<vmem>>
    %dma_wait3A_57 = tpu.memref_squeeze %dma_wait3A_56 : memref<1x72xi32, #tpu.memory_space<vmem>> -> memref<72xi32, #tpu.memory_space<vmem>>
    %dma_wait3A_58 = arith.constant 0 : i32
    %dma_wait3A_59 = arith.constant 0 : i32
    %dma_wait3A_60 = tpu.memref_slice %arg2[%dma_wait3A_58, %dma_wait3A_59] : memref<8192x256xf32, #tpu.memory_space<hbm>> -> memref<8192x256xf32, #tpu.memory_space<hbm>>
    tpu.wait_indirect_dma semaphore(%arg14 : memref<!tpu.dma_semaphore, #tpu.memory_space<semaphore_mem>>) src(%dma_wait3A_60 : memref<8192x256xf32, #tpu.memory_space<hbm>>) dst(%dma_wait3A_54 : memref<72x256xf32, #tpu.memory_space<vmem>>)
    %dma_wait3A_61 = arith.constant 1 : i32
    %dma_wait3A_62 = arith.constant 72 : i32
    %dma_wait3A_63 = arith.constant 0 : i32
    %dma_wait3A_64 = tpu.memref_slice %arg11[%dma_wait3A_62, %dma_wait3A_63] : memref<144x256xf32, #tpu.memory_space<vmem>> -> memref<72x256xf32, #tpu.memory_space<vmem>>
    %dma_wait3A_65 = arith.constant 0 : i32
    %dma_wait3A_66 = tpu.memref_slice %arg10[%dma_wait3A_61, %dma_wait3A_65] : memref<2x72xi32, #tpu.memory_space<vmem>> -> memref<1x72xi32, #tpu.memory_space<vmem>>
    %dma_wait3A_67 = tpu.memref_squeeze %dma_wait3A_66 : memref<1x72xi32, #tpu.memory_space<vmem>> -> memref<72xi32, #tpu.memory_space<vmem>>
    %dma_wait3A_68 = arith.constant 0 : i32
    %dma_wait3A_69 = arith.constant 0 : i32
    %dma_wait3A_70 = tpu.memref_slice %arg2[%dma_wait3A_68, %dma_wait3A_69] : memref<8192x256xf32, #tpu.memory_space<hbm>> -> memref<8192x256xf32, #tpu.memory_space<hbm>>
    tpu.wait_indirect_dma semaphore(%arg14 : memref<!tpu.dma_semaphore, #tpu.memory_space<semaphore_mem>>) src(%dma_wait3A_70 : memref<8192x256xf32, #tpu.memory_space<hbm>>) dst(%dma_wait3A_64 : memref<72x256xf32, #tpu.memory_space<vmem>>)
    %mul3A_71 = arith.constant 144 : i32
    %mul3A_72 = arith.muli %add3A, %mul3A_71 : i32
    "tpu.region"() ({
      %run_scoped3A = tpu.sem_alloc : memref<!tpu.dma_semaphore, #tpu.memory_space<semaphore_mem>>
      %dma_start3A_73 = arith.constant 0 : i32
      %dma_start3A_74 = tpu.memref_slice %arg8[%mul3A_72, %dma_start3A_73] : memref<4608x256xf32, #tpu.memory_space<hbm>> -> memref<144x256xf32, #tpu.memory_space<hbm>>
      %dma_start3A_75 = arith.constant 0 : i32
      %dma_start3A_76 = tpu.memref_slice %arg8[%mul3A_72, %dma_start3A_75] : memref<4608x256xf32, #tpu.memory_space<hbm>> -> memref<144x256xf32, #tpu.memory_space<hbm>>
      tpu.enqueue_dma source(%arg11 : memref<144x256xf32, #tpu.memory_space<vmem>>) target(%dma_start3A_76 : memref<144x256xf32, #tpu.memory_space<hbm>>) target_semaphore(%run_scoped3A : memref<!tpu.dma_semaphore, #tpu.memory_space<semaphore_mem>>)
      %dma_wait3A_77 = arith.constant 0 : i32
      %dma_wait3A_78 = tpu.memref_slice %arg8[%mul3A_72, %dma_wait3A_77] : memref<4608x256xf32, #tpu.memory_space<hbm>> -> memref<144x256xf32, #tpu.memory_space<hbm>>
      %dma_wait3A_79 = arith.constant 0 : i32
      %dma_wait3A_80 = tpu.memref_slice %arg8[%mul3A_72, %dma_wait3A_79] : memref<4608x256xf32, #tpu.memory_space<hbm>> -> memref<144x256xf32, #tpu.memory_space<hbm>>
      tpu.wait_dma2 semaphore(%run_scoped3A : memref<!tpu.dma_semaphore, #tpu.memory_space<semaphore_mem>>) src(%arg11 : memref<144x256xf32, #tpu.memory_space<vmem>>) dst(%dma_wait3A_80 : memref<144x256xf32, #tpu.memory_space<hbm>>)
      tpu.yield
    }) : () -> ()
    return
  }
}

module attributes {stable_mosaic.version = 14 : i64} {
  func.func @_stage_body0(%arg0: i32, %arg1: i32, %arg2: memref<2304x256xf32, #tpu.memory_space<vmem>>, %arg3: memref<1024x256xf32, #tpu.memory_space<vmem>>, %arg4: memref<2304x1xi32, #tpu.memory_space<vmem>>, %arg5: memref<2304x128xf32, #tpu.memory_space<vmem>>, %arg6: memref<2304x128xf32, #tpu.memory_space<vmem>>, %arg7: memref<2304x128xf32, #tpu.memory_space<vmem>>, %arg8: memref<2304x1xf32, #tpu.memory_space<vmem>>, %arg9: memref<2304x256xf32, #tpu.memory_space<vmem>>) attributes {dimension_semantics = [#tpu.dimension_semantics<arbitrary>, #tpu.dimension_semantics<arbitrary>], iteration_bounds = array<i64: 2, 8>, scalar_prefetch = 0 : i64, scratch_operands = 5 : i64, tpu.core_type = #tpu.core_type<tc>, window_params = [{transform_indices = @transform_0, window_bounds = array<i64: 2304, 256>}, {transform_indices = @transform_1, window_bounds = array<i64: 1024, 256>}, {transform_indices = @transform_2, window_bounds = array<i64: 2304, 1>}]} {
    %eq3A = arith.constant 0 : i32
    %eq3A_0 = arith.cmpi eq, %arg1, %eq3A : i32
    %convert_element_type3A = arith.extui %eq3A_0 : i1 to i32
    %cond3A = arith.constant 0 : i32
    %cond3A_1 = arith.cmpi ne, %convert_element_type3A, %cond3A : i32
    scf.if %cond3A_1 {
      %get3A_75 = arith.constant 0 : index
      %get3A_76 = arith.constant 0 : index
      %get3A_77 = vector.load %arg2[%get3A_75, %get3A_76] : memref<2304x256xf32, #tpu.memory_space<vmem>>, vector<2304x256xf32>
      %add3A_78 = arith.addf %get3A_77, %get3A_77 : vector<2304x256xf32>
      %swap3A = arith.constant 0 : index
      %swap3A_79 = arith.constant 0 : index
      %swap3A_80 = vector.load %arg9[%swap3A, %swap3A_79] : memref<2304x256xf32, #tpu.memory_space<vmem>>, vector<2304x256xf32>
      tpu.vector_store %arg9[%swap3A, %swap3A_79], %add3A_78 {strides = array<i32>} : memref<2304x256xf32, #tpu.memory_space<vmem>>, vector<2304x256xf32>,
      %mul3A_81 = arith.mulf %get3A_77, %get3A_77 : vector<2304x256xf32>
      %reduce_sum3A_82 = arith.constant dense<0.000000e+00> : vector<2304xf32>
      %reduce_sum3A_83 = vector.multi_reduction <add>, %mul3A_81, %reduce_sum3A_82 [1] : vector<2304x256xf32> to vector<2304xf32>
      %broadcast_in_dim3A_84 = vector.shape_cast %reduce_sum3A_83 : vector<2304xf32> to vector<2304x1xf32>
      %swap3A_85 = arith.constant 0 : index
      %swap3A_86 = arith.constant 0 : index
      %swap3A_87 = vector.load %arg8[%swap3A_85, %swap3A_86] : memref<2304x1xf32, #tpu.memory_space<vmem>>, vector<2304x1xf32>
      tpu.vector_store %arg8[%swap3A_85, %swap3A_86], %broadcast_in_dim3A_84 {strides = array<i32>} : memref<2304x1xf32, #tpu.memory_space<vmem>>, vector<2304x1xf32>,
    } else {
    }
    %get3A = arith.constant 0 : index
    %get3A_2 = arith.constant 0 : index
    %get3A_3 = vector.load %arg3[%get3A, %get3A_2] : memref<1024x256xf32, #tpu.memory_space<vmem>>, vector<1024x256xf32>
    %mul3A = arith.mulf %get3A_3, %get3A_3 : vector<1024x256xf32>
    %reduce_sum3A = arith.constant dense<0.000000e+00> : vector<1024xf32>
    %reduce_sum3A_4 = vector.multi_reduction <add>, %mul3A, %reduce_sum3A [1] : vector<1024x256xf32> to vector<1024xf32>
    %get3A_5 = arith.constant 0 : index
    %get3A_6 = arith.constant 0 : index
    %get3A_7 = vector.load %arg9[%get3A_5, %get3A_6] : memref<2304x256xf32, #tpu.memory_space<vmem>>, vector<2304x256xf32>
    %dot_general3A = arith.constant dense<0.000000e+00> : vector<2304x1024xf32>
    %dot_general3A_8 = tpu.matmul %get3A_7, %get3A_3, %dot_general3A {dimension_numbers = #tpu.dot_dimension_numbers<[1], [1], [0], [0], [0, 0, 1, 0], [], []>, transpose_lhs_hint = false} : vector<2304x256xf32>, vector<1024x256xf32>, vector<2304x1024xf32> -> vector<2304x1024xf32>
    %get3A_9 = arith.constant 0 : index
    %get3A_10 = arith.constant 0 : index
    %get3A_11 = vector.load %arg8[%get3A_9, %get3A_10] : memref<2304x1xf32, #tpu.memory_space<vmem>>, vector<2304x1xf32>
    %sub3A = vector.broadcast %get3A_11 : vector<2304x1xf32> to vector<2304x1024xf32>
    %sub3A_12 = arith.subf %sub3A, %dot_general3A_8 : vector<2304x1024xf32>
    %broadcast_in_dim3A = vector.shape_cast %reduce_sum3A_4 : vector<1024xf32> to vector<1x1024xf32>
    %add3A = vector.broadcast %broadcast_in_dim3A : vector<1x1024xf32> to vector<2304x1024xf32>
    %add3A_13 = arith.addf %sub3A_12, %add3A : vector<2304x1024xf32>
    %iota3A = tpu.iota {dimensions = array<i32: 1>} : vector<2304x128xi32>
    %convert_element_type3A_14 = arith.sitofp %iota3A : vector<2304x128xi32> to vector<2304x128xf32>
    %slice3A = vector.extract_strided_slice %add3A_13 {offsets = [0, 0], sizes = [2304, 128], strides = [1, 1]} : vector<2304x1024xf32> to vector<2304x128xf32>
    %slice3A_15 = vector.extract_strided_slice %add3A_13 {offsets = [0, 128], sizes = [2304, 128], strides = [1, 1]} : vector<2304x1024xf32> to vector<2304x128xf32>
    %lt3A = arith.cmpf olt, %slice3A_15, %slice3A : vector<2304x128xf32>
    %min3A = arith.minimumf %slice3A, %slice3A_15 : vector<2304x128xf32>
    %add3A_16 = arith.constant 1.280000e+02 : f32
    %add3A_17 = vector.broadcast %add3A_16 : f32 to vector<2304x128xf32>
    %add3A_18 = arith.addf %convert_element_type3A_14, %add3A_17 : vector<2304x128xf32>
    %select_n3A = arith.select %lt3A, %add3A_18, %convert_element_type3A_14 : vector<2304x128xi1>, vector<2304x128xf32>
    %slice3A_19 = vector.extract_strided_slice %add3A_13 {offsets = [0, 256], sizes = [2304, 128], strides = [1, 1]} : vector<2304x1024xf32> to vector<2304x128xf32>
    %lt3A_20 = arith.cmpf olt, %slice3A_19, %min3A : vector<2304x128xf32>
    %min3A_21 = arith.minimumf %min3A, %slice3A_19 : vector<2304x128xf32>
    %add3A_22 = arith.constant 2.560000e+02 : f32
    %add3A_23 = vector.broadcast %add3A_22 : f32 to vector<2304x128xf32>
    %add3A_24 = arith.addf %convert_element_type3A_14, %add3A_23 : vector<2304x128xf32>
    %select_n3A_25 = arith.select %lt3A_20, %add3A_24, %select_n3A : vector<2304x128xi1>, vector<2304x128xf32>
    %slice3A_26 = vector.extract_strided_slice %add3A_13 {offsets = [0, 384], sizes = [2304, 128], strides = [1, 1]} : vector<2304x1024xf32> to vector<2304x128xf32>
    %lt3A_27 = arith.cmpf olt, %slice3A_26, %min3A_21 : vector<2304x128xf32>
    %min3A_28 = arith.minimumf %min3A_21, %slice3A_26 : vector<2304x128xf32>
    %add3A_29 = arith.constant 3.840000e+02 : f32
    %add3A_30 = vector.broadcast %add3A_29 : f32 to vector<2304x128xf32>
    %add3A_31 = arith.addf %convert_element_type3A_14, %add3A_30 : vector<2304x128xf32>
    %select_n3A_32 = arith.select %lt3A_27, %add3A_31, %select_n3A_25 : vector<2304x128xi1>, vector<2304x128xf32>
    %slice3A_33 = vector.extract_strided_slice %add3A_13 {offsets = [0, 512], sizes = [2304, 128], strides = [1, 1]} : vector<2304x1024xf32> to vector<2304x128xf32>
    %lt3A_34 = arith.cmpf olt, %slice3A_33, %min3A_28 : vector<2304x128xf32>
    %min3A_35 = arith.minimumf %min3A_28, %slice3A_33 : vector<2304x128xf32>
    %add3A_36 = arith.constant 5.120000e+02 : f32
    %add3A_37 = vector.broadcast %add3A_36 : f32 to vector<2304x128xf32>
    %add3A_38 = arith.addf %convert_element_type3A_14, %add3A_37 : vector<2304x128xf32>
    %select_n3A_39 = arith.select %lt3A_34, %add3A_38, %select_n3A_32 : vector<2304x128xi1>, vector<2304x128xf32>
    %slice3A_40 = vector.extract_strided_slice %add3A_13 {offsets = [0, 640], sizes = [2304, 128], strides = [1, 1]} : vector<2304x1024xf32> to vector<2304x128xf32>
    %lt3A_41 = arith.cmpf olt, %slice3A_40, %min3A_35 : vector<2304x128xf32>
    %min3A_42 = arith.minimumf %min3A_35, %slice3A_40 : vector<2304x128xf32>
    %add3A_43 = arith.constant 6.400000e+02 : f32
    %add3A_44 = vector.broadcast %add3A_43 : f32 to vector<2304x128xf32>
    %add3A_45 = arith.addf %convert_element_type3A_14, %add3A_44 : vector<2304x128xf32>
    %select_n3A_46 = arith.select %lt3A_41, %add3A_45, %select_n3A_39 : vector<2304x128xi1>, vector<2304x128xf32>
    %slice3A_47 = vector.extract_strided_slice %add3A_13 {offsets = [0, 768], sizes = [2304, 128], strides = [1, 1]} : vector<2304x1024xf32> to vector<2304x128xf32>
    %lt3A_48 = arith.cmpf olt, %slice3A_47, %min3A_42 : vector<2304x128xf32>
    %min3A_49 = arith.minimumf %min3A_42, %slice3A_47 : vector<2304x128xf32>
    %add3A_50 = arith.constant 7.680000e+02 : f32
    %add3A_51 = vector.broadcast %add3A_50 : f32 to vector<2304x128xf32>
    %add3A_52 = arith.addf %convert_element_type3A_14, %add3A_51 : vector<2304x128xf32>
    %select_n3A_53 = arith.select %lt3A_48, %add3A_52, %select_n3A_46 : vector<2304x128xi1>, vector<2304x128xf32>
    %slice3A_54 = vector.extract_strided_slice %add3A_13 {offsets = [0, 896], sizes = [2304, 128], strides = [1, 1]} : vector<2304x1024xf32> to vector<2304x128xf32>
    %lt3A_55 = arith.cmpf olt, %slice3A_54, %min3A_49 : vector<2304x128xf32>
    %min3A_56 = arith.minimumf %min3A_49, %slice3A_54 : vector<2304x128xf32>
    %add3A_57 = arith.constant 8.960000e+02 : f32
    %add3A_58 = vector.broadcast %add3A_57 : f32 to vector<2304x128xf32>
    %add3A_59 = arith.addf %convert_element_type3A_14, %add3A_58 : vector<2304x128xf32>
    %select_n3A_60 = arith.select %lt3A_55, %add3A_59, %select_n3A_53 : vector<2304x128xi1>, vector<2304x128xf32>
    %eq3A_61 = arith.constant 0 : i32
    %eq3A_62 = arith.cmpi eq, %arg1, %eq3A_61 : i32
    %convert_element_type3A_63 = arith.extui %eq3A_62 : i1 to i32
    %cond3A_64 = arith.constant 0 : i32
    %cond3A_65 = arith.cmpi ne, %convert_element_type3A_63, %cond3A_64 : i32
    scf.if %cond3A_65 {
      %swap3A = arith.constant 0 : index
      %swap3A_75 = arith.constant 0 : index
      %swap3A_76 = vector.load %arg5[%swap3A, %swap3A_75] : memref<2304x128xf32, #tpu.memory_space<vmem>>, vector<2304x128xf32>
      tpu.vector_store %arg5[%swap3A, %swap3A_75], %min3A_56 {strides = array<i32>} : memref<2304x128xf32, #tpu.memory_space<vmem>>, vector<2304x128xf32>,
      %swap3A_77 = arith.constant 0 : index
      %swap3A_78 = arith.constant 0 : index
      %swap3A_79 = vector.load %arg6[%swap3A_77, %swap3A_78] : memref<2304x128xf32, #tpu.memory_space<vmem>>, vector<2304x128xf32>
      tpu.vector_store %arg6[%swap3A_77, %swap3A_78], %select_n3A_60 {strides = array<i32>} : memref<2304x128xf32, #tpu.memory_space<vmem>>, vector<2304x128xf32>,
      %broadcast_in_dim3A_80 = arith.constant 0.000000e+00 : f32
      %broadcast_in_dim3A_81 = vector.broadcast %broadcast_in_dim3A_80 : f32 to vector<2304x128xf32>
      %swap3A_82 = arith.constant 0 : index
      %swap3A_83 = arith.constant 0 : index
      %swap3A_84 = vector.load %arg7[%swap3A_82, %swap3A_83] : memref<2304x128xf32, #tpu.memory_space<vmem>>, vector<2304x128xf32>
      tpu.vector_store %arg7[%swap3A_82, %swap3A_83], %broadcast_in_dim3A_81 {strides = array<i32>} : memref<2304x128xf32, #tpu.memory_space<vmem>>, vector<2304x128xf32>,
    } else {
    }
    %gt3A = arith.constant 0 : i32
    %gt3A_66 = arith.cmpi sgt, %arg1, %gt3A : i32
    %convert_element_type3A_67 = arith.extui %gt3A_66 : i1 to i32
    %cond3A_68 = arith.constant 0 : i32
    %cond3A_69 = arith.cmpi ne, %convert_element_type3A_67, %cond3A_68 : i32
    scf.if %cond3A_69 {
      %get3A_75 = arith.constant 0 : index
      %get3A_76 = arith.constant 0 : index
      %get3A_77 = vector.load %arg5[%get3A_75, %get3A_76] : memref<2304x128xf32, #tpu.memory_space<vmem>>, vector<2304x128xf32>
      %lt3A_78 = arith.cmpf olt, %min3A_56, %get3A_77 : vector<2304x128xf32>
      %get3A_79 = arith.constant 0 : index
      %get3A_80 = arith.constant 0 : index
      %get3A_81 = vector.load %arg5[%get3A_79, %get3A_80] : memref<2304x128xf32, #tpu.memory_space<vmem>>, vector<2304x128xf32>
      %min3A_82 = arith.minimumf %get3A_81, %min3A_56 : vector<2304x128xf32>
      %swap3A = arith.constant 0 : index
      %swap3A_83 = arith.constant 0 : index
      %swap3A_84 = vector.load %arg5[%swap3A, %swap3A_83] : memref<2304x128xf32, #tpu.memory_space<vmem>>, vector<2304x128xf32>
      tpu.vector_store %arg5[%swap3A, %swap3A_83], %min3A_82 {strides = array<i32>} : memref<2304x128xf32, #tpu.memory_space<vmem>>, vector<2304x128xf32>,
      %get3A_85 = arith.constant 0 : index
      %get3A_86 = arith.constant 0 : index
      %get3A_87 = vector.load %arg6[%get3A_85, %get3A_86] : memref<2304x128xf32, #tpu.memory_space<vmem>>, vector<2304x128xf32>
      %select_n3A_88 = arith.select %lt3A_78, %select_n3A_60, %get3A_87 : vector<2304x128xi1>, vector<2304x128xf32>
      %swap3A_89 = arith.constant 0 : index
      %swap3A_90 = arith.constant 0 : index
      %swap3A_91 = vector.load %arg6[%swap3A_89, %swap3A_90] : memref<2304x128xf32, #tpu.memory_space<vmem>>, vector<2304x128xf32>
      tpu.vector_store %arg6[%swap3A_89, %swap3A_90], %select_n3A_88 {strides = array<i32>} : memref<2304x128xf32, #tpu.memory_space<vmem>>, vector<2304x128xf32>,
      %convert_element_type3A_92 = arith.sitofp %arg1 : i32 to f32
      %get3A_93 = arith.constant 0 : index
      %get3A_94 = arith.constant 0 : index
      %get3A_95 = vector.load %arg7[%get3A_93, %get3A_94] : memref<2304x128xf32, #tpu.memory_space<vmem>>, vector<2304x128xf32>
      %broadcast_in_dim3A_96 = vector.broadcast %convert_element_type3A_92 : f32 to vector<2304x128xf32>
      %select_n3A_97 = arith.select %lt3A_78, %broadcast_in_dim3A_96, %get3A_95 : vector<2304x128xi1>, vector<2304x128xf32>
      %swap3A_98 = arith.constant 0 : index
      %swap3A_99 = arith.constant 0 : index
      %swap3A_100 = vector.load %arg7[%swap3A_98, %swap3A_99] : memref<2304x128xf32, #tpu.memory_space<vmem>>, vector<2304x128xf32>
      tpu.vector_store %arg7[%swap3A_98, %swap3A_99], %select_n3A_97 {strides = array<i32>} : memref<2304x128xf32, #tpu.memory_space<vmem>>, vector<2304x128xf32>,
    } else {
    }
    %eq3A_70 = arith.constant 7 : i32
    %eq3A_71 = arith.cmpi eq, %arg1, %eq3A_70 : i32
    %convert_element_type3A_72 = arith.extui %eq3A_71 : i1 to i32
    %cond3A_73 = arith.constant 0 : i32
    %cond3A_74 = arith.cmpi ne, %convert_element_type3A_72, %cond3A_73 : i32
    scf.if %cond3A_74 {
      %get3A_75 = arith.constant 0 : index
      %get3A_76 = arith.constant 0 : index
      %get3A_77 = vector.load %arg5[%get3A_75, %get3A_76] : memref<2304x128xf32, #tpu.memory_space<vmem>>, vector<2304x128xf32>
      %get3A_78 = arith.constant 0 : index
      %get3A_79 = arith.constant 0 : index
      %get3A_80 = vector.load %arg7[%get3A_78, %get3A_79] : memref<2304x128xf32, #tpu.memory_space<vmem>>, vector<2304x128xf32>
      %mul3A_81 = arith.constant 1.024000e+03 : f32
      %mul3A_82 = vector.broadcast %mul3A_81 : f32 to vector<2304x128xf32>
      %mul3A_83 = arith.mulf %get3A_80, %mul3A_82 : vector<2304x128xf32>
      %get3A_84 = arith.constant 0 : index
      %get3A_85 = arith.constant 0 : index
      %get3A_86 = vector.load %arg6[%get3A_84, %get3A_85] : memref<2304x128xf32, #tpu.memory_space<vmem>>, vector<2304x128xf32>
      %add3A_87 = arith.addf %mul3A_83, %get3A_86 : vector<2304x128xf32>
      %reduce_min3A = arith.constant dense<0x7F800000> : vector<2304xf32>
      %reduce_min3A_88 = vector.multi_reduction <minimumf>, %get3A_77, %reduce_min3A [1] : vector<2304x128xf32> to vector<2304xf32>
      %broadcast_in_dim3A_89 = vector.shape_cast %reduce_min3A_88 : vector<2304xf32> to vector<2304x1xf32>
      %eq3A_90 = vector.broadcast %broadcast_in_dim3A_89 : vector<2304x1xf32> to vector<2304x128xf32>
      %eq3A_91 = arith.cmpf oeq, %get3A_77, %eq3A_90 : vector<2304x128xf32>
      %jit3A = arith.constant 8.192000e+03 : f32
      %broadcast_in_dim3A_92 = vector.broadcast %jit3A : f32 to vector<2304x128xf32>
      %select_n3A_93 = arith.select %eq3A_91, %add3A_87, %broadcast_in_dim3A_92 : vector<2304x128xi1>, vector<2304x128xf32>
      %reduce_min3A_94 = arith.constant dense<0x7F800000> : vector<2304xf32>
      %reduce_min3A_95 = vector.multi_reduction <minimumf>, %select_n3A_93, %reduce_min3A_94 [1] : vector<2304x128xf32> to vector<2304xf32>
      %broadcast_in_dim3A_96 = vector.shape_cast %reduce_min3A_95 : vector<2304xf32> to vector<2304x1xf32>
      %convert_element_type3A_97 = arith.fptosi %broadcast_in_dim3A_96 : vector<2304x1xf32> to vector<2304x1xi32>
      %swap3A = arith.constant 0 : index
      %swap3A_98 = arith.constant 0 : index
      %swap3A_99 = vector.load %arg4[%swap3A, %swap3A_98] : memref<2304x1xi32, #tpu.memory_space<vmem>>, vector<2304x1xi32>
      tpu.vector_store %arg4[%swap3A, %swap3A_98], %convert_element_type3A_97 {strides = array<i32>} : memref<2304x1xi32, #tpu.memory_space<vmem>>, vector<2304x1xi32>,
    } else {
    }
    return
  }
  func.func @transform_0(%arg0: i32, %arg1: i32) -> (i32, i32) {
    %c0_i32 = arith.constant 0 : i32
    %c0_i32_0 = arith.constant 0 : i32
    return %arg0, %c0_i32 : i32, i32
  }
  func.func @transform_1(%arg0: i32, %arg1: i32) -> (i32, i32) {
    %c0_i32 = arith.constant 0 : i32
    %c0_i32_0 = arith.constant 0 : i32
    return %arg1, %c0_i32 : i32, i32
  }
  func.func @transform_2(%arg0: i32, %arg1: i32) -> (i32, i32) {
    %c0_i32 = arith.constant 0 : i32
    %c0_i32_0 = arith.constant 0 : i32
    return %arg0, %c0_i32 : i32, i32
  }
}

module attributes {stable_mosaic.version = 14 : i64} {
  func.func @_stage_body(%arg0: i32, %arg1: i32, %arg2: memref<2304x256xf32, #tpu.memory_space<vmem>>, %arg3: memref<2304x256xf32, #tpu.memory_space<vmem>>, %arg4: memref<1024x256xf32, #tpu.memory_space<vmem>>, %arg5: memref<2304x1xi32, #tpu.memory_space<vmem>>, %arg6: memref<2304x256xf32, #tpu.memory_space<vmem>>, %arg7: memref<1x1xf32, #tpu.memory_space<smem>>, %arg8: memref<2304x128xf32, #tpu.memory_space<vmem>>, %arg9: memref<2304x128xf32, #tpu.memory_space<vmem>>, %arg10: memref<2304x128xf32, #tpu.memory_space<vmem>>, %arg11: memref<2304x1xf32, #tpu.memory_space<vmem>>, %arg12: memref<2304x256xf32, #tpu.memory_space<vmem>>) attributes {dimension_semantics = [#tpu.dimension_semantics<arbitrary>, #tpu.dimension_semantics<arbitrary>], iteration_bounds = array<i64: 2, 8>, scalar_prefetch = 0 : i64, scratch_operands = 5 : i64, tpu.core_type = #tpu.core_type<tc>, window_params = [{transform_indices = @transform_0, window_bounds = array<i64: 2304, 256>}, {transform_indices = @transform_1, window_bounds = array<i64: 2304, 256>}, {transform_indices = @transform_2, window_bounds = array<i64: 1024, 256>}, {transform_indices = @transform_3, window_bounds = array<i64: 2304, 1>}, {transform_indices = @transform_4, window_bounds = array<i64: 2304, 256>}, {transform_indices = @transform_5, window_bounds = array<i64: 1, 1>}]} {
    %eq3A = arith.constant 0 : i32
    %eq3A_0 = arith.cmpi eq, %arg1, %eq3A : i32
    %convert_element_type3A = arith.extui %eq3A_0 : i1 to i32
    %cond3A = arith.constant 0 : i32
    %cond3A_1 = arith.cmpi ne, %convert_element_type3A, %cond3A : i32
    scf.if %cond3A_1 {
      %get3A_75 = arith.constant 0 : index
      %get3A_76 = arith.constant 0 : index
      %get3A_77 = vector.load %arg2[%get3A_75, %get3A_76] : memref<2304x256xf32, #tpu.memory_space<vmem>>, vector<2304x256xf32>
      %get3A_78 = arith.constant 0 : index
      %get3A_79 = arith.constant 0 : index
      %get3A_80 = vector.load %arg3[%get3A_78, %get3A_79] : memref<2304x256xf32, #tpu.memory_space<vmem>>, vector<2304x256xf32>
      %sub3A_81 = arith.subf %get3A_77, %get3A_80 : vector<2304x256xf32>
      %swap3A = arith.constant 0 : index
      %swap3A_82 = arith.constant 0 : index
      %swap3A_83 = vector.load %arg6[%swap3A, %swap3A_82] : memref<2304x256xf32, #tpu.memory_space<vmem>>, vector<2304x256xf32>
      tpu.vector_store %arg6[%swap3A, %swap3A_82], %sub3A_81 {strides = array<i32>} : memref<2304x256xf32, #tpu.memory_space<vmem>>, vector<2304x256xf32>,
      %add3A_84 = arith.addf %sub3A_81, %sub3A_81 : vector<2304x256xf32>
      %swap3A_85 = arith.constant 0 : index
      %swap3A_86 = arith.constant 0 : index
      %swap3A_87 = vector.load %arg12[%swap3A_85, %swap3A_86] : memref<2304x256xf32, #tpu.memory_space<vmem>>, vector<2304x256xf32>
      tpu.vector_store %arg12[%swap3A_85, %swap3A_86], %add3A_84 {strides = array<i32>} : memref<2304x256xf32, #tpu.memory_space<vmem>>, vector<2304x256xf32>,
      %mul3A_88 = arith.mulf %sub3A_81, %sub3A_81 : vector<2304x256xf32>
      %reduce_sum3A_89 = arith.constant dense<0.000000e+00> : vector<2304xf32>
      %reduce_sum3A_90 = vector.multi_reduction <add>, %mul3A_88, %reduce_sum3A_89 [1] : vector<2304x256xf32> to vector<2304xf32>
      %broadcast_in_dim3A_91 = vector.shape_cast %reduce_sum3A_90 : vector<2304xf32> to vector<2304x1xf32>
      %swap3A_92 = arith.constant 0 : index
      %swap3A_93 = arith.constant 0 : index
      %swap3A_94 = vector.load %arg11[%swap3A_92, %swap3A_93] : memref<2304x1xf32, #tpu.memory_space<vmem>>, vector<2304x1xf32>
      tpu.vector_store %arg11[%swap3A_92, %swap3A_93], %broadcast_in_dim3A_91 {strides = array<i32>} : memref<2304x1xf32, #tpu.memory_space<vmem>>, vector<2304x1xf32>,
      %reduce_sum3A_95 = vector.shape_cast %broadcast_in_dim3A_91 : vector<2304x1xf32> to vector<1x2304x1xf32>
      %reduce_sum3A_96 = arith.constant dense<0.000000e+00> : vector<1xf32>
      %reduce_sum3A_97 = vector.multi_reduction <add>, %reduce_sum3A_95, %reduce_sum3A_96 [1, 2] : vector<1x2304x1xf32> to vector<1xf32>
      %reduce_sum3A_98 = vector.shape_cast %reduce_sum3A_97 : vector<1xf32> to vector<1x1x1xf32>
      %reduce_sum3A_99 = vector.extract %reduce_sum3A_98[0, 0, 0] : f32 from vector<1x1x1xf32>
      %eq3A_100 = arith.constant 0 : i32
      %eq3A_101 = arith.cmpi eq, %arg0, %eq3A_100 : i32
      %convert_element_type3A_102 = arith.extui %eq3A_101 : i1 to i32
      %cond3A_103 = arith.constant 0 : i32
      %cond3A_104 = arith.cmpi ne, %convert_element_type3A_102, %cond3A_103 : i32
      scf.if %cond3A_104 {
        %swap3A_110 = arith.constant 0 : index
        %swap3A_111 = arith.constant 0 : index
        %swap3A_112 = memref.load %arg7[%swap3A_110, %swap3A_111] : memref<1x1xf32, #tpu.memory_space<smem>>
        memref.store %reduce_sum3A_99, %arg7[%swap3A_110, %swap3A_111] : memref<1x1xf32, #tpu.memory_space<smem>>
      } else {
      }
      %gt3A_105 = arith.constant 0 : i32
      %gt3A_106 = arith.cmpi sgt, %arg0, %gt3A_105 : i32
      %convert_element_type3A_107 = arith.extui %gt3A_106 : i1 to i32
      %cond3A_108 = arith.constant 0 : i32
      %cond3A_109 = arith.cmpi ne, %convert_element_type3A_107, %cond3A_108 : i32
      scf.if %cond3A_109 {
        %get3A_110 = arith.constant 0 : index
        %get3A_111 = arith.constant 0 : index
        %get3A_112 = memref.load %arg7[%get3A_110, %get3A_111] : memref<1x1xf32, #tpu.memory_space<smem>>
        %add3A_113 = arith.addf %get3A_112, %reduce_sum3A_99 : f32
        %swap3A_114 = arith.constant 0 : index
        %swap3A_115 = arith.constant 0 : index
        %swap3A_116 = memref.load %arg7[%swap3A_114, %swap3A_115] : memref<1x1xf32, #tpu.memory_space<smem>>
        memref.store %add3A_113, %arg7[%swap3A_114, %swap3A_115] : memref<1x1xf32, #tpu.memory_space<smem>>
      } else {
      }
    } else {
    }
    %get3A = arith.constant 0 : index
    %get3A_2 = arith.constant 0 : index
    %get3A_3 = vector.load %arg4[%get3A, %get3A_2] : memref<1024x256xf32, #tpu.memory_space<vmem>>, vector<1024x256xf32>
    %mul3A = arith.mulf %get3A_3, %get3A_3 : vector<1024x256xf32>
    %reduce_sum3A = arith.constant dense<0.000000e+00> : vector<1024xf32>
    %reduce_sum3A_4 = vector.multi_reduction <add>, %mul3A, %reduce_sum3A [1] : vector<1024x256xf32> to vector<1024xf32>
    %get3A_5 = arith.constant 0 : index
    %get3A_6 = arith.constant 0 : index
    %get3A_7 = vector.load %arg12[%get3A_5, %get3A_6] : memref<2304x256xf32, #tpu.memory_space<vmem>>, vector<2304x256xf32>
    %dot_general3A = arith.constant dense<0.000000e+00> : vector<2304x1024xf32>
    %dot_general3A_8 = tpu.matmul %get3A_7, %get3A_3, %dot_general3A {dimension_numbers = #tpu.dot_dimension_numbers<[1], [1], [0], [0], [0, 0, 1, 0], [], []>, transpose_lhs_hint = false} : vector<2304x256xf32>, vector<1024x256xf32>, vector<2304x1024xf32> -> vector<2304x1024xf32>
    %get3A_9 = arith.constant 0 : index
    %get3A_10 = arith.constant 0 : index
    %get3A_11 = vector.load %arg11[%get3A_9, %get3A_10] : memref<2304x1xf32, #tpu.memory_space<vmem>>, vector<2304x1xf32>
    %sub3A = vector.broadcast %get3A_11 : vector<2304x1xf32> to vector<2304x1024xf32>
    %sub3A_12 = arith.subf %sub3A, %dot_general3A_8 : vector<2304x1024xf32>
    %broadcast_in_dim3A = vector.shape_cast %reduce_sum3A_4 : vector<1024xf32> to vector<1x1024xf32>
    %add3A = vector.broadcast %broadcast_in_dim3A : vector<1x1024xf32> to vector<2304x1024xf32>
    %add3A_13 = arith.addf %sub3A_12, %add3A : vector<2304x1024xf32>
    %iota3A = tpu.iota {dimensions = array<i32: 1>} : vector<2304x128xi32>
    %convert_element_type3A_14 = arith.sitofp %iota3A : vector<2304x128xi32> to vector<2304x128xf32>
    %slice3A = vector.extract_strided_slice %add3A_13 {offsets = [0, 0], sizes = [2304, 128], strides = [1, 1]} : vector<2304x1024xf32> to vector<2304x128xf32>
    %slice3A_15 = vector.extract_strided_slice %add3A_13 {offsets = [0, 128], sizes = [2304, 128], strides = [1, 1]} : vector<2304x1024xf32> to vector<2304x128xf32>
    %lt3A = arith.cmpf olt, %slice3A_15, %slice3A : vector<2304x128xf32>
    %min3A = arith.minimumf %slice3A, %slice3A_15 : vector<2304x128xf32>
    %add3A_16 = arith.constant 1.280000e+02 : f32
    %add3A_17 = vector.broadcast %add3A_16 : f32 to vector<2304x128xf32>
    %add3A_18 = arith.addf %convert_element_type3A_14, %add3A_17 : vector<2304x128xf32>
    %select_n3A = arith.select %lt3A, %add3A_18, %convert_element_type3A_14 : vector<2304x128xi1>, vector<2304x128xf32>
    %slice3A_19 = vector.extract_strided_slice %add3A_13 {offsets = [0, 256], sizes = [2304, 128], strides = [1, 1]} : vector<2304x1024xf32> to vector<2304x128xf32>
    %lt3A_20 = arith.cmpf olt, %slice3A_19, %min3A : vector<2304x128xf32>
    %min3A_21 = arith.minimumf %min3A, %slice3A_19 : vector<2304x128xf32>
    %add3A_22 = arith.constant 2.560000e+02 : f32
    %add3A_23 = vector.broadcast %add3A_22 : f32 to vector<2304x128xf32>
    %add3A_24 = arith.addf %convert_element_type3A_14, %add3A_23 : vector<2304x128xf32>
    %select_n3A_25 = arith.select %lt3A_20, %add3A_24, %select_n3A : vector<2304x128xi1>, vector<2304x128xf32>
    %slice3A_26 = vector.extract_strided_slice %add3A_13 {offsets = [0, 384], sizes = [2304, 128], strides = [1, 1]} : vector<2304x1024xf32> to vector<2304x128xf32>
    %lt3A_27 = arith.cmpf olt, %slice3A_26, %min3A_21 : vector<2304x128xf32>
    %min3A_28 = arith.minimumf %min3A_21, %slice3A_26 : vector<2304x128xf32>
    %add3A_29 = arith.constant 3.840000e+02 : f32
    %add3A_30 = vector.broadcast %add3A_29 : f32 to vector<2304x128xf32>
    %add3A_31 = arith.addf %convert_element_type3A_14, %add3A_30 : vector<2304x128xf32>
    %select_n3A_32 = arith.select %lt3A_27, %add3A_31, %select_n3A_25 : vector<2304x128xi1>, vector<2304x128xf32>
    %slice3A_33 = vector.extract_strided_slice %add3A_13 {offsets = [0, 512], sizes = [2304, 128], strides = [1, 1]} : vector<2304x1024xf32> to vector<2304x128xf32>
    %lt3A_34 = arith.cmpf olt, %slice3A_33, %min3A_28 : vector<2304x128xf32>
    %min3A_35 = arith.minimumf %min3A_28, %slice3A_33 : vector<2304x128xf32>
    %add3A_36 = arith.constant 5.120000e+02 : f32
    %add3A_37 = vector.broadcast %add3A_36 : f32 to vector<2304x128xf32>
    %add3A_38 = arith.addf %convert_element_type3A_14, %add3A_37 : vector<2304x128xf32>
    %select_n3A_39 = arith.select %lt3A_34, %add3A_38, %select_n3A_32 : vector<2304x128xi1>, vector<2304x128xf32>
    %slice3A_40 = vector.extract_strided_slice %add3A_13 {offsets = [0, 640], sizes = [2304, 128], strides = [1, 1]} : vector<2304x1024xf32> to vector<2304x128xf32>
    %lt3A_41 = arith.cmpf olt, %slice3A_40, %min3A_35 : vector<2304x128xf32>
    %min3A_42 = arith.minimumf %min3A_35, %slice3A_40 : vector<2304x128xf32>
    %add3A_43 = arith.constant 6.400000e+02 : f32
    %add3A_44 = vector.broadcast %add3A_43 : f32 to vector<2304x128xf32>
    %add3A_45 = arith.addf %convert_element_type3A_14, %add3A_44 : vector<2304x128xf32>
    %select_n3A_46 = arith.select %lt3A_41, %add3A_45, %select_n3A_39 : vector<2304x128xi1>, vector<2304x128xf32>
    %slice3A_47 = vector.extract_strided_slice %add3A_13 {offsets = [0, 768], sizes = [2304, 128], strides = [1, 1]} : vector<2304x1024xf32> to vector<2304x128xf32>
    %lt3A_48 = arith.cmpf olt, %slice3A_47, %min3A_42 : vector<2304x128xf32>
    %min3A_49 = arith.minimumf %min3A_42, %slice3A_47 : vector<2304x128xf32>
    %add3A_50 = arith.constant 7.680000e+02 : f32
    %add3A_51 = vector.broadcast %add3A_50 : f32 to vector<2304x128xf32>
    %add3A_52 = arith.addf %convert_element_type3A_14, %add3A_51 : vector<2304x128xf32>
    %select_n3A_53 = arith.select %lt3A_48, %add3A_52, %select_n3A_46 : vector<2304x128xi1>, vector<2304x128xf32>
    %slice3A_54 = vector.extract_strided_slice %add3A_13 {offsets = [0, 896], sizes = [2304, 128], strides = [1, 1]} : vector<2304x1024xf32> to vector<2304x128xf32>
    %lt3A_55 = arith.cmpf olt, %slice3A_54, %min3A_49 : vector<2304x128xf32>
    %min3A_56 = arith.minimumf %min3A_49, %slice3A_54 : vector<2304x128xf32>
    %add3A_57 = arith.constant 8.960000e+02 : f32
    %add3A_58 = vector.broadcast %add3A_57 : f32 to vector<2304x128xf32>
    %add3A_59 = arith.addf %convert_element_type3A_14, %add3A_58 : vector<2304x128xf32>
    %select_n3A_60 = arith.select %lt3A_55, %add3A_59, %select_n3A_53 : vector<2304x128xi1>, vector<2304x128xf32>
    %eq3A_61 = arith.constant 0 : i32
    %eq3A_62 = arith.cmpi eq, %arg1, %eq3A_61 : i32
    %convert_element_type3A_63 = arith.extui %eq3A_62 : i1 to i32
    %cond3A_64 = arith.constant 0 : i32
    %cond3A_65 = arith.cmpi ne, %convert_element_type3A_63, %cond3A_64 : i32
    scf.if %cond3A_65 {
      %swap3A = arith.constant 0 : index
      %swap3A_75 = arith.constant 0 : index
      %swap3A_76 = vector.load %arg8[%swap3A, %swap3A_75] : memref<2304x128xf32, #tpu.memory_space<vmem>>, vector<2304x128xf32>
      tpu.vector_store %arg8[%swap3A, %swap3A_75], %min3A_56 {strides = array<i32>} : memref<2304x128xf32, #tpu.memory_space<vmem>>, vector<2304x128xf32>,
      %swap3A_77 = arith.constant 0 : index
      %swap3A_78 = arith.constant 0 : index
      %swap3A_79 = vector.load %arg9[%swap3A_77, %swap3A_78] : memref<2304x128xf32, #tpu.memory_space<vmem>>, vector<2304x128xf32>
      tpu.vector_store %arg9[%swap3A_77, %swap3A_78], %select_n3A_60 {strides = array<i32>} : memref<2304x128xf32, #tpu.memory_space<vmem>>, vector<2304x128xf32>,
      %broadcast_in_dim3A_80 = arith.constant 0.000000e+00 : f32
      %broadcast_in_dim3A_81 = vector.broadcast %broadcast_in_dim3A_80 : f32 to vector<2304x128xf32>
      %swap3A_82 = arith.constant 0 : index
      %swap3A_83 = arith.constant 0 : index
      %swap3A_84 = vector.load %arg10[%swap3A_82, %swap3A_83] : memref<2304x128xf32, #tpu.memory_space<vmem>>, vector<2304x128xf32>
      tpu.vector_store %arg10[%swap3A_82, %swap3A_83], %broadcast_in_dim3A_81 {strides = array<i32>} : memref<2304x128xf32, #tpu.memory_space<vmem>>, vector<2304x128xf32>,
    } else {
    }
    %gt3A = arith.constant 0 : i32
    %gt3A_66 = arith.cmpi sgt, %arg1, %gt3A : i32
    %convert_element_type3A_67 = arith.extui %gt3A_66 : i1 to i32
    %cond3A_68 = arith.constant 0 : i32
    %cond3A_69 = arith.cmpi ne, %convert_element_type3A_67, %cond3A_68 : i32
    scf.if %cond3A_69 {
      %get3A_75 = arith.constant 0 : index
      %get3A_76 = arith.constant 0 : index
      %get3A_77 = vector.load %arg8[%get3A_75, %get3A_76] : memref<2304x128xf32, #tpu.memory_space<vmem>>, vector<2304x128xf32>
      %lt3A_78 = arith.cmpf olt, %min3A_56, %get3A_77 : vector<2304x128xf32>
      %get3A_79 = arith.constant 0 : index
      %get3A_80 = arith.constant 0 : index
      %get3A_81 = vector.load %arg8[%get3A_79, %get3A_80] : memref<2304x128xf32, #tpu.memory_space<vmem>>, vector<2304x128xf32>
      %min3A_82 = arith.minimumf %get3A_81, %min3A_56 : vector<2304x128xf32>
      %swap3A = arith.constant 0 : index
      %swap3A_83 = arith.constant 0 : index
      %swap3A_84 = vector.load %arg8[%swap3A, %swap3A_83] : memref<2304x128xf32, #tpu.memory_space<vmem>>, vector<2304x128xf32>
      tpu.vector_store %arg8[%swap3A, %swap3A_83], %min3A_82 {strides = array<i32>} : memref<2304x128xf32, #tpu.memory_space<vmem>>, vector<2304x128xf32>,
      %get3A_85 = arith.constant 0 : index
      %get3A_86 = arith.constant 0 : index
      %get3A_87 = vector.load %arg9[%get3A_85, %get3A_86] : memref<2304x128xf32, #tpu.memory_space<vmem>>, vector<2304x128xf32>
      %select_n3A_88 = arith.select %lt3A_78, %select_n3A_60, %get3A_87 : vector<2304x128xi1>, vector<2304x128xf32>
      %swap3A_89 = arith.constant 0 : index
      %swap3A_90 = arith.constant 0 : index
      %swap3A_91 = vector.load %arg9[%swap3A_89, %swap3A_90] : memref<2304x128xf32, #tpu.memory_space<vmem>>, vector<2304x128xf32>
      tpu.vector_store %arg9[%swap3A_89, %swap3A_90], %select_n3A_88 {strides = array<i32>} : memref<2304x128xf32, #tpu.memory_space<vmem>>, vector<2304x128xf32>,
      %convert_element_type3A_92 = arith.sitofp %arg1 : i32 to f32
      %get3A_93 = arith.constant 0 : index
      %get3A_94 = arith.constant 0 : index
      %get3A_95 = vector.load %arg10[%get3A_93, %get3A_94] : memref<2304x128xf32, #tpu.memory_space<vmem>>, vector<2304x128xf32>
      %broadcast_in_dim3A_96 = vector.broadcast %convert_element_type3A_92 : f32 to vector<2304x128xf32>
      %select_n3A_97 = arith.select %lt3A_78, %broadcast_in_dim3A_96, %get3A_95 : vector<2304x128xi1>, vector<2304x128xf32>
      %swap3A_98 = arith.constant 0 : index
      %swap3A_99 = arith.constant 0 : index
      %swap3A_100 = vector.load %arg10[%swap3A_98, %swap3A_99] : memref<2304x128xf32, #tpu.memory_space<vmem>>, vector<2304x128xf32>
      tpu.vector_store %arg10[%swap3A_98, %swap3A_99], %select_n3A_97 {strides = array<i32>} : memref<2304x128xf32, #tpu.memory_space<vmem>>, vector<2304x128xf32>,
    } else {
    }
    %eq3A_70 = arith.constant 7 : i32
    %eq3A_71 = arith.cmpi eq, %arg1, %eq3A_70 : i32
    %convert_element_type3A_72 = arith.extui %eq3A_71 : i1 to i32
    %cond3A_73 = arith.constant 0 : i32
    %cond3A_74 = arith.cmpi ne, %convert_element_type3A_72, %cond3A_73 : i32
    scf.if %cond3A_74 {
      %get3A_75 = arith.constant 0 : index
      %get3A_76 = arith.constant 0 : index
      %get3A_77 = vector.load %arg8[%get3A_75, %get3A_76] : memref<2304x128xf32, #tpu.memory_space<vmem>>, vector<2304x128xf32>
      %get3A_78 = arith.constant 0 : index
      %get3A_79 = arith.constant 0 : index
      %get3A_80 = vector.load %arg10[%get3A_78, %get3A_79] : memref<2304x128xf32, #tpu.memory_space<vmem>>, vector<2304x128xf32>
      %mul3A_81 = arith.constant 1.024000e+03 : f32
      %mul3A_82 = vector.broadcast %mul3A_81 : f32 to vector<2304x128xf32>
      %mul3A_83 = arith.mulf %get3A_80, %mul3A_82 : vector<2304x128xf32>
      %get3A_84 = arith.constant 0 : index
      %get3A_85 = arith.constant 0 : index
      %get3A_86 = vector.load %arg9[%get3A_84, %get3A_85] : memref<2304x128xf32, #tpu.memory_space<vmem>>, vector<2304x128xf32>
      %add3A_87 = arith.addf %mul3A_83, %get3A_86 : vector<2304x128xf32>
      %reduce_min3A = arith.constant dense<0x7F800000> : vector<2304xf32>
      %reduce_min3A_88 = vector.multi_reduction <minimumf>, %get3A_77, %reduce_min3A [1] : vector<2304x128xf32> to vector<2304xf32>
      %broadcast_in_dim3A_89 = vector.shape_cast %reduce_min3A_88 : vector<2304xf32> to vector<2304x1xf32>
      %eq3A_90 = vector.broadcast %broadcast_in_dim3A_89 : vector<2304x1xf32> to vector<2304x128xf32>
      %eq3A_91 = arith.cmpf oeq, %get3A_77, %eq3A_90 : vector<2304x128xf32>
      %jit3A = arith.constant 8.192000e+03 : f32
      %broadcast_in_dim3A_92 = vector.broadcast %jit3A : f32 to vector<2304x128xf32>
      %select_n3A_93 = arith.select %eq3A_91, %add3A_87, %broadcast_in_dim3A_92 : vector<2304x128xi1>, vector<2304x128xf32>
      %reduce_min3A_94 = arith.constant dense<0x7F800000> : vector<2304xf32>
      %reduce_min3A_95 = vector.multi_reduction <minimumf>, %select_n3A_93, %reduce_min3A_94 [1] : vector<2304x128xf32> to vector<2304xf32>
      %broadcast_in_dim3A_96 = vector.shape_cast %reduce_min3A_95 : vector<2304xf32> to vector<2304x1xf32>
      %convert_element_type3A_97 = arith.fptosi %broadcast_in_dim3A_96 : vector<2304x1xf32> to vector<2304x1xi32>
      %swap3A = arith.constant 0 : index
      %swap3A_98 = arith.constant 0 : index
      %swap3A_99 = vector.load %arg5[%swap3A, %swap3A_98] : memref<2304x1xi32, #tpu.memory_space<vmem>>, vector<2304x1xi32>
      tpu.vector_store %arg5[%swap3A, %swap3A_98], %convert_element_type3A_97 {strides = array<i32>} : memref<2304x1xi32, #tpu.memory_space<vmem>>, vector<2304x1xi32>,
    } else {
    }
    return
  }
  func.func @transform_0(%arg0: i32, %arg1: i32) -> (i32, i32) {
    %c0_i32 = arith.constant 0 : i32
    %c0_i32_0 = arith.constant 0 : i32
    return %arg0, %c0_i32 : i32, i32
  }
  func.func @transform_1(%arg0: i32, %arg1: i32) -> (i32, i32) {
    %c0_i32 = arith.constant 0 : i32
    %c0_i32_0 = arith.constant 0 : i32
    return %arg0, %c0_i32 : i32, i32
  }
  func.func @transform_2(%arg0: i32, %arg1: i32) -> (i32, i32) {
    %c0_i32 = arith.constant 0 : i32
    %c0_i32_0 = arith.constant 0 : i32
    return %arg1, %c0_i32 : i32, i32
  }
  func.func @transform_3(%arg0: i32, %arg1: i32) -> (i32, i32) {
    %c0_i32 = arith.constant 0 : i32
    %c0_i32_0 = arith.constant 0 : i32
    return %arg0, %c0_i32 : i32, i32
  }
  func.func @transform_4(%arg0: i32, %arg1: i32) -> (i32, i32) {
    %c0_i32 = arith.constant 0 : i32
    %c0_i32_0 = arith.constant 0 : i32
    return %arg0, %c0_i32 : i32, i32
  }
  func.func @transform_5(%arg0: i32, %arg1: i32) -> (i32, i32) {
    %c0_i32 = arith.constant 0 : i32
    %c0_i32_0 = arith.constant 0 : i32
    %c0_i32_1 = arith.constant 0 : i32
    return %c0_i32, %c0_i32_0 : i32, i32
  }
}

module attributes {stable_mosaic.version = 14 : i64} {
  func.func @_final_body(%arg0: memref<4608x256xf32, #tpu.memory_space<vmem>>, %arg1: memref<4608x256xf32, #tpu.memory_space<vmem>>, %arg2: memref<4608x256xf32, #tpu.memory_space<vmem>>, %arg3: memref<32x8192xf32, #tpu.memory_space<vmem>>, %arg4: memref<1x1xf32, #tpu.memory_space<smem>>, %arg5: memref<1x1xf32, #tpu.memory_space<smem>>, %arg6: memref<1x1xf32, #tpu.memory_space<smem>>, %arg7: memref<4608x256xf32, #tpu.memory_space<vmem>>, %arg8: memref<4x1xf32, #tpu.memory_space<smem>>, %arg9: memref<1x1xf32, #tpu.memory_space<smem>>) attributes {dimension_semantics = [], scalar_prefetch = 0 : i64, scratch_operands = 0 : i64, tpu.core_type = #tpu.core_type<tc>} {
    %get3A = arith.constant 0 : index
    %get3A_0 = arith.constant 0 : index
    %get3A_1 = vector.load %arg1[%get3A, %get3A_0] : memref<4608x256xf32, #tpu.memory_space<vmem>>, vector<4608x256xf32>
    %get3A_2 = arith.constant 0 : index
    %get3A_3 = arith.constant 0 : index
    %get3A_4 = vector.load %arg2[%get3A_2, %get3A_3] : memref<4608x256xf32, #tpu.memory_space<vmem>>, vector<4608x256xf32>
    %sub3A = arith.subf %get3A_1, %get3A_4 : vector<4608x256xf32>
    %get3A_5 = arith.constant 0 : index
    %get3A_6 = arith.constant 0 : index
    %get3A_7 = vector.load %arg0[%get3A_5, %get3A_6] : memref<4608x256xf32, #tpu.memory_space<vmem>>, vector<4608x256xf32>
    %sub3A_8 = arith.subf %get3A_7, %sub3A : vector<4608x256xf32>
    %swap3A = arith.constant 0 : index
    %swap3A_9 = arith.constant 0 : index
    %swap3A_10 = vector.load %arg7[%swap3A, %swap3A_9] : memref<4608x256xf32, #tpu.memory_space<vmem>>, vector<4608x256xf32>
    tpu.vector_store %arg7[%swap3A, %swap3A_9], %sub3A_8 {strides = array<i32>} : memref<4608x256xf32, #tpu.memory_space<vmem>>, vector<4608x256xf32>,
    %get3A_11 = arith.constant 0 : index
    %get3A_12 = arith.constant 0 : index
    %get3A_13 = memref.load %arg4[%get3A_11, %get3A_12] : memref<1x1xf32, #tpu.memory_space<smem>>
    %mul3A = arith.constant 8.4771051E-7 : f32
    %mul3A_14 = arith.mulf %get3A_13, %mul3A : f32
    %swap3A_15 = arith.constant 0 : index
    %swap3A_16 = arith.constant 0 : index
    %swap3A_17 = memref.load %arg8[%swap3A_15, %swap3A_16] : memref<4x1xf32, #tpu.memory_space<smem>>
    memref.store %mul3A_14, %arg8[%swap3A_15, %swap3A_16] : memref<4x1xf32, #tpu.memory_space<smem>>
    %get3A_18 = arith.constant 0 : index
    %get3A_19 = arith.constant 0 : index
    %get3A_20 = memref.load %arg5[%get3A_18, %get3A_19] : memref<1x1xf32, #tpu.memory_space<smem>>
    %mul3A_21 = arith.constant 8.4771051E-7 : f32
    %mul3A_22 = arith.mulf %get3A_20, %mul3A_21 : f32
    %swap3A_23 = arith.constant 1 : index
    %swap3A_24 = arith.constant 0 : index
    %swap3A_25 = memref.load %arg8[%swap3A_23, %swap3A_24] : memref<4x1xf32, #tpu.memory_space<smem>>
    memref.store %mul3A_22, %arg8[%swap3A_23, %swap3A_24] : memref<4x1xf32, #tpu.memory_space<smem>>
    %get3A_26 = arith.constant 0 : index
    %get3A_27 = arith.constant 0 : index
    %get3A_28 = memref.load %arg6[%get3A_26, %get3A_27] : memref<1x1xf32, #tpu.memory_space<smem>>
    %mul3A_29 = arith.constant 8.4771051E-7 : f32
    %mul3A_30 = arith.mulf %get3A_28, %mul3A_29 : f32
    %swap3A_31 = arith.constant 2 : index
    %swap3A_32 = arith.constant 0 : index
    %swap3A_33 = memref.load %arg8[%swap3A_31, %swap3A_32] : memref<4x1xf32, #tpu.memory_space<smem>>
    memref.store %mul3A_30, %arg8[%swap3A_31, %swap3A_32] : memref<4x1xf32, #tpu.memory_space<smem>>
    %mul3A_34 = arith.mulf %sub3A, %sub3A : vector<4608x256xf32>
    %reduce_sum3A = vector.shape_cast %mul3A_34 : vector<4608x256xf32> to vector<1x4608x256xf32>
    %reduce_sum3A_35 = arith.constant dense<0.000000e+00> : vector<1xf32>
    %reduce_sum3A_36 = vector.multi_reduction <add>, %reduce_sum3A, %reduce_sum3A_35 [1, 2] : vector<1x4608x256xf32> to vector<1xf32>
    %reduce_sum3A_37 = vector.shape_cast %reduce_sum3A_36 : vector<1xf32> to vector<1x1x1xf32>
    %reduce_sum3A_38 = vector.extract %reduce_sum3A_37[0, 0, 0] : f32 from vector<1x1x1xf32>
    %mul3A_39 = arith.constant 8.4771051E-7 : f32
    %mul3A_40 = arith.mulf %reduce_sum3A_38, %mul3A_39 : f32
    %swap3A_41 = arith.constant 3 : index
    %swap3A_42 = arith.constant 0 : index
    %swap3A_43 = memref.load %arg8[%swap3A_41, %swap3A_42] : memref<4x1xf32, #tpu.memory_space<smem>>
    memref.store %mul3A_40, %arg8[%swap3A_41, %swap3A_42] : memref<4x1xf32, #tpu.memory_space<smem>>
    %get3A_44 = arith.constant 0 : index
    %get3A_45 = arith.constant 0 : index
    %get3A_46 = vector.load %arg3[%get3A_44, %get3A_45] : memref<32x8192xf32, #tpu.memory_space<vmem>>, vector<32x8192xf32>
    %reduce_sum3A_47 = arith.constant dense<0.000000e+00> : vector<8192xf32>
    %reduce_sum3A_48 = vector.multi_reduction <add>, %get3A_46, %reduce_sum3A_47 [0] : vector<32x8192xf32> to vector<8192xf32>
    %mul3A_49 = arith.constant 5.42534726E-5 : f32
    %mul3A_50 = vector.broadcast %mul3A_49 : f32 to vector<8192xf32>
    %mul3A_51 = arith.mulf %reduce_sum3A_48, %mul3A_50 : vector<8192xf32>
    %add3A = arith.constant 1.000000e-10 : f32
    %add3A_52 = vector.broadcast %add3A : f32 to vector<8192xf32>
    %add3A_53 = arith.addf %mul3A_51, %add3A_52 : vector<8192xf32>
    %log3A = math.log %add3A_53 : vector<8192xf32>
    %mul3A_54 = arith.mulf %mul3A_51, %log3A : vector<8192xf32>
    %reduce_sum3A_55 = vector.shape_cast %mul3A_54 : vector<8192xf32> to vector<1x8192xf32>
    %reduce_sum3A_56 = arith.constant dense<0.000000e+00> : vector<1xf32>
    %reduce_sum3A_57 = vector.multi_reduction <add>, %reduce_sum3A_55, %reduce_sum3A_56 [1] : vector<1x8192xf32> to vector<1xf32>
    %reduce_sum3A_58 = vector.shape_cast %reduce_sum3A_57 : vector<1xf32> to vector<1x1xf32>
    %reduce_sum3A_59 = vector.extract %reduce_sum3A_58[0, 0] : f32 from vector<1x1xf32>
    %neg3A = arith.constant 0.000000e+00 : f32
    %neg3A_60 = arith.subf %neg3A, %reduce_sum3A_59 : f32
    %exp3A = math.exp %neg3A_60 : f32
    %swap3A_61 = arith.constant 0 : index
    %swap3A_62 = arith.constant 0 : index
    %swap3A_63 = memref.load %arg9[%swap3A_61, %swap3A_62] : memref<1x1xf32, #tpu.memory_space<smem>>
    memref.store %exp3A, %arg9[%swap3A_61, %swap3A_62] : memref<1x1xf32, #tpu.memory_space<smem>>
    return
  }
}

</mosaic_0001>

<sc_bundles>
// kernel: kernel.11.cloned.1.call-start
scs
__scs_entry_jumppad:
0x0: {  	(pc) =	sbr.rel $0x88, $3  }
0x1: {  	(tag) =	ssettag $0x0;
	lr =	simm.s32 $0x1  }
0x2: {  	[smem:$0x3F9F] =	sst lr;
	_ =	strace $0xD0000000  }
0x3: {  	_ = 	snop  }
0x4: {  	_ = 	snop  }
0x5: {  	_ = 	snop  }
0x6: {  	_ = 	snop  }
0x7: {  	_ = 	snop  }
__scs_overlays_trampoline_lowered:
0x8: {  	[smem:$0x3FAE] =	sst s0  }
0x9: {  	[smem:$0x3FAF] =	sst s1  }
0xa: {  	[smem:$0x3FB0] =	sst s2  }
0xb: {  	[smem:$0x3FB1] =	sst s3  }
0xc: {  	[smem:$0x3FB2] =	sst s4  }
0xd: {  	[smem:$0x3FB3] =	sst s5  }
0xe: {  	[smem:$0x3FB4] =	sst s6  }
0xf: {  	[smem:$0x3FB5] =	sst s7  }
0x10: {  	[smem:$0x3FB6] =	sst s8  }
0x11: {  	[smem:$0x3FB7] =	sst s9;
	s0 =	simm.s32 @!p0 $0x0  }
0x12: {  	s1 =	sld [smem:$0x3F9D];
	s0 =	simm.s32 @p0 $0x1  }
0x13: {  	[smem:$0x3FB8] =	sst s0;
	s0 =	simm.s32 @!p1 $0x0  }
0x14: {  	s2 =	sld [smem:$0x3F9C];
	s0 =	simm.s32 @p1 $0x1  }
0x15: {  	[smem:$0x3FB9] =	sst s0;
	s0 =	simm.s32 @!p2 $0x0  }
0x16: {  	s3 =	sld [smem:$0x3FDB];
	s0 =	simm.s32 @p2 $0x1  }
0x17: {  	s4 =	simm.s32 $0x1BF5;
	[smem:$0x3FBB] =	sst s0  }
0x18: {  	s0 =	sld [smem:$0x3F9E];
	_ =	swait.ge [sflag:s4], $0x0  }
0x19: {  	s7 =	sld [smem:$0x3F9F]  }
0x1a: {  	s8 =	sadd.s32 $0xFFFFE003, lr  }
0x1b: {  	s9 =	sadd.s32 $0xFFFFFEF7, lr;
	s5 =	simm.s32 $0xFFFFFFFF;
	p2 =	slt.u32 s8, $0xFFFFF086  }
0x1c: {  	p1 =	slt.u32 s9, $0xF7A;
	s5 =	simm.s32 @!p2 $0x0  }
0x1d: {  	s5 =	simm.s32 @p1 $0x1;
	p0 =	seq.s32 s7, s2  }
0x1e: {  	s7 =	smul.u32 @!p0 $0xF7A, s2;
	p2 =	seq.s32 @!p0 s5, $0x0  }
0x1f: {  	s9 =	smul.u32 $0xF7A, s1;
	s8 =	simm.s32 @!p0 $0x1BF5;
	p2 =	por !p2, p0  }
0x20: {  	[sflag:s8] =	ssyncset.s32 @!p0 $0xFFFFF086;
	s6 =	sadd.s32 @!p0 s3, s7;
	s7 =	simm.s32 @!p0 $0x108  }
0x21: {  	s3 =	sadd.s32 s3, s9;
	s6 =	sadd.s32 @!p0 $0x88, s6;
	s7 =	simm.s32 @p2 $0x1082  }
0x22: {  	[simem:s7], [sflag:s8] =	dma.local @!p0 [hbm:s6], $0xF7A  }
0x23: {  	s9 =	sor.u32 $0xD0000000, s2;
	s6 =	simm.s32 $0x108;
	_ =	swait.ge @!p0 [sflag:s8], $0x0  }
0x24: {  	s3 =	sadd.s32 $0x88, s3;
	s6 =	simm.s32 @!p1 $0x1082;
	[sflag:s4] =	ssyncset.s32 $0xFFFFF086  }
0x25: {  	[simem:s6], [sflag:s4] =	dma.local [hbm:s3], $0xF7A  }
0x26: {  	[smem:$0x3F9F] =	sst s1;
	(tag) =	ssettag s2;
	_ =	strace s9  }
0x27: {  	s1 =	sld [smem:$0x3FAF]  }
0x28: {  	s2 =	sld [smem:$0x3FB0]  }
0x29: {  	s4 =	sld [smem:$0x3FB2]  }
0x2a: {  	p0 =	seq.s32 s5, $0x0;
	s5 =	sld [smem:$0x3FB3]  }
0x2b: {  	s6 =	sld [smem:$0x3FB4]  }
0x2c: {  	s7 =	sld [smem:$0x3FB5]  }
0x2d: {  	s3 =	simm.s32 $0x108;
	s8 =	sld [smem:$0x3FB6]  }
0x2e: {  	s3 =	simm.s32 @!p0 $0x1082;
	s9 =	sld [smem:$0x3FB7]  }
0x2f: {  	lr =	sadd.s32 s0, s3;
	s0 =	sld [smem:$0x3FAE]  }
0x30: {  	s3 =	sld [smem:$0x3FB1]  }
0x31: {  	[smem:$0x3FBA] =	sst s10  }
0x32: {  	s10 =	sld [smem:$0x3FB8];
	_ =	sdelay $0x3  }
0x33: {  	p0 =	seq.s32 s10, $0x1;
	s10 =	sld [smem:$0x3FBA];
	_ =	sdelay $0x3  }
0x34: {  	[smem:$0x3FBA] =	sst s10  }
0x35: {  	s10 =	sld [smem:$0x3FB9];
	_ =	sdelay $0x3  }
0x36: {  	p1 =	seq.s32 s10, $0x1;
	s10 =	sld [smem:$0x3FBA];
	_ =	sdelay $0x3  }
0x37: {  	[smem:$0x3FBA] =	sst s10  }
0x38: {  	s10 =	sld [smem:$0x3FBB]  }
0x39: {  	_ = 	snop;
	(pc) =	sbr.ind lr, $3  }
0x3a: {  	_ = 	snop  }
0x3b: {  	_ = 	snop  }
0x3c: {  	p2 =	seq.s32 s10, $0x1;
	s10 =	sld [smem:$0x3FBA]  }
0x3d: {  	_ =	shalt  }
0x3e: {  	_ =	shalt  }
0x3f: {  	_ =	shalt  }
0x40: {  	_ =	shalt  }
0x41: {  	_ =	shalt  }
0x42: {  	_ =	shalt  }
0x43: {  	_ =	shalt  }
0x44: {  	_ =	shalt  }
0x45: {  	_ =	shalt  }
0x46: {  	_ =	shalt  }
0x47: {  	_ =	shalt  }
0x48: {  	_ =	shalt  }
0x49: {  	_ =	shalt  }
0x4a: {  	_ =	shalt  }
0x4b: {  	_ =	shalt  }
0x4c: {  	_ =	shalt  }
0x4d: {  	_ =	shalt  }
0x4e: {  	_ =	shalt  }
0x4f: {  	_ =	shalt  }
0x50: {  	_ =	shalt  }
0x51: {  	_ =	shalt  }
0x52: {  	_ =	shalt  }
0x53: {  	_ =	shalt  }
0x54: {  	_ =	shalt  }
0x55: {  	_ =	shalt  }
0x56: {  	_ =	shalt  }
0x57: {  	_ =	shalt  }
0x58: {  	_ =	shalt  }
0x59: {  	_ =	shalt  }
0x5a: {  	_ =	shalt  }
0x5b: {  	_ =	shalt  }
0x5c: {  	_ =	shalt  }
0x5d: {  	_ =	shalt  }
0x5e: {  	_ =	shalt  }
0x5f: {  	_ =	shalt  }
0x60: {  	_ =	shalt  }
0x61: {  	_ =	shalt  }
0x62: {  	_ =	shalt  }
0x63: {  	_ =	shalt  }
0x64: {  	_ =	shalt  }
0x65: {  	_ =	shalt  }
0x66: {  	_ =	shalt  }
0x67: {  	_ =	shalt  }
0x68: {  	_ =	shalt  }
0x69: {  	_ =	shalt  }
0x6a: {  	_ =	shalt  }
0x6b: {  	_ =	shalt  }
0x6c: {  	_ =	shalt  }
0x6d: {  	_ =	shalt  }
0x6e: {  	_ =	shalt  }
0x6f: {  	_ =	shalt  }
0x70: {  	_ =	shalt  }
0x71: {  	_ =	shalt  }
0x72: {  	_ =	shalt  }
0x73: {  	_ =	shalt  }
0x74: {  	_ =	shalt  }
0x75: {  	_ =	shalt  }
0x76: {  	_ =	shalt  }
0x77: {  	_ =	shalt  }
0x78: {  	_ =	shalt  }
0x79: {  	_ =	shalt  }
0x7a: {  	_ =	shalt  }
0x7b: {  	_ =	shalt  }
0x7c: {  	_ =	shalt  }
0x7d: {  	_ =	shalt  }
0x7e: {  	_ =	shalt  }
0x7f: {  	_ =	shalt  }
0x80: {  	_ =	shalt  }
0x81: {  	_ =	shalt  }
0x82: {  	_ =	shalt  }
0x83: {  	_ =	shalt  }
0x84: {  	_ =	shalt  }
0x85: {  	_ =	shalt  }
0x86: {  	_ =	shalt  }
0x87: {  	_ =	shalt  }
.Lfunc_end0:
.L_simem_size_0:
called_computation_lowered:
.L_overlay_start_0:
0x88: {  	s2 =	sld [smem:$0x3FD9]  }
0x89: {  	s3 =	sld [smem:$0x3FFE];
	_ =	sdelay $0x1  }
0x8a: {  	s1 =	srdreg.scid  }
0x8b: {  	s0 =	sand.u32 $0x1, s1  }
0x8c: {  	s14 =	sshll.u32 s0, $0xA;
	s2 =	sadd.s32 s3, s2  }
0x8d: {  	s2 =	sadd.s32 s2, s14  }
0x8e: {  	[smem:$0x3FC6] =	sst s2  }
0x8f: {  	_ = 	snop  }
0x90: {  	s2 =	sld [smem:$0x3FD0];
	_ =	sdelay $0x2  }
0x91: {  	s15 =	simm.s32 $0xA;
	s4 =	simm.s32 $0x10  }
0x92: {  	[smem:s4], [sflag:s15] =	dma.local [hbm:s2], $0x1  }
0x93: {  	_ =	swait.eq [sflag:s15], $0x1  }
0x94: {  	[sflag:s15] =	ssyncset.done $0x0  }
0x95: {  	s16 =	sld [smem:$0x10];
	[sflag:s15] =	ssyncadd.s32 $0xFFFFFFFF  }
0x96: {  	s17 =	sld [smem:$0x11];
	(tm) =	ssettm $0x1  }
0x97: {  	s18 =	sld [smem:$0x3FFB];
	_ =	sdelay $0x3  }
0x98: {  	_ =	strace s18  }
0x99: {  	s4 =	sld [smem:$0x3FFC];
	_ =	sdelay $0x3  }
0x9a: {  	_ =	strace s4  }
0x9b: {  	s4 =	sld [smem:$0x3FFD];
	_ =	sdelay $0x3  }
0x9c: {  	_ =	strace s4  }
0x9d: {  	_ =	strace $0x8FFFFFFF  }
0x9e: {  	s19 =	sld [smem:$0x3FDB];
	_ =	sdelay $0x1  }
0x9f: {  	s5 =	simm.s32 $_scs_section_size  }
0xa0: {  	s6 =	simm.s32 $_size__tile_overlayer_lowered;
	s7 =	simm.s32 $_tile_overlayer_lowered  }
0xa1: {  	s22 =	simm.s32 $0x1BFF;
	s21 =	sshll.u32 s7, $0x1;
	s4 =	sadd.s32 s5, s19  }
0xa2: {  	s8 =	simm.s32 $0x0;
	s20 =	sshll.u32 s6, $0x1;
	s6 =	sadd.s32 s21, s4  }
0xa3: {  	[timem:s8], [sflag:s22] =	dma.local [hbm:s6], s20  }
0xa4: {  	_ =	swait.ge [sflag:s22], s20  }
0xa5: {  	s5 =	ssub.s32 $0x0, s20;
	[sflag:s22] =	ssyncset.done $0x0  }
0xa6: {  	[sflag:s22] =	ssyncadd.s32 s5;
	_ =	sdelay $0x1  }
0xa7: {  	s23 =	simm.s32 $0x1B8B  }
0xa8: {  	_ =	swait.ge [sflag:s23], $0x1  }
0xa9: {  	[sflag:s23] =	ssyncset.done $0x0  }
0xaa: {  	s25 =	simm.s32 $0x1B8E;
	s24 =	sld [smem:$0x3FFE];
	[sflag:s23] =	ssyncadd.s32 $0xFFFFFFFF  }
0xab: {  	s26 =	simm.s32 $execute0_lowered;
	[smem:$0x3FD2] =	sst s25  }
0xac: {  	s6 =	sshll.u32 s26, $0x1;
	_ =	strace $0x80000046;
	[dreg:$0x1] =	wrdreg $0xFFFFFFFF  }
0xad: {  	s28 =	simm.s32 $_size_execute0_lowered;
	s4 =	sadd.s32 s4, s6;
	[dreg:$0x0] =	wrdreg $0x0  }
0xae: {  	s6 =	sshll.u32 s28, $0x1;
	[dreg:$0x2] =	wrdreg s4  }
0xaf: {  	[dreg:$0x3] =	wrdreg s6  }
0xb0: {  	[dreg:$0x4] =	wrdreg $0xC0  }
0xb1: {  	_ =	task [dreg:s8], $0x5FFFF  }
0xb2: {  	[dreg:$0x1] =	wrdreg $0xFFFFFFFF  }
0xb3: {  	[dreg:$0x0] =	wrdreg $0x60  }
0xb4: {  	[dreg:$0x2] =	wrdreg s24  }
0xb5: {  	[dreg:$0x3] =	wrdreg s17  }
0xb6: {  	[dreg:$0x4] =	wrdreg s16  }
0xb7: {  	[dreg:$0x5] =	wrdreg $0x9  }
0xb8: {  	_ =	task.clear_ibuf [dreg:s8], $0x6FFFF;
	_ =	strace $0x90000046  }
0xb9: {  	s29 =	simm.s32 $0x9;
	_ =	strace $0x80000048  }
0xba: {  	_ =	swait.ge [sflag:s29], $0x1  }
0xbb: {  	[sflag:s29] =	ssyncadd.s32 $0xFFFFFFFF  }
0xbc: {  	_ =	strace $0x90000048  }
0xbd: {  	_ =	sfence  }
0xbe: {  	s30 =	sld [smem:$0x0];
	_ =	sdelay $0x2  }
0xbf: {  	s31 =	sshll.u32 s1, $0xD;
	s1 =	sshrl.u32 s1, $0x2  }
0xc0: {  	s3 =	sand.u32 $0x4000, s31;
	s1 =	sadd.s32 s1, s30  }
0xc1: {  	s0 =	sor.u32 s3, s0;
	s1 =	sshll.u32 s1, $0x11  }
0xc2: {  	s0 =	sor.u32 s1, s0  }
0xc3: {  	s0 =	sadd.s32 $0x8F2B, s0  }
0xc4: {  	[sflag:s0] =	ssyncadd.remote.s32 $0x1  }
0xc5: {  	_ =	sfence.sel $0xFFFF  }
0xc6: {  	[dreg:$0x0] =	wrdreg $0xFFFFFFFF;
	(pc) =	sbr.abs _section_cstart, $3  }
0xc7: {  	[dreg:$0x1] =	wrdreg $0xFFFFFFFF  }
0xc8: {  	_ =	task.clear_ibuf [dreg:s8], $0x2FFFF;
	_ =	strace $0x9FFFFFFF  }
0xc9: {  	(tm) =	ssettm $0x7FFFFFFF  }
tec
execute0_lowered:
.L_overlay_start_1:
0x0: {  	(tag) =	ssettag $0x1  }
0x1: {  	s3 =	rddreg [dreg:$0x0]  }
0x2: {  	s4 =	rddreg [dreg:$0x1]  }
0x3: {  	s5 =	rddreg [dreg:$0x2]  }
0x4: {  	s0 =	rddreg [dreg:$0x3];
	s6 =	srdreg.scid  }
0x5: {  	s1 =	stileid.u32;
	s2 =	simm.s32 $0x0;
	s10 =	simm.s32 $0x1100  }
0x6: {  	s11 =	simm.s32 $0x1900;
	s12 =	simm.s32 $0x2100;
	s13 =	simm.s32 $0x2900  }
0x7: {  	s14 =	simm.s32 $0x3100;
	s15 =	simm.s32 $0x3900;
	s16 =	simm.s32 $0x4100  }
0x8: {  	s17 =	simm.s32 $0x4900;
	s18 =	simm.s32 $0x5100;
	s19 =	simm.s32 $0x5900  }
0x9: {  	s20 =	simm.s32 $0x6100;
	s21 =	simm.s32 $0x6900;
	s22 =	simm.s32 $0x7100  }
0xa: {  	s23 =	simm.s32 $0x7900;
	s24 =	simm.s32 $0x8100;
	s25 =	simm.s32 $0x8900  }
0xb: {  	s26 =	simm.s32 $0x1;
	s6 =	sand.u32 $0x1, s6;
	s7 =	sshll.u32 s1, $0x1  }
0xc: {  	[smem:$0x7FF] =	sst s2;
	s7 =	sor.u32 s6, s7;
	s6 =	ssub.s32 $0x2, s6  }
0xd: {  	s3 =	sadd.s32 $0xC1000, s3;
	_ =	strace $0x80000047;
	s9 =	sshrl.u32 s6, $0x1  }
0xe: {  	v2 =	vlaneseq.u32;
	s8 =	smul.u32 $0x1200, s7;
	s7 =	sshll.u32 s7, $0x5;
	s6 =	ssub.s32 s6, s9  }
0xf: {  	vm0 =	vmmov $0xffff;
	v1 =	vshrl.u32 v2, $0x3;
	s4 =	sadd.s32 s4, s7;
	s7 =	simm.s32 $0x2;
	s9 =	simm.s32 $0x900  }
0x10: {  	v0 =	vand.u32 $0x7, v2;
	v2 =	vor.u32 $0x8, v2;
	v1 =	vmul.u32 $0x8, v1;
	s5 =	sadd.s32 s5, s8;
	s6 =	smax.u32 s6, $0x1;
	s8 =	simm.s32 $0x100  }
.LBB2_1:
0x11: {  	[tilespmem:s2], [sflag:$0x2] =	stream.linear.gather [hbm4b:s4+s2], $0x100, $0x38;
	[tilespmem:$0x9100] =	vst v63  }
0x12: {  	_ =	swait.ge [sflag:s7], $0x100  }
0x13: {  	[sflag:s7] =	ssyncset.done $0x0  }
0x14: {  	[sflag:s7] =	ssyncadd.s32 $0xFFFFFF00  }
0x15: {  	v3 =	vld [tilespmem:$0x0];
	_ =	sdelay $0x4  }
0x16: {  	v4 =	vshll.u32 v3, $0x1  }
0x17: {  	v3 =	vand.u32 $0x7, v3;
	v4 =	vand.u32 $0xFFFFFFF0, v4  }
0x18: {  	v3 =	vor.u32 v3, v4  }
0x19: {  	v4 =	vperm.xlane v3, v0;
	_ =	sdelay $0x1  }
0x1a: {  	v3 =	vperm.xlane v3, v2;
	v4 =	vadd.s32 v1, v4;
	_ =	sdelay $0x1  }
0x1b: {  	v3 =	vadd.s32 v1, v3;
	_ =	sdelay $0x2  }
0x1c: {  	[tilespmem:s8], [sflag:$0x1] =	stream.indirect_vreg.gather [hbm4b:s3+s2], $0x80, v4, vm0, $0xb8;
	[tilespmem:$0x9100] =	vst v63  }
0x1d: {  	_ = 	snop  }
0x1e: {  	[tilespmem:s9], [sflag:$0x1] =	stream.indirect_vreg.gather [hbm4b:s3+s2], $0x80, v3, vm0, $0xb8;
	[tilespmem:$0x9100] =	vst v63  }
0x1f: {  	v3 =	vld [tilespmem:$0x10];
	_ =	sdelay $0x4  }
0x20: {  	v55 =	vshll.u32 v3, $0x1  }
0x21: {  	v3 =	vand.u32 $0x7, v3;
	v4 =	vand.u32 $0xFFFFFFF0, v55  }
0x22: {  	v3 =	vor.u32 v3, v4  }
0x23: {  	v4 =	vperm.xlane v3, v0;
	_ =	sdelay $0x1  }
0x24: {  	v3 =	vperm.xlane v3, v2;
	v4 =	vadd.s32 v1, v4;
	_ =	sdelay $0x1  }
0x25: {  	v3 =	vadd.s32 v1, v3;
	_ =	sdelay $0x2  }
0x26: {  	[tilespmem:s10], [sflag:$0x1] =	stream.indirect_vreg.gather [hbm4b:s3+s2], $0x80, v4, vm0, $0xb8;
	[tilespmem:$0x9100] =	vst v63  }
0x27: {  	_ = 	snop  }
0x28: {  	[tilespmem:s11], [sflag:$0x1] =	stream.indirect_vreg.gather [hbm4b:s3+s2], $0x80, v3, vm0, $0xb8;
	[tilespmem:$0x9100] =	vst v63  }
0x29: {  	v3 =	vld [tilespmem:$0x20];
	_ =	sdelay $0x4  }
0x2a: {  	v56 =	vshll.u32 v3, $0x1  }
0x2b: {  	v3 =	vand.u32 $0x7, v3;
	v4 =	vand.u32 $0xFFFFFFF0, v56  }
0x2c: {  	v3 =	vor.u32 v3, v4  }
0x2d: {  	v4 =	vperm.xlane v3, v0;
	_ =	sdelay $0x1  }
0x2e: {  	v3 =	vperm.xlane v3, v2;
	v4 =	vadd.s32 v1, v4;
	_ =	sdelay $0x1  }
0x2f: {  	v3 =	vadd.s32 v1, v3;
	_ =	sdelay $0x2  }
0x30: {  	[tilespmem:s12], [sflag:$0x1] =	stream.indirect_vreg.gather [hbm4b:s3+s2], $0x80, v4, vm0, $0xb8;
	[tilespmem:$0x9100] =	vst v63  }
0x31: {  	_ = 	snop  }
0x32: {  	[tilespmem:s13], [sflag:$0x1] =	stream.indirect_vreg.gather [hbm4b:s3+s2], $0x80, v3, vm0, $0xb8;
	[tilespmem:$0x9100] =	vst v63  }
0x33: {  	v3 =	vld [tilespmem:$0x30];
	_ =	sdelay $0x4  }
0x34: {  	v57 =	vshll.u32 v3, $0x1  }
0x35: {  	v3 =	vand.u32 $0x7, v3;
	v4 =	vand.u32 $0xFFFFFFF0, v57  }
0x36: {  	v3 =	vor.u32 v3, v4  }
0x37: {  	v4 =	vperm.xlane v3, v0;
	_ =	sdelay $0x1  }
0x38: {  	v3 =	vperm.xlane v3, v2;
	v4 =	vadd.s32 v1, v4;
	_ =	sdelay $0x1  }
0x39: {  	v3 =	vadd.s32 v1, v3;
	_ =	sdelay $0x2  }
0x3a: {  	[tilespmem:s14], [sflag:$0x1] =	stream.indirect_vreg.gather [hbm4b:s3+s2], $0x80, v4, vm0, $0xb8;
	[tilespmem:$0x9100] =	vst v63  }
0x3b: {  	_ = 	snop  }
0x3c: {  	[tilespmem:s15], [sflag:$0x1] =	stream.indirect_vreg.gather [hbm4b:s3+s2], $0x80, v3, vm0, $0xb8;
	[tilespmem:$0x9100] =	vst v63  }
0x3d: {  	v3 =	vld.msk [tilespmem:$0x40], $0xff;
	_ =	sdelay $0x4  }
0x3e: {  	v58 =	vshll.u32 v3, $0x1  }
0x3f: {  	v3 =	vand.u32 $0x7, v3;
	v4 =	vand.u32 $0xFFFFFFF0, v58  }
0x40: {  	v3 =	vor.u32 v3, v4  }
0x41: {  	v3 =	vperm.xlane v3, v0;
	_ =	sdelay $0x1  }
0x42: {  	v3 =	vadd.s32 v1, v3;
	_ =	sdelay $0x4  }
0x43: {  	[tilespmem:s16], [sflag:$0x1] =	stream.indirect_vreg.gather [hbm4b:s3+s2], $0x80, v3, vm0, $0xb8;
	[tilespmem:$0x9100] =	vst v63  }
0x44: {  	v3 =	vld [tilespmem:$0x80];
	_ =	sdelay $0x4  }
0x45: {  	v59 =	vshll.u32 v3, $0x1  }
0x46: {  	v3 =	vand.u32 $0x7, v3;
	v4 =	vand.u32 $0xFFFFFFF0, v59  }
0x47: {  	v3 =	vor.u32 v3, v4  }
0x48: {  	v4 =	vperm.xlane v3, v0;
	_ =	sdelay $0x1  }
0x49: {  	v3 =	vperm.xlane v3, v2;
	v4 =	vadd.s32 v1, v4;
	_ =	sdelay $0x1  }
0x4a: {  	v3 =	vadd.s32 v1, v3;
	_ =	sdelay $0x2  }
0x4b: {  	[tilespmem:s17], [sflag:$0x1] =	stream.indirect_vreg.gather [hbm4b:s3+s2], $0x80, v4, vm0, $0xb8;
	[tilespmem:$0x9100] =	vst v63  }
0x4c: {  	_ = 	snop  }
0x4d: {  	[tilespmem:s18], [sflag:$0x1] =	stream.indirect_vreg.gather [hbm4b:s3+s2], $0x80, v3, vm0, $0xb8;
	[tilespmem:$0x9100] =	vst v63  }
0x4e: {  	v3 =	vld [tilespmem:$0x90];
	_ =	sdelay $0x4  }
0x4f: {  	v60 =	vshll.u32 v3, $0x1  }
0x50: {  	v3 =	vand.u32 $0x7, v3;
	v4 =	vand.u32 $0xFFFFFFF0, v60  }
0x51: {  	v3 =	vor.u32 v3, v4  }
0x52: {  	v4 =	vperm.xlane v3, v0;
	_ =	sdelay $0x1  }
0x53: {  	v3 =	vperm.xlane v3, v2;
	v4 =	vadd.s32 v1, v4;
	_ =	sdelay $0x1  }
0x54: {  	v3 =	vadd.s32 v1, v3;
	_ =	sdelay $0x2  }
0x55: {  	[tilespmem:s19], [sflag:$0x1] =	stream.indirect_vreg.gather [hbm4b:s3+s2], $0x80, v4, vm0, $0xb8;
	[tilespmem:$0x9100] =	vst v63  }
0x56: {  	_ = 	snop  }
0x57: {  	[tilespmem:s20], [sflag:$0x1] =	stream.indirect_vreg.gather [hbm4b:s3+s2], $0x80, v3, vm0, $0xb8;
	[tilespmem:$0x9100] =	vst v63  }
0x58: {  	v3 =	vld [tilespmem:$0xA0];
	_ =	sdelay $0x4  }
0x59: {  	v61 =	vshll.u32 v3, $0x1  }
0x5a: {  	v3 =	vand.u32 $0x7, v3;
	v4 =	vand.u32 $0xFFFFFFF0, v61  }
0x5b: {  	v3 =	vor.u32 v3, v4  }
0x5c: {  	v4 =	vperm.xlane v3, v0;
	_ =	sdelay $0x1  }
0x5d: {  	v3 =	vperm.xlane v3, v2;
	v4 =	vadd.s32 v1, v4;
	_ =	sdelay $0x1  }
0x5e: {  	v3 =	vadd.s32 v1, v3;
	_ =	sdelay $0x2  }
0x5f: {  	[tilespmem:s21], [sflag:$0x1] =	stream.indirect_vreg.gather [hbm4b:s3+s2], $0x80, v4, vm0, $0xb8;
	[tilespmem:$0x9100] =	vst v63  }
0x60: {  	_ = 	snop  }
0x61: {  	[tilespmem:s22], [sflag:$0x1] =	stream.indirect_vreg.gather [hbm4b:s3+s2], $0x80, v3, vm0, $0xb8;
	[tilespmem:$0x9100] =	vst v63  }
0x62: {  	v3 =	vld [tilespmem:$0xB0];
	_ =	sdelay $0x4  }
0x63: {  	v62 =	vshll.u32 v3, $0x1  }
0x64: {  	v3 =	vand.u32 $0x7, v3;
	v4 =	vand.u32 $0xFFFFFFF0, v62  }
0x65: {  	v3 =	vor.u32 v3, v4  }
0x66: {  	v4 =	vperm.xlane v3, v0;
	_ =	sdelay $0x1  }
0x67: {  	v3 =	vperm.xlane v3, v2;
	v4 =	vadd.s32 v1, v4;
	_ =	sdelay $0x1  }
0x68: {  	v3 =	vadd.s32 v1, v3;
	_ =	sdelay $0x2  }
0x69: {  	[tilespmem:s23], [sflag:$0x1] =	stream.indirect_vreg.gather [hbm4b:s3+s2], $0x80, v4, vm0, $0xb8;
	[tilespmem:$0x9100] =	vst v63  }
0x6a: {  	_ = 	snop  }
0x6b: {  	[tilespmem:s24], [sflag:$0x1] =	stream.indirect_vreg.gather [hbm4b:s3+s2], $0x80, v3, vm0, $0xb8;
	[tilespmem:$0x9100] =	vst v63  }
0x6c: {  	v3 =	vld.msk [tilespmem:$0xC0], $0xff;
	_ =	sdelay $0x4  }
0x6d: {  	v63 =	vshll.u32 v3, $0x1  }
0x6e: {  	v3 =	vand.u32 $0x7, v3;
	v4 =	vand.u32 $0xFFFFFFF0, v63  }
0x6f: {  	v3 =	vor.u32 v3, v4  }
0x70: {  	v3 =	vperm.xlane v3, v0;
	_ =	sdelay $0x1  }
0x71: {  	v3 =	vadd.s32 v1, v3;
	_ =	sdelay $0x4  }
0x72: {  	[tilespmem:s25], [sflag:$0x1] =	stream.indirect_vreg.gather [hbm4b:s3+s2], $0x80, v3, vm0, $0xb8;
	[tilespmem:$0x9100] =	vst v63  }
0x73: {  	_ =	swait.ge [sflag:s26], $0x4800  }
0x74: {  	[sflag:s26] =	ssyncset.done $0x0  }
0x75: {  	[sflag:s26] =	ssyncadd.s32 $0xFFFFB800  }
0x76: {  	_ =	swait.ge [sflag:s26], $0x4800  }
0x77: {  	p0 =	sne.s32 s6, $0x1;
	[sflag:s26] =	ssyncset.done $0x0  }
.Ltmp0:
0x78: {  	[sflag:s26] =	ssyncadd.s32 $0xFFFFB800;
	(pc) =	sbr.rel @p0 .LBB2_1-.Ltmp0, $4  }
0x79: {  	[hbm4b:s5+s2] =	stream.linear.scatter [tilespmem:s8], [sflag:$0x2], $0x9000, $0x38;
	[tilespmem:$0x9100] =	vst v63  }
0x7a: {  	_ =	swait.ge [sflag:s7], $0x9000  }
0x7b: {  	[sflag:s7] =	ssyncset.done $0x0  }
0x7c: {  	s6 =	sadd.s32 $0xFFFFFFFF, s6;
	[sflag:s7] =	ssyncadd.s32 $0xFFFF7000  }
0x7d: {  	_ =	sfence.sel $0x180000  }
0x7e: {  	[bflag:$0x0] =	sbarrier.arrive $0xFFFF  }
0x7f: {  	p0 =	sne.s32 s1, $0x0;
	_ =	strace $0x90000047  }
0x80: {  	s0 =	sadd.s32 @!p0 $0x100000, s0;
	[bflag:$0x2] =	sbarrier.arrive $0xFFFF  }
0x81: {  	[sflag:s0] =	ssyncadd.tile.s32 @!p0 $0x1;
	_ =	shalt  }
.Lfunc_end2:
_tile_overlayer_lowered:
.L_overlay_start_2:
0x82: {  	(tag) =	ssettag $0x2  }
0x83: {  	s0 =	rddreg [dreg:$0x0];
	s2 =	stileid.u32  }
0x84: {  	s1 =	rddreg [dreg:$0x1];
	p0 =	sne.s32 s2, $0x0  }
0x85: {  	s3 =	rddreg [dreg:$0x2];
	[bflag:$0x3] =	sbarrier.arrive $0xFFFF;
	s2 =	simm.s32 @!p0 $0x1C02  }
0x86: {  	[timem:s3], [sflag:s2] =	dma.local @!p0 [hbm:s0], s1  }
0x87: {  	s0 =	simm.s32 @!p0 $0x2  }
0x88: {  	_ =	swait.ge @!p0 [sflag:s0], s1  }
0x89: {  	s1 =	ssub.s32 @!p0 $0x0, s1;
	[sflag:s0] =	ssyncset.done @!p0 $0x0  }
0x8a: {  	[sflag:s0] =	ssyncadd.s32 @!p0 s1  }
0x8b: {  	[bflag:$0x3] =	sbarrier.arrive $0xFFFF  }
0x8c: {  	_ =	shalt  }

// kernel: kernel.14.cloned.1.call-start
scs
__scs_entry_jumppad:
0x0: {  	(pc) =	sbr.rel $0x88, $3  }
0x1: {  	(tag) =	ssettag $0x0;
	lr =	simm.s32 $0x1  }
0x2: {  	[smem:$0x3F9F] =	sst lr;
	_ =	strace $0xD0000000  }
0x3: {  	_ = 	snop  }
0x4: {  	_ = 	snop  }
0x5: {  	_ = 	snop  }
0x6: {  	_ = 	snop  }
0x7: {  	_ = 	snop  }
__scs_overlays_trampoline_lowered:
0x8: {  	[smem:$0x3FAE] =	sst s0  }
0x9: {  	[smem:$0x3FAF] =	sst s1  }
0xa: {  	[smem:$0x3FB0] =	sst s2  }
0xb: {  	[smem:$0x3FB1] =	sst s3  }
0xc: {  	[smem:$0x3FB2] =	sst s4  }
0xd: {  	[smem:$0x3FB3] =	sst s5  }
0xe: {  	[smem:$0x3FB4] =	sst s6  }
0xf: {  	[smem:$0x3FB5] =	sst s7  }
0x10: {  	[smem:$0x3FB6] =	sst s8  }
0x11: {  	[smem:$0x3FB7] =	sst s9;
	s0 =	simm.s32 @!p0 $0x0  }
0x12: {  	s1 =	sld [smem:$0x3F9D];
	s0 =	simm.s32 @p0 $0x1  }
0x13: {  	[smem:$0x3FB8] =	sst s0;
	s0 =	simm.s32 @!p1 $0x0  }
0x14: {  	s2 =	sld [smem:$0x3F9C];
	s0 =	simm.s32 @p1 $0x1  }
0x15: {  	[smem:$0x3FB9] =	sst s0;
	s0 =	simm.s32 @!p2 $0x0  }
0x16: {  	s3 =	sld [smem:$0x3FDB];
	s0 =	simm.s32 @p2 $0x1  }
0x17: {  	s4 =	simm.s32 $0x1BF5;
	[smem:$0x3FBB] =	sst s0  }
0x18: {  	s0 =	sld [smem:$0x3F9E];
	_ =	swait.ge [sflag:s4], $0x0  }
0x19: {  	s7 =	sld [smem:$0x3F9F]  }
0x1a: {  	s8 =	sadd.s32 $0xFFFFE003, lr  }
0x1b: {  	s9 =	sadd.s32 $0xFFFFFEF7, lr;
	s5 =	simm.s32 $0xFFFFFFFF;
	p2 =	slt.u32 s8, $0xFFFFF086  }
0x1c: {  	p1 =	slt.u32 s9, $0xF7A;
	s5 =	simm.s32 @!p2 $0x0  }
0x1d: {  	s5 =	simm.s32 @p1 $0x1;
	p0 =	seq.s32 s7, s2  }
0x1e: {  	s7 =	smul.u32 @!p0 $0xF7A, s2;
	p2 =	seq.s32 @!p0 s5, $0x0  }
0x1f: {  	s9 =	smul.u32 $0xF7A, s1;
	s8 =	simm.s32 @!p0 $0x1BF5;
	p2 =	por !p2, p0  }
0x20: {  	[sflag:s8] =	ssyncset.s32 @!p0 $0xFFFFF086;
	s6 =	sadd.s32 @!p0 s3, s7;
	s7 =	simm.s32 @!p0 $0x108  }
0x21: {  	s3 =	sadd.s32 s3, s9;
	s6 =	sadd.s32 @!p0 $0x88, s6;
	s7 =	simm.s32 @p2 $0x1082  }
0x22: {  	[simem:s7], [sflag:s8] =	dma.local @!p0 [hbm:s6], $0xF7A  }
0x23: {  	s9 =	sor.u32 $0xD0000000, s2;
	s6 =	simm.s32 $0x108;
	_ =	swait.ge @!p0 [sflag:s8], $0x0  }
0x24: {  	s3 =	sadd.s32 $0x88, s3;
	s6 =	simm.s32 @!p1 $0x1082;
	[sflag:s4] =	ssyncset.s32 $0xFFFFF086  }
0x25: {  	[simem:s6], [sflag:s4] =	dma.local [hbm:s3], $0xF7A  }
0x26: {  	[smem:$0x3F9F] =	sst s1;
	(tag) =	ssettag s2;
	_ =	strace s9  }
0x27: {  	s1 =	sld [smem:$0x3FAF]  }
0x28: {  	s2 =	sld [smem:$0x3FB0]  }
0x29: {  	s4 =	sld [smem:$0x3FB2]  }
0x2a: {  	p0 =	seq.s32 s5, $0x0;
	s5 =	sld [smem:$0x3FB3]  }
0x2b: {  	s6 =	sld [smem:$0x3FB4]  }
0x2c: {  	s7 =	sld [smem:$0x3FB5]  }
0x2d: {  	s3 =	simm.s32 $0x108;
	s8 =	sld [smem:$0x3FB6]  }
0x2e: {  	s3 =	simm.s32 @!p0 $0x1082;
	s9 =	sld [smem:$0x3FB7]  }
0x2f: {  	lr =	sadd.s32 s0, s3;
	s0 =	sld [smem:$0x3FAE]  }
0x30: {  	s3 =	sld [smem:$0x3FB1]  }
0x31: {  	[smem:$0x3FBA] =	sst s10  }
0x32: {  	s10 =	sld [smem:$0x3FB8];
	_ =	sdelay $0x3  }
0x33: {  	p0 =	seq.s32 s10, $0x1;
	s10 =	sld [smem:$0x3FBA];
	_ =	sdelay $0x3  }
0x34: {  	[smem:$0x3FBA] =	sst s10  }
0x35: {  	s10 =	sld [smem:$0x3FB9];
	_ =	sdelay $0x3  }
0x36: {  	p1 =	seq.s32 s10, $0x1;
	s10 =	sld [smem:$0x3FBA];
	_ =	sdelay $0x3  }
0x37: {  	[smem:$0x3FBA] =	sst s10  }
0x38: {  	s10 =	sld [smem:$0x3FBB]  }
0x39: {  	_ = 	snop;
	(pc) =	sbr.ind lr, $3  }
0x3a: {  	_ = 	snop  }
0x3b: {  	_ = 	snop  }
0x3c: {  	p2 =	seq.s32 s10, $0x1;
	s10 =	sld [smem:$0x3FBA]  }
0x3d: {  	_ =	shalt  }
0x3e: {  	_ =	shalt  }
0x3f: {  	_ =	shalt  }
0x40: {  	_ =	shalt  }
0x41: {  	_ =	shalt  }
0x42: {  	_ =	shalt  }
0x43: {  	_ =	shalt  }
0x44: {  	_ =	shalt  }
0x45: {  	_ =	shalt  }
0x46: {  	_ =	shalt  }
0x47: {  	_ =	shalt  }
0x48: {  	_ =	shalt  }
0x49: {  	_ =	shalt  }
0x4a: {  	_ =	shalt  }
0x4b: {  	_ =	shalt  }
0x4c: {  	_ =	shalt  }
0x4d: {  	_ =	shalt  }
0x4e: {  	_ =	shalt  }
0x4f: {  	_ =	shalt  }
0x50: {  	_ =	shalt  }
0x51: {  	_ =	shalt  }
0x52: {  	_ =	shalt  }
0x53: {  	_ =	shalt  }
0x54: {  	_ =	shalt  }
0x55: {  	_ =	shalt  }
0x56: {  	_ =	shalt  }
0x57: {  	_ =	shalt  }
0x58: {  	_ =	shalt  }
0x59: {  	_ =	shalt  }
0x5a: {  	_ =	shalt  }
0x5b: {  	_ =	shalt  }
0x5c: {  	_ =	shalt  }
0x5d: {  	_ =	shalt  }
0x5e: {  	_ =	shalt  }
0x5f: {  	_ =	shalt  }
0x60: {  	_ =	shalt  }
0x61: {  	_ =	shalt  }
0x62: {  	_ =	shalt  }
0x63: {  	_ =	shalt  }
0x64: {  	_ =	shalt  }
0x65: {  	_ =	shalt  }
0x66: {  	_ =	shalt  }
0x67: {  	_ =	shalt  }
0x68: {  	_ =	shalt  }
0x69: {  	_ =	shalt  }
0x6a: {  	_ =	shalt  }
0x6b: {  	_ =	shalt  }
0x6c: {  	_ =	shalt  }
0x6d: {  	_ =	shalt  }
0x6e: {  	_ =	shalt  }
0x6f: {  	_ =	shalt  }
0x70: {  	_ =	shalt  }
0x71: {  	_ =	shalt  }
0x72: {  	_ =	shalt  }
0x73: {  	_ =	shalt  }
0x74: {  	_ =	shalt  }
0x75: {  	_ =	shalt  }
0x76: {  	_ =	shalt  }
0x77: {  	_ =	shalt  }
0x78: {  	_ =	shalt  }
0x79: {  	_ =	shalt  }
0x7a: {  	_ =	shalt  }
0x7b: {  	_ =	shalt  }
0x7c: {  	_ =	shalt  }
0x7d: {  	_ =	shalt  }
0x7e: {  	_ =	shalt  }
0x7f: {  	_ =	shalt  }
0x80: {  	_ =	shalt  }
0x81: {  	_ =	shalt  }
0x82: {  	_ =	shalt  }
0x83: {  	_ =	shalt  }
0x84: {  	_ =	shalt  }
0x85: {  	_ =	shalt  }
0x86: {  	_ =	shalt  }
0x87: {  	_ =	shalt  }
.Lfunc_end0:
.L_simem_size_0:
called_computation.1_lowered:
.L_overlay_start_0:
0x88: {  	s2 =	sld [smem:$0x3FD9]  }
0x89: {  	s3 =	sld [smem:$0x3FFE];
	_ =	sdelay $0x1  }
0x8a: {  	s1 =	srdreg.scid  }
0x8b: {  	s0 =	sand.u32 $0x1, s1  }
0x8c: {  	s14 =	sshll.u32 s0, $0xA;
	s2 =	sadd.s32 s3, s2  }
0x8d: {  	s2 =	sadd.s32 s2, s14  }
0x8e: {  	[smem:$0x3FC6] =	sst s2  }
0x8f: {  	_ = 	snop  }
0x90: {  	s2 =	sld [smem:$0x3FD0];
	_ =	sdelay $0x2  }
0x91: {  	s15 =	simm.s32 $0xA;
	s4 =	simm.s32 $0x10  }
0x92: {  	[smem:s4], [sflag:s15] =	dma.local [hbm:s2], $0x1  }
0x93: {  	_ =	swait.eq [sflag:s15], $0x1  }
0x94: {  	[sflag:s15] =	ssyncset.done $0x0  }
0x95: {  	s16 =	sld [smem:$0x10];
	[sflag:s15] =	ssyncadd.s32 $0xFFFFFFFF  }
0x96: {  	s17 =	sld [smem:$0x11];
	(tm) =	ssettm $0x1  }
0x97: {  	s18 =	sld [smem:$0x3FFB];
	_ =	sdelay $0x3  }
0x98: {  	_ =	strace s18  }
0x99: {  	s4 =	sld [smem:$0x3FFC];
	_ =	sdelay $0x3  }
0x9a: {  	_ =	strace s4  }
0x9b: {  	s4 =	sld [smem:$0x3FFD];
	_ =	sdelay $0x3  }
0x9c: {  	_ =	strace s4  }
0x9d: {  	_ =	strace $0x8FFFFFFF  }
0x9e: {  	s19 =	sld [smem:$0x3FDB];
	_ =	sdelay $0x1  }
0x9f: {  	s5 =	simm.s32 $_scs_section_size  }
0xa0: {  	s6 =	simm.s32 $_size__tile_overlayer_lowered;
	s7 =	simm.s32 $_tile_overlayer_lowered  }
0xa1: {  	s22 =	simm.s32 $0x1BFF;
	s21 =	sshll.u32 s7, $0x1;
	s4 =	sadd.s32 s5, s19  }
0xa2: {  	s8 =	simm.s32 $0x0;
	s20 =	sshll.u32 s6, $0x1;
	s6 =	sadd.s32 s21, s4  }
0xa3: {  	[timem:s8], [sflag:s22] =	dma.local [hbm:s6], s20  }
0xa4: {  	_ =	swait.ge [sflag:s22], s20  }
0xa5: {  	s5 =	ssub.s32 $0x0, s20;
	[sflag:s22] =	ssyncset.done $0x0  }
0xa6: {  	[sflag:s22] =	ssyncadd.s32 s5;
	_ =	sdelay $0x1  }
0xa7: {  	s23 =	simm.s32 $0x1B8B  }
0xa8: {  	_ =	swait.ge [sflag:s23], $0x1  }
0xa9: {  	[sflag:s23] =	ssyncset.done $0x0  }
0xaa: {  	s25 =	simm.s32 $0x1B8E;
	s24 =	sld [smem:$0x3FFE];
	[sflag:s23] =	ssyncadd.s32 $0xFFFFFFFF  }
0xab: {  	s26 =	simm.s32 $execute0_lowered;
	[smem:$0x3FD2] =	sst s25  }
0xac: {  	s6 =	sshll.u32 s26, $0x1;
	_ =	strace $0x80000049;
	[dreg:$0x1] =	wrdreg $0xFFFFFFFF  }
0xad: {  	s28 =	simm.s32 $_size_execute0_lowered;
	s4 =	sadd.s32 s4, s6;
	[dreg:$0x0] =	wrdreg $0x0  }
0xae: {  	s6 =	sshll.u32 s28, $0x1;
	[dreg:$0x2] =	wrdreg s4  }
0xaf: {  	[dreg:$0x3] =	wrdreg s6  }
0xb0: {  	[dreg:$0x4] =	wrdreg $0xC0  }
0xb1: {  	_ =	task [dreg:s8], $0x5FFFF  }
0xb2: {  	[dreg:$0x1] =	wrdreg $0xFFFFFFFF  }
0xb3: {  	[dreg:$0x0] =	wrdreg $0x60  }
0xb4: {  	[dreg:$0x2] =	wrdreg s24  }
0xb5: {  	[dreg:$0x3] =	wrdreg s17  }
0xb6: {  	[dreg:$0x4] =	wrdreg s16  }
0xb7: {  	[dreg:$0x5] =	wrdreg $0x9  }
0xb8: {  	_ =	task.clear_ibuf [dreg:s8], $0x6FFFF;
	_ =	strace $0x90000049  }
0xb9: {  	s29 =	simm.s32 $0x9;
	_ =	strace $0x8000004B  }
0xba: {  	_ =	swait.ge [sflag:s29], $0x1  }
0xbb: {  	[sflag:s29] =	ssyncadd.s32 $0xFFFFFFFF  }
0xbc: {  	_ =	strace $0x9000004B  }
0xbd: {  	_ =	sfence  }
0xbe: {  	s30 =	sld [smem:$0x0];
	_ =	sdelay $0x2  }
0xbf: {  	s31 =	sshll.u32 s1, $0xD;
	s1 =	sshrl.u32 s1, $0x2  }
0xc0: {  	s3 =	sand.u32 $0x4000, s31;
	s1 =	sadd.s32 s1, s30  }
0xc1: {  	s0 =	sor.u32 s3, s0;
	s1 =	sshll.u32 s1, $0x11  }
0xc2: {  	s0 =	sor.u32 s1, s0  }
0xc3: {  	s0 =	sadd.s32 $0x8F2B, s0  }
0xc4: {  	[sflag:s0] =	ssyncadd.remote.s32 $0x1  }
0xc5: {  	_ =	sfence.sel $0xFFFF  }
0xc6: {  	[dreg:$0x0] =	wrdreg $0xFFFFFFFF;
	(pc) =	sbr.abs _section_cstart, $3  }
0xc7: {  	[dreg:$0x1] =	wrdreg $0xFFFFFFFF  }
0xc8: {  	_ =	task.clear_ibuf [dreg:s8], $0x2FFFF;
	_ =	strace $0x9FFFFFFF  }
0xc9: {  	(tm) =	ssettm $0x7FFFFFFF  }
tec
execute0_lowered:
.L_overlay_start_1:
0x0: {  	(tag) =	ssettag $0x1  }
0x1: {  	s3 =	rddreg [dreg:$0x0]  }
0x2: {  	s4 =	rddreg [dreg:$0x1]  }
0x3: {  	s5 =	rddreg [dreg:$0x2]  }
0x4: {  	s0 =	rddreg [dreg:$0x3];
	s6 =	srdreg.scid  }
0x5: {  	s1 =	stileid.u32;
	s2 =	simm.s32 $0x0;
	s10 =	simm.s32 $0x1100  }
0x6: {  	s11 =	simm.s32 $0x1900;
	s12 =	simm.s32 $0x2100;
	s13 =	simm.s32 $0x2900  }
0x7: {  	s14 =	simm.s32 $0x3100;
	s15 =	simm.s32 $0x3900;
	s16 =	simm.s32 $0x4100  }
0x8: {  	s17 =	simm.s32 $0x4900;
	s18 =	simm.s32 $0x5100;
	s19 =	simm.s32 $0x5900  }
0x9: {  	s20 =	simm.s32 $0x6100;
	s21 =	simm.s32 $0x6900;
	s22 =	simm.s32 $0x7100  }
0xa: {  	s23 =	simm.s32 $0x7900;
	s24 =	simm.s32 $0x8100;
	s25 =	simm.s32 $0x8900  }
0xb: {  	s26 =	simm.s32 $0x1;
	s6 =	sand.u32 $0x1, s6;
	s7 =	sshll.u32 s1, $0x1  }
0xc: {  	[smem:$0x7FF] =	sst s2;
	s7 =	sor.u32 s6, s7;
	s6 =	ssub.s32 $0x2, s6  }
0xd: {  	s3 =	sadd.s32 $0x1000, s3;
	_ =	strace $0x8000004A;
	s9 =	sshrl.u32 s6, $0x1  }
0xe: {  	v2 =	vlaneseq.u32;
	s8 =	smul.u32 $0x1200, s7;
	s7 =	sshll.u32 s7, $0x5;
	s6 =	ssub.s32 s6, s9  }
0xf: {  	vm0 =	vmmov $0xffff;
	v1 =	vshrl.u32 v2, $0x3;
	s4 =	sadd.s32 s4, s7;
	s7 =	simm.s32 $0x2;
	s9 =	simm.s32 $0x900  }
0x10: {  	v0 =	vand.u32 $0x7, v2;
	v2 =	vor.u32 $0x8, v2;
	v1 =	vmul.u32 $0x8, v1;
	s5 =	sadd.s32 s5, s8;
	s6 =	smax.u32 s6, $0x1;
	s8 =	simm.s32 $0x100  }
.LBB2_1:
0x11: {  	[tilespmem:s2], [sflag:$0x2] =	stream.linear.gather [hbm4b:s4+s2], $0x100, $0x38;
	[tilespmem:$0x9100] =	vst v63  }
0x12: {  	_ =	swait.ge [sflag:s7], $0x100  }
0x13: {  	[sflag:s7] =	ssyncset.done $0x0  }
0x14: {  	[sflag:s7] =	ssyncadd.s32 $0xFFFFFF00  }
0x15: {  	v3 =	vld [tilespmem:$0x0];
	_ =	sdelay $0x4  }
0x16: {  	v4 =	vshll.u32 v3, $0x1  }
0x17: {  	v3 =	vand.u32 $0x7, v3;
	v4 =	vand.u32 $0xFFFFFFF0, v4  }
0x18: {  	v3 =	vor.u32 v3, v4  }
0x19: {  	v4 =	vperm.xlane v3, v0;
	_ =	sdelay $0x1  }
0x1a: {  	v3 =	vperm.xlane v3, v2;
	v4 =	vadd.s32 v1, v4;
	_ =	sdelay $0x1  }
0x1b: {  	v3 =	vadd.s32 v1, v3;
	_ =	sdelay $0x2  }
0x1c: {  	[tilespmem:s8], [sflag:$0x1] =	stream.indirect_vreg.gather [hbm4b:s3+s2], $0x80, v4, vm0, $0xb8;
	[tilespmem:$0x9100] =	vst v63  }
0x1d: {  	_ = 	snop  }
0x1e: {  	[tilespmem:s9], [sflag:$0x1] =	stream.indirect_vreg.gather [hbm4b:s3+s2], $0x80, v3, vm0, $0xb8;
	[tilespmem:$0x9100] =	vst v63  }
0x1f: {  	v3 =	vld [tilespmem:$0x10];
	_ =	sdelay $0x4  }
0x20: {  	v55 =	vshll.u32 v3, $0x1  }
0x21: {  	v3 =	vand.u32 $0x7, v3;
	v4 =	vand.u32 $0xFFFFFFF0, v55  }
0x22: {  	v3 =	vor.u32 v3, v4  }
0x23: {  	v4 =	vperm.xlane v3, v0;
	_ =	sdelay $0x1  }
0x24: {  	v3 =	vperm.xlane v3, v2;
	v4 =	vadd.s32 v1, v4;
	_ =	sdelay $0x1  }
0x25: {  	v3 =	vadd.s32 v1, v3;
	_ =	sdelay $0x2  }
0x26: {  	[tilespmem:s10], [sflag:$0x1] =	stream.indirect_vreg.gather [hbm4b:s3+s2], $0x80, v4, vm0, $0xb8;
	[tilespmem:$0x9100] =	vst v63  }
0x27: {  	_ = 	snop  }
0x28: {  	[tilespmem:s11], [sflag:$0x1] =	stream.indirect_vreg.gather [hbm4b:s3+s2], $0x80, v3, vm0, $0xb8;
	[tilespmem:$0x9100] =	vst v63  }
0x29: {  	v3 =	vld [tilespmem:$0x20];
	_ =	sdelay $0x4  }
0x2a: {  	v56 =	vshll.u32 v3, $0x1  }
0x2b: {  	v3 =	vand.u32 $0x7, v3;
	v4 =	vand.u32 $0xFFFFFFF0, v56  }
0x2c: {  	v3 =	vor.u32 v3, v4  }
0x2d: {  	v4 =	vperm.xlane v3, v0;
	_ =	sdelay $0x1  }
0x2e: {  	v3 =	vperm.xlane v3, v2;
	v4 =	vadd.s32 v1, v4;
	_ =	sdelay $0x1  }
0x2f: {  	v3 =	vadd.s32 v1, v3;
	_ =	sdelay $0x2  }
0x30: {  	[tilespmem:s12], [sflag:$0x1] =	stream.indirect_vreg.gather [hbm4b:s3+s2], $0x80, v4, vm0, $0xb8;
	[tilespmem:$0x9100] =	vst v63  }
0x31: {  	_ = 	snop  }
0x32: {  	[tilespmem:s13], [sflag:$0x1] =	stream.indirect_vreg.gather [hbm4b:s3+s2], $0x80, v3, vm0, $0xb8;
	[tilespmem:$0x9100] =	vst v63  }
0x33: {  	v3 =	vld [tilespmem:$0x30];
	_ =	sdelay $0x4  }
0x34: {  	v57 =	vshll.u32 v3, $0x1  }
0x35: {  	v3 =	vand.u32 $0x7, v3;
	v4 =	vand.u32 $0xFFFFFFF0, v57  }
0x36: {  	v3 =	vor.u32 v3, v4  }
0x37: {  	v4 =	vperm.xlane v3, v0;
	_ =	sdelay $0x1  }
0x38: {  	v3 =	vperm.xlane v3, v2;
	v4 =	vadd.s32 v1, v4;
	_ =	sdelay $0x1  }
0x39: {  	v3 =	vadd.s32 v1, v3;
	_ =	sdelay $0x2  }
0x3a: {  	[tilespmem:s14], [sflag:$0x1] =	stream.indirect_vreg.gather [hbm4b:s3+s2], $0x80, v4, vm0, $0xb8;
	[tilespmem:$0x9100] =	vst v63  }
0x3b: {  	_ = 	snop  }
0x3c: {  	[tilespmem:s15], [sflag:$0x1] =	stream.indirect_vreg.gather [hbm4b:s3+s2], $0x80, v3, vm0, $0xb8;
	[tilespmem:$0x9100] =	vst v63  }
0x3d: {  	v3 =	vld.msk [tilespmem:$0x40], $0xff;
	_ =	sdelay $0x4  }
0x3e: {  	v58 =	vshll.u32 v3, $0x1  }
0x3f: {  	v3 =	vand.u32 $0x7, v3;
	v4 =	vand.u32 $0xFFFFFFF0, v58  }
0x40: {  	v3 =	vor.u32 v3, v4  }
0x41: {  	v3 =	vperm.xlane v3, v0;
	_ =	sdelay $0x1  }
0x42: {  	v3 =	vadd.s32 v1, v3;
	_ =	sdelay $0x4  }
0x43: {  	[tilespmem:s16], [sflag:$0x1] =	stream.indirect_vreg.gather [hbm4b:s3+s2], $0x80, v3, vm0, $0xb8;
	[tilespmem:$0x9100] =	vst v63  }
0x44: {  	v3 =	vld [tilespmem:$0x80];
	_ =	sdelay $0x4  }
0x45: {  	v59 =	vshll.u32 v3, $0x1  }
0x46: {  	v3 =	vand.u32 $0x7, v3;
	v4 =	vand.u32 $0xFFFFFFF0, v59  }
0x47: {  	v3 =	vor.u32 v3, v4  }
0x48: {  	v4 =	vperm.xlane v3, v0;
	_ =	sdelay $0x1  }
0x49: {  	v3 =	vperm.xlane v3, v2;
	v4 =	vadd.s32 v1, v4;
	_ =	sdelay $0x1  }
0x4a: {  	v3 =	vadd.s32 v1, v3;
	_ =	sdelay $0x2  }
0x4b: {  	[tilespmem:s17], [sflag:$0x1] =	stream.indirect_vreg.gather [hbm4b:s3+s2], $0x80, v4, vm0, $0xb8;
	[tilespmem:$0x9100] =	vst v63  }
0x4c: {  	_ = 	snop  }
0x4d: {  	[tilespmem:s18], [sflag:$0x1] =	stream.indirect_vreg.gather [hbm4b:s3+s2], $0x80, v3, vm0, $0xb8;
	[tilespmem:$0x9100] =	vst v63  }
0x4e: {  	v3 =	vld [tilespmem:$0x90];
	_ =	sdelay $0x4  }
0x4f: {  	v60 =	vshll.u32 v3, $0x1  }
0x50: {  	v3 =	vand.u32 $0x7, v3;
	v4 =	vand.u32 $0xFFFFFFF0, v60  }
0x51: {  	v3 =	vor.u32 v3, v4  }
0x52: {  	v4 =	vperm.xlane v3, v0;
	_ =	sdelay $0x1  }
0x53: {  	v3 =	vperm.xlane v3, v2;
	v4 =	vadd.s32 v1, v4;
	_ =	sdelay $0x1  }
0x54: {  	v3 =	vadd.s32 v1, v3;
	_ =	sdelay $0x2  }
0x55: {  	[tilespmem:s19], [sflag:$0x1] =	stream.indirect_vreg.gather [hbm4b:s3+s2], $0x80, v4, vm0, $0xb8;
	[tilespmem:$0x9100] =	vst v63  }
0x56: {  	_ = 	snop  }
0x57: {  	[tilespmem:s20], [sflag:$0x1] =	stream.indirect_vreg.gather [hbm4b:s3+s2], $0x80, v3, vm0, $0xb8;
	[tilespmem:$0x9100] =	vst v63  }
0x58: {  	v3 =	vld [tilespmem:$0xA0];
	_ =	sdelay $0x4  }
0x59: {  	v61 =	vshll.u32 v3, $0x1  }
0x5a: {  	v3 =	vand.u32 $0x7, v3;
	v4 =	vand.u32 $0xFFFFFFF0, v61  }
0x5b: {  	v3 =	vor.u32 v3, v4  }
0x5c: {  	v4 =	vperm.xlane v3, v0;
	_ =	sdelay $0x1  }
0x5d: {  	v3 =	vperm.xlane v3, v2;
	v4 =	vadd.s32 v1, v4;
	_ =	sdelay $0x1  }
0x5e: {  	v3 =	vadd.s32 v1, v3;
	_ =	sdelay $0x2  }
0x5f: {  	[tilespmem:s21], [sflag:$0x1] =	stream.indirect_vreg.gather [hbm4b:s3+s2], $0x80, v4, vm0, $0xb8;
	[tilespmem:$0x9100] =	vst v63  }
0x60: {  	_ = 	snop  }
0x61: {  	[tilespmem:s22], [sflag:$0x1] =	stream.indirect_vreg.gather [hbm4b:s3+s2], $0x80, v3, vm0, $0xb8;
	[tilespmem:$0x9100] =	vst v63  }
0x62: {  	v3 =	vld [tilespmem:$0xB0];
	_ =	sdelay $0x4  }
0x63: {  	v62 =	vshll.u32 v3, $0x1  }
0x64: {  	v3 =	vand.u32 $0x7, v3;
	v4 =	vand.u32 $0xFFFFFFF0, v62  }
0x65: {  	v3 =	vor.u32 v3, v4  }
0x66: {  	v4 =	vperm.xlane v3, v0;
	_ =	sdelay $0x1  }
0x67: {  	v3 =	vperm.xlane v3, v2;
	v4 =	vadd.s32 v1, v4;
	_ =	sdelay $0x1  }
0x68: {  	v3 =	vadd.s32 v1, v3;
	_ =	sdelay $0x2  }
0x69: {  	[tilespmem:s23], [sflag:$0x1] =	stream.indirect_vreg.gather [hbm4b:s3+s2], $0x80, v4, vm0, $0xb8;
	[tilespmem:$0x9100] =	vst v63  }
0x6a: {  	_ = 	snop  }
0x6b: {  	[tilespmem:s24], [sflag:$0x1] =	stream.indirect_vreg.gather [hbm4b:s3+s2], $0x80, v3, vm0, $0xb8;
	[tilespmem:$0x9100] =	vst v63  }
0x6c: {  	v3 =	vld.msk [tilespmem:$0xC0], $0xff;
	_ =	sdelay $0x4  }
0x6d: {  	v63 =	vshll.u32 v3, $0x1  }
0x6e: {  	v3 =	vand.u32 $0x7, v3;
	v4 =	vand.u32 $0xFFFFFFF0, v63  }
0x6f: {  	v3 =	vor.u32 v3, v4  }
0x70: {  	v3 =	vperm.xlane v3, v0;
	_ =	sdelay $0x1  }
0x71: {  	v3 =	vadd.s32 v1, v3;
	_ =	sdelay $0x4  }
0x72: {  	[tilespmem:s25], [sflag:$0x1] =	stream.indirect_vreg.gather [hbm4b:s3+s2], $0x80, v3, vm0, $0xb8;
	[tilespmem:$0x9100] =	vst v63  }
0x73: {  	_ =	swait.ge [sflag:s26], $0x4800  }
0x74: {  	[sflag:s26] =	ssyncset.done $0x0  }
0x75: {  	[sflag:s26] =	ssyncadd.s32 $0xFFFFB800  }
0x76: {  	_ =	swait.ge [sflag:s26], $0x4800  }
0x77: {  	p0 =	sne.s32 s6, $0x1;
	[sflag:s26] =	ssyncset.done $0x0  }
.Ltmp0:
0x78: {  	[sflag:s26] =	ssyncadd.s32 $0xFFFFB800;
	(pc) =	sbr.rel @p0 .LBB2_1-.Ltmp0, $4  }
0x79: {  	[hbm4b:s5+s2] =	stream.linear.scatter [tilespmem:s8], [sflag:$0x2], $0x9000, $0x38;
	[tilespmem:$0x9100] =	vst v63  }
0x7a: {  	_ =	swait.ge [sflag:s7], $0x9000  }
0x7b: {  	[sflag:s7] =	ssyncset.done $0x0  }
0x7c: {  	s6 =	sadd.s32 $0xFFFFFFFF, s6;
	[sflag:s7] =	ssyncadd.s32 $0xFFFF7000  }
0x7d: {  	_ =	sfence.sel $0x180000  }
0x7e: {  	[bflag:$0x0] =	sbarrier.arrive $0xFFFF  }
0x7f: {  	p0 =	sne.s32 s1, $0x0;
	_ =	strace $0x9000004A  }
0x80: {  	s0 =	sadd.s32 @!p0 $0x100000, s0;
	[bflag:$0x2] =	sbarrier.arrive $0xFFFF  }
0x81: {  	[sflag:s0] =	ssyncadd.tile.s32 @!p0 $0x1;
	_ =	shalt  }
.Lfunc_end2:
_tile_overlayer_lowered:
.L_overlay_start_2:
0x82: {  	(tag) =	ssettag $0x2  }
0x83: {  	s0 =	rddreg [dreg:$0x0];
	s2 =	stileid.u32  }
0x84: {  	s1 =	rddreg [dreg:$0x1];
	p0 =	sne.s32 s2, $0x0  }
0x85: {  	s3 =	rddreg [dreg:$0x2];
	[bflag:$0x3] =	sbarrier.arrive $0xFFFF;
	s2 =	simm.s32 @!p0 $0x1C02  }
0x86: {  	[timem:s3], [sflag:s2] =	dma.local @!p0 [hbm:s0], s1  }
0x87: {  	s0 =	simm.s32 @!p0 $0x2  }
0x88: {  	_ =	swait.ge @!p0 [sflag:s0], s1  }
0x89: {  	s1 =	ssub.s32 @!p0 $0x0, s1;
	[sflag:s0] =	ssyncset.done @!p0 $0x0  }
0x8a: {  	[sflag:s0] =	ssyncadd.s32 @!p0 s1  }
0x8b: {  	[bflag:$0x3] =	sbarrier.arrive $0xFFFF  }
0x8c: {  	_ =	shalt  }

// kernel: kernel.17.cloned.1.call-start
scs
__scs_entry_jumppad:
0x0: {  	(pc) =	sbr.rel $0x88, $3  }
0x1: {  	(tag) =	ssettag $0x0;
	lr =	simm.s32 $0x1  }
0x2: {  	[smem:$0x3F9F] =	sst lr;
	_ =	strace $0xD0000000  }
0x3: {  	_ = 	snop  }
0x4: {  	_ = 	snop  }
0x5: {  	_ = 	snop  }
0x6: {  	_ = 	snop  }
0x7: {  	_ = 	snop  }
__scs_overlays_trampoline_lowered:
0x8: {  	[smem:$0x3FAE] =	sst s0  }
0x9: {  	[smem:$0x3FAF] =	sst s1  }
0xa: {  	[smem:$0x3FB0] =	sst s2  }
0xb: {  	[smem:$0x3FB1] =	sst s3  }
0xc: {  	[smem:$0x3FB2] =	sst s4  }
0xd: {  	[smem:$0x3FB3] =	sst s5  }
0xe: {  	[smem:$0x3FB4] =	sst s6  }
0xf: {  	[smem:$0x3FB5] =	sst s7  }
0x10: {  	[smem:$0x3FB6] =	sst s8  }
0x11: {  	[smem:$0x3FB7] =	sst s9;
	s0 =	simm.s32 @!p0 $0x0  }
0x12: {  	s1 =	sld [smem:$0x3F9D];
	s0 =	simm.s32 @p0 $0x1  }
0x13: {  	[smem:$0x3FB8] =	sst s0;
	s0 =	simm.s32 @!p1 $0x0  }
0x14: {  	s2 =	sld [smem:$0x3F9C];
	s0 =	simm.s32 @p1 $0x1  }
0x15: {  	[smem:$0x3FB9] =	sst s0;
	s0 =	simm.s32 @!p2 $0x0  }
0x16: {  	s3 =	sld [smem:$0x3FDB];
	s0 =	simm.s32 @p2 $0x1  }
0x17: {  	s4 =	simm.s32 $0x1BF5;
	[smem:$0x3FBB] =	sst s0  }
0x18: {  	s0 =	sld [smem:$0x3F9E];
	_ =	swait.ge [sflag:s4], $0x0  }
0x19: {  	s7 =	sld [smem:$0x3F9F]  }
0x1a: {  	s8 =	sadd.s32 $0xFFFFE003, lr  }
0x1b: {  	s9 =	sadd.s32 $0xFFFFFEF7, lr;
	s5 =	simm.s32 $0xFFFFFFFF;
	p2 =	slt.u32 s8, $0xFFFFF086  }
0x1c: {  	p1 =	slt.u32 s9, $0xF7A;
	s5 =	simm.s32 @!p2 $0x0  }
0x1d: {  	s5 =	simm.s32 @p1 $0x1;
	p0 =	seq.s32 s7, s2  }
0x1e: {  	s7 =	smul.u32 @!p0 $0xF7A, s2;
	p2 =	seq.s32 @!p0 s5, $0x0  }
0x1f: {  	s9 =	smul.u32 $0xF7A, s1;
	s8 =	simm.s32 @!p0 $0x1BF5;
	p2 =	por !p2, p0  }
0x20: {  	[sflag:s8] =	ssyncset.s32 @!p0 $0xFFFFF086;
	s6 =	sadd.s32 @!p0 s3, s7;
	s7 =	simm.s32 @!p0 $0x108  }
0x21: {  	s3 =	sadd.s32 s3, s9;
	s6 =	sadd.s32 @!p0 $0x88, s6;
	s7 =	simm.s32 @p2 $0x1082  }
0x22: {  	[simem:s7], [sflag:s8] =	dma.local @!p0 [hbm:s6], $0xF7A  }
0x23: {  	s9 =	sor.u32 $0xD0000000, s2;
	s6 =	simm.s32 $0x108;
	_ =	swait.ge @!p0 [sflag:s8], $0x0  }
0x24: {  	s3 =	sadd.s32 $0x88, s3;
	s6 =	simm.s32 @!p1 $0x1082;
	[sflag:s4] =	ssyncset.s32 $0xFFFFF086  }
0x25: {  	[simem:s6], [sflag:s4] =	dma.local [hbm:s3], $0xF7A  }
0x26: {  	[smem:$0x3F9F] =	sst s1;
	(tag) =	ssettag s2;
	_ =	strace s9  }
0x27: {  	s1 =	sld [smem:$0x3FAF]  }
0x28: {  	s2 =	sld [smem:$0x3FB0]  }
0x29: {  	s4 =	sld [smem:$0x3FB2]  }
0x2a: {  	p0 =	seq.s32 s5, $0x0;
	s5 =	sld [smem:$0x3FB3]  }
0x2b: {  	s6 =	sld [smem:$0x3FB4]  }
0x2c: {  	s7 =	sld [smem:$0x3FB5]  }
0x2d: {  	s3 =	simm.s32 $0x108;
	s8 =	sld [smem:$0x3FB6]  }
0x2e: {  	s3 =	simm.s32 @!p0 $0x1082;
	s9 =	sld [smem:$0x3FB7]  }
0x2f: {  	lr =	sadd.s32 s0, s3;
	s0 =	sld [smem:$0x3FAE]  }
0x30: {  	s3 =	sld [smem:$0x3FB1]  }
0x31: {  	[smem:$0x3FBA] =	sst s10  }
0x32: {  	s10 =	sld [smem:$0x3FB8];
	_ =	sdelay $0x3  }
0x33: {  	p0 =	seq.s32 s10, $0x1;
	s10 =	sld [smem:$0x3FBA];
	_ =	sdelay $0x3  }
0x34: {  	[smem:$0x3FBA] =	sst s10  }
0x35: {  	s10 =	sld [smem:$0x3FB9];
	_ =	sdelay $0x3  }
0x36: {  	p1 =	seq.s32 s10, $0x1;
	s10 =	sld [smem:$0x3FBA];
	_ =	sdelay $0x3  }
0x37: {  	[smem:$0x3FBA] =	sst s10  }
0x38: {  	s10 =	sld [smem:$0x3FBB]  }
0x39: {  	_ = 	snop;
	(pc) =	sbr.ind lr, $3  }
0x3a: {  	_ = 	snop  }
0x3b: {  	_ = 	snop  }
0x3c: {  	p2 =	seq.s32 s10, $0x1;
	s10 =	sld [smem:$0x3FBA]  }
0x3d: {  	_ =	shalt  }
0x3e: {  	_ =	shalt  }
0x3f: {  	_ =	shalt  }
0x40: {  	_ =	shalt  }
0x41: {  	_ =	shalt  }
0x42: {  	_ =	shalt  }
0x43: {  	_ =	shalt  }
0x44: {  	_ =	shalt  }
0x45: {  	_ =	shalt  }
0x46: {  	_ =	shalt  }
0x47: {  	_ =	shalt  }
0x48: {  	_ =	shalt  }
0x49: {  	_ =	shalt  }
0x4a: {  	_ =	shalt  }
0x4b: {  	_ =	shalt  }
0x4c: {  	_ =	shalt  }
0x4d: {  	_ =	shalt  }
0x4e: {  	_ =	shalt  }
0x4f: {  	_ =	shalt  }
0x50: {  	_ =	shalt  }
0x51: {  	_ =	shalt  }
0x52: {  	_ =	shalt  }
0x53: {  	_ =	shalt  }
0x54: {  	_ =	shalt  }
0x55: {  	_ =	shalt  }
0x56: {  	_ =	shalt  }
0x57: {  	_ =	shalt  }
0x58: {  	_ =	shalt  }
0x59: {  	_ =	shalt  }
0x5a: {  	_ =	shalt  }
0x5b: {  	_ =	shalt  }
0x5c: {  	_ =	shalt  }
0x5d: {  	_ =	shalt  }
0x5e: {  	_ =	shalt  }
0x5f: {  	_ =	shalt  }
0x60: {  	_ =	shalt  }
0x61: {  	_ =	shalt  }
0x62: {  	_ =	shalt  }
0x63: {  	_ =	shalt  }
0x64: {  	_ =	shalt  }
0x65: {  	_ =	shalt  }
0x66: {  	_ =	shalt  }
0x67: {  	_ =	shalt  }
0x68: {  	_ =	shalt  }
0x69: {  	_ =	shalt  }
0x6a: {  	_ =	shalt  }
0x6b: {  	_ =	shalt  }
0x6c: {  	_ =	shalt  }
0x6d: {  	_ =	shalt  }
0x6e: {  	_ =	shalt  }
0x6f: {  	_ =	shalt  }
0x70: {  	_ =	shalt  }
0x71: {  	_ =	shalt  }
0x72: {  	_ =	shalt  }
0x73: {  	_ =	shalt  }
0x74: {  	_ =	shalt  }
0x75: {  	_ =	shalt  }
0x76: {  	_ =	shalt  }
0x77: {  	_ =	shalt  }
0x78: {  	_ =	shalt  }
0x79: {  	_ =	shalt  }
0x7a: {  	_ =	shalt  }
0x7b: {  	_ =	shalt  }
0x7c: {  	_ =	shalt  }
0x7d: {  	_ =	shalt  }
0x7e: {  	_ =	shalt  }
0x7f: {  	_ =	shalt  }
0x80: {  	_ =	shalt  }
0x81: {  	_ =	shalt  }
0x82: {  	_ =	shalt  }
0x83: {  	_ =	shalt  }
0x84: {  	_ =	shalt  }
0x85: {  	_ =	shalt  }
0x86: {  	_ =	shalt  }
0x87: {  	_ =	shalt  }
.Lfunc_end0:
.L_simem_size_0:
called_computation.2_lowered:
.L_overlay_start_0:
0x88: {  	s2 =	sld [smem:$0x3FD9]  }
0x89: {  	s3 =	sld [smem:$0x3FFE];
	_ =	sdelay $0x1  }
0x8a: {  	s1 =	srdreg.scid  }
0x8b: {  	s0 =	sand.u32 $0x1, s1  }
0x8c: {  	s14 =	sshll.u32 s0, $0xA;
	s2 =	sadd.s32 s3, s2  }
0x8d: {  	s2 =	sadd.s32 s2, s14  }
0x8e: {  	[smem:$0x3FC6] =	sst s2  }
0x8f: {  	_ = 	snop  }
0x90: {  	s2 =	sld [smem:$0x3FD0];
	_ =	sdelay $0x2  }
0x91: {  	s15 =	simm.s32 $0xA;
	s4 =	simm.s32 $0x10  }
0x92: {  	[smem:s4], [sflag:s15] =	dma.local [hbm:s2], $0x1  }
0x93: {  	_ =	swait.eq [sflag:s15], $0x1  }
0x94: {  	[sflag:s15] =	ssyncset.done $0x0  }
0x95: {  	s16 =	sld [smem:$0x10];
	[sflag:s15] =	ssyncadd.s32 $0xFFFFFFFF  }
0x96: {  	s17 =	sld [smem:$0x11];
	(tm) =	ssettm $0x1  }
0x97: {  	s18 =	sld [smem:$0x3FFB];
	_ =	sdelay $0x3  }
0x98: {  	_ =	strace s18  }
0x99: {  	s4 =	sld [smem:$0x3FFC];
	_ =	sdelay $0x3  }
0x9a: {  	_ =	strace s4  }
0x9b: {  	s4 =	sld [smem:$0x3FFD];
	_ =	sdelay $0x3  }
0x9c: {  	_ =	strace s4  }
0x9d: {  	_ =	strace $0x8FFFFFFF  }
0x9e: {  	s19 =	sld [smem:$0x3FDB];
	_ =	sdelay $0x1  }
0x9f: {  	s5 =	simm.s32 $_scs_section_size  }
0xa0: {  	s6 =	simm.s32 $_size__tile_overlayer_lowered;
	s7 =	simm.s32 $_tile_overlayer_lowered  }
0xa1: {  	s22 =	simm.s32 $0x1BFF;
	s21 =	sshll.u32 s7, $0x1;
	s4 =	sadd.s32 s5, s19  }
0xa2: {  	s8 =	simm.s32 $0x0;
	s20 =	sshll.u32 s6, $0x1;
	s6 =	sadd.s32 s21, s4  }
0xa3: {  	[timem:s8], [sflag:s22] =	dma.local [hbm:s6], s20  }
0xa4: {  	_ =	swait.ge [sflag:s22], s20  }
0xa5: {  	s5 =	ssub.s32 $0x0, s20;
	[sflag:s22] =	ssyncset.done $0x0  }
0xa6: {  	[sflag:s22] =	ssyncadd.s32 s5;
	_ =	sdelay $0x1  }
0xa7: {  	s23 =	simm.s32 $0x1B8B  }
0xa8: {  	_ =	swait.ge [sflag:s23], $0x1  }
0xa9: {  	[sflag:s23] =	ssyncset.done $0x0  }
0xaa: {  	s25 =	simm.s32 $0x1B8E;
	s24 =	sld [smem:$0x3FFE];
	[sflag:s23] =	ssyncadd.s32 $0xFFFFFFFF  }
0xab: {  	s26 =	simm.s32 $execute0_lowered;
	[smem:$0x3FD2] =	sst s25  }
0xac: {  	s6 =	sshll.u32 s26, $0x1;
	_ =	strace $0x8000004C;
	[dreg:$0x1] =	wrdreg $0xFFFFFFFF  }
0xad: {  	s28 =	simm.s32 $_size_execute0_lowered;
	s4 =	sadd.s32 s4, s6;
	[dreg:$0x0] =	wrdreg $0x0  }
0xae: {  	s6 =	sshll.u32 s28, $0x1;
	[dreg:$0x2] =	wrdreg s4  }
0xaf: {  	[dreg:$0x3] =	wrdreg s6  }
0xb0: {  	[dreg:$0x4] =	wrdreg $0xC0  }
0xb1: {  	_ =	task [dreg:s8], $0x5FFFF  }
0xb2: {  	[dreg:$0x1] =	wrdreg $0xFFFFFFFF  }
0xb3: {  	[dreg:$0x0] =	wrdreg $0x60  }
0xb4: {  	[dreg:$0x2] =	wrdreg s24  }
0xb5: {  	[dreg:$0x3] =	wrdreg s17  }
0xb6: {  	[dreg:$0x4] =	wrdreg s16  }
0xb7: {  	[dreg:$0x5] =	wrdreg $0x9  }
0xb8: {  	_ =	task.clear_ibuf [dreg:s8], $0x6FFFF;
	_ =	strace $0x9000004C  }
0xb9: {  	s29 =	simm.s32 $0x9;
	_ =	strace $0x8000004E  }
0xba: {  	_ =	swait.ge [sflag:s29], $0x1  }
0xbb: {  	[sflag:s29] =	ssyncadd.s32 $0xFFFFFFFF  }
0xbc: {  	_ =	strace $0x9000004E  }
0xbd: {  	_ =	sfence  }
0xbe: {  	s30 =	sld [smem:$0x0];
	_ =	sdelay $0x2  }
0xbf: {  	s31 =	sshll.u32 s1, $0xD;
	s1 =	sshrl.u32 s1, $0x2  }
0xc0: {  	s3 =	sand.u32 $0x4000, s31;
	s1 =	sadd.s32 s1, s30  }
0xc1: {  	s0 =	sor.u32 s3, s0;
	s1 =	sshll.u32 s1, $0x11  }
0xc2: {  	s0 =	sor.u32 s1, s0  }
0xc3: {  	s0 =	sadd.s32 $0x8F2B, s0  }
0xc4: {  	[sflag:s0] =	ssyncadd.remote.s32 $0x1  }
0xc5: {  	_ =	sfence.sel $0xFFFF  }
0xc6: {  	[dreg:$0x0] =	wrdreg $0xFFFFFFFF;
	(pc) =	sbr.abs _section_cstart, $3  }
0xc7: {  	[dreg:$0x1] =	wrdreg $0xFFFFFFFF  }
0xc8: {  	_ =	task.clear_ibuf [dreg:s8], $0x2FFFF;
	_ =	strace $0x9FFFFFFF  }
0xc9: {  	(tm) =	ssettm $0x7FFFFFFF  }
tec
execute0_lowered:
.L_overlay_start_1:
0x0: {  	(tag) =	ssettag $0x1  }
0x1: {  	s3 =	rddreg [dreg:$0x0]  }
0x2: {  	s4 =	rddreg [dreg:$0x1]  }
0x3: {  	s5 =	rddreg [dreg:$0x2]  }
0x4: {  	s0 =	rddreg [dreg:$0x3];
	s6 =	srdreg.scid  }
0x5: {  	s1 =	stileid.u32;
	s2 =	simm.s32 $0x0;
	s10 =	simm.s32 $0x1100  }
0x6: {  	s11 =	simm.s32 $0x1900;
	s12 =	simm.s32 $0x2100;
	s13 =	simm.s32 $0x2900  }
0x7: {  	s14 =	simm.s32 $0x3100;
	s15 =	simm.s32 $0x3900;
	s16 =	simm.s32 $0x4100  }
0x8: {  	s17 =	simm.s32 $0x4900;
	s18 =	simm.s32 $0x5100;
	s19 =	simm.s32 $0x5900  }
0x9: {  	s20 =	simm.s32 $0x6100;
	s21 =	simm.s32 $0x6900;
	s22 =	simm.s32 $0x7100  }
0xa: {  	s23 =	simm.s32 $0x7900;
	s24 =	simm.s32 $0x8100;
	s25 =	simm.s32 $0x8900  }
0xb: {  	s26 =	simm.s32 $0x1;
	s6 =	sand.u32 $0x1, s6;
	s7 =	sshll.u32 s1, $0x1  }
0xc: {  	[smem:$0x7FF] =	sst s2;
	s7 =	sor.u32 s6, s7;
	s6 =	ssub.s32 $0x2, s6  }
0xd: {  	s3 =	sadd.s32 $0x41000, s3;
	_ =	strace $0x8000004D;
	s9 =	sshrl.u32 s6, $0x1  }
0xe: {  	v2 =	vlaneseq.u32;
	s8 =	smul.u32 $0x1200, s7;
	s7 =	sshll.u32 s7, $0x5;
	s6 =	ssub.s32 s6, s9  }
0xf: {  	vm0 =	vmmov $0xffff;
	v1 =	vshrl.u32 v2, $0x3;
	s4 =	sadd.s32 s4, s7;
	s7 =	simm.s32 $0x2;
	s9 =	simm.s32 $0x900  }
0x10: {  	v0 =	vand.u32 $0x7, v2;
	v2 =	vor.u32 $0x8, v2;
	v1 =	vmul.u32 $0x8, v1;
	s5 =	sadd.s32 s5, s8;
	s6 =	smax.u32 s6, $0x1;
	s8 =	simm.s32 $0x100  }
.LBB2_1:
0x11: {  	[tilespmem:s2], [sflag:$0x2] =	stream.linear.gather [hbm4b:s4+s2], $0x100, $0x38;
	[tilespmem:$0x9100] =	vst v63  }
0x12: {  	_ =	swait.ge [sflag:s7], $0x100  }
0x13: {  	[sflag:s7] =	ssyncset.done $0x0  }
0x14: {  	[sflag:s7] =	ssyncadd.s32 $0xFFFFFF00  }
0x15: {  	v3 =	vld [tilespmem:$0x0];
	_ =	sdelay $0x4  }
0x16: {  	v4 =	vshll.u32 v3, $0x1  }
0x17: {  	v3 =	vand.u32 $0x7, v3;
	v4 =	vand.u32 $0xFFFFFFF0, v4  }
0x18: {  	v3 =	vor.u32 v3, v4  }
0x19: {  	v4 =	vperm.xlane v3, v0;
	_ =	sdelay $0x1  }
0x1a: {  	v3 =	vperm.xlane v3, v2;
	v4 =	vadd.s32 v1, v4;
	_ =	sdelay $0x1  }
0x1b: {  	v3 =	vadd.s32 v1, v3;
	_ =	sdelay $0x2  }
0x1c: {  	[tilespmem:s8], [sflag:$0x1] =	stream.indirect_vreg.gather [hbm4b:s3+s2], $0x80, v4, vm0, $0xb8;
	[tilespmem:$0x9100] =	vst v63  }
0x1d: {  	_ = 	snop  }
0x1e: {  	[tilespmem:s9], [sflag:$0x1] =	stream.indirect_vreg.gather [hbm4b:s3+s2], $0x80, v3, vm0, $0xb8;
	[tilespmem:$0x9100] =	vst v63  }
0x1f: {  	v3 =	vld [tilespmem:$0x10];
	_ =	sdelay $0x4  }
0x20: {  	v55 =	vshll.u32 v3, $0x1  }
0x21: {  	v3 =	vand.u32 $0x7, v3;
	v4 =	vand.u32 $0xFFFFFFF0, v55  }
0x22: {  	v3 =	vor.u32 v3, v4  }
0x23: {  	v4 =	vperm.xlane v3, v0;
	_ =	sdelay $0x1  }
0x24: {  	v3 =	vperm.xlane v3, v2;
	v4 =	vadd.s32 v1, v4;
	_ =	sdelay $0x1  }
0x25: {  	v3 =	vadd.s32 v1, v3;
	_ =	sdelay $0x2  }
0x26: {  	[tilespmem:s10], [sflag:$0x1] =	stream.indirect_vreg.gather [hbm4b:s3+s2], $0x80, v4, vm0, $0xb8;
	[tilespmem:$0x9100] =	vst v63  }
0x27: {  	_ = 	snop  }
0x28: {  	[tilespmem:s11], [sflag:$0x1] =	stream.indirect_vreg.gather [hbm4b:s3+s2], $0x80, v3, vm0, $0xb8;
	[tilespmem:$0x9100] =	vst v63  }
0x29: {  	v3 =	vld [tilespmem:$0x20];
	_ =	sdelay $0x4  }
0x2a: {  	v56 =	vshll.u32 v3, $0x1  }
0x2b: {  	v3 =	vand.u32 $0x7, v3;
	v4 =	vand.u32 $0xFFFFFFF0, v56  }
0x2c: {  	v3 =	vor.u32 v3, v4  }
0x2d: {  	v4 =	vperm.xlane v3, v0;
	_ =	sdelay $0x1  }
0x2e: {  	v3 =	vperm.xlane v3, v2;
	v4 =	vadd.s32 v1, v4;
	_ =	sdelay $0x1  }
0x2f: {  	v3 =	vadd.s32 v1, v3;
	_ =	sdelay $0x2  }
0x30: {  	[tilespmem:s12], [sflag:$0x1] =	stream.indirect_vreg.gather [hbm4b:s3+s2], $0x80, v4, vm0, $0xb8;
	[tilespmem:$0x9100] =	vst v63  }
0x31: {  	_ = 	snop  }
0x32: {  	[tilespmem:s13], [sflag:$0x1] =	stream.indirect_vreg.gather [hbm4b:s3+s2], $0x80, v3, vm0, $0xb8;
	[tilespmem:$0x9100] =	vst v63  }
0x33: {  	v3 =	vld [tilespmem:$0x30];
	_ =	sdelay $0x4  }
0x34: {  	v57 =	vshll.u32 v3, $0x1  }
0x35: {  	v3 =	vand.u32 $0x7, v3;
	v4 =	vand.u32 $0xFFFFFFF0, v57  }
0x36: {  	v3 =	vor.u32 v3, v4  }
0x37: {  	v4 =	vperm.xlane v3, v0;
	_ =	sdelay $0x1  }
0x38: {  	v3 =	vperm.xlane v3, v2;
	v4 =	vadd.s32 v1, v4;
	_ =	sdelay $0x1  }
0x39: {  	v3 =	vadd.s32 v1, v3;
	_ =	sdelay $0x2  }
0x3a: {  	[tilespmem:s14], [sflag:$0x1] =	stream.indirect_vreg.gather [hbm4b:s3+s2], $0x80, v4, vm0, $0xb8;
	[tilespmem:$0x9100] =	vst v63  }
0x3b: {  	_ = 	snop  }
0x3c: {  	[tilespmem:s15], [sflag:$0x1] =	stream.indirect_vreg.gather [hbm4b:s3+s2], $0x80, v3, vm0, $0xb8;
	[tilespmem:$0x9100] =	vst v63  }
0x3d: {  	v3 =	vld.msk [tilespmem:$0x40], $0xff;
	_ =	sdelay $0x4  }
0x3e: {  	v58 =	vshll.u32 v3, $0x1  }
0x3f: {  	v3 =	vand.u32 $0x7, v3;
	v4 =	vand.u32 $0xFFFFFFF0, v58  }
0x40: {  	v3 =	vor.u32 v3, v4  }
0x41: {  	v3 =	vperm.xlane v3, v0;
	_ =	sdelay $0x1  }
0x42: {  	v3 =	vadd.s32 v1, v3;
	_ =	sdelay $0x4  }
0x43: {  	[tilespmem:s16], [sflag:$0x1] =	stream.indirect_vreg.gather [hbm4b:s3+s2], $0x80, v3, vm0, $0xb8;
	[tilespmem:$0x9100] =	vst v63  }
0x44: {  	v3 =	vld [tilespmem:$0x80];
	_ =	sdelay $0x4  }
0x45: {  	v59 =	vshll.u32 v3, $0x1  }
0x46: {  	v3 =	vand.u32 $0x7, v3;
	v4 =	vand.u32 $0xFFFFFFF0, v59  }
0x47: {  	v3 =	vor.u32 v3, v4  }
0x48: {  	v4 =	vperm.xlane v3, v0;
	_ =	sdelay $0x1  }
0x49: {  	v3 =	vperm.xlane v3, v2;
	v4 =	vadd.s32 v1, v4;
	_ =	sdelay $0x1  }
0x4a: {  	v3 =	vadd.s32 v1, v3;
	_ =	sdelay $0x2  }
0x4b: {  	[tilespmem:s17], [sflag:$0x1] =	stream.indirect_vreg.gather [hbm4b:s3+s2], $0x80, v4, vm0, $0xb8;
	[tilespmem:$0x9100] =	vst v63  }
0x4c: {  	_ = 	snop  }
0x4d: {  	[tilespmem:s18], [sflag:$0x1] =	stream.indirect_vreg.gather [hbm4b:s3+s2], $0x80, v3, vm0, $0xb8;
	[tilespmem:$0x9100] =	vst v63  }
0x4e: {  	v3 =	vld [tilespmem:$0x90];
	_ =	sdelay $0x4  }
0x4f: {  	v60 =	vshll.u32 v3, $0x1  }
0x50: {  	v3 =	vand.u32 $0x7, v3;
	v4 =	vand.u32 $0xFFFFFFF0, v60  }
0x51: {  	v3 =	vor.u32 v3, v4  }
0x52: {  	v4 =	vperm.xlane v3, v0;
	_ =	sdelay $0x1  }
0x53: {  	v3 =	vperm.xlane v3, v2;
	v4 =	vadd.s32 v1, v4;
	_ =	sdelay $0x1  }
0x54: {  	v3 =	vadd.s32 v1, v3;
	_ =	sdelay $0x2  }
0x55: {  	[tilespmem:s19], [sflag:$0x1] =	stream.indirect_vreg.gather [hbm4b:s3+s2], $0x80, v4, vm0, $0xb8;
	[tilespmem:$0x9100] =	vst v63  }
0x56: {  	_ = 	snop  }
0x57: {  	[tilespmem:s20], [sflag:$0x1] =	stream.indirect_vreg.gather [hbm4b:s3+s2], $0x80, v3, vm0, $0xb8;
	[tilespmem:$0x9100] =	vst v63  }
0x58: {  	v3 =	vld [tilespmem:$0xA0];
	_ =	sdelay $0x4  }
0x59: {  	v61 =	vshll.u32 v3, $0x1  }
0x5a: {  	v3 =	vand.u32 $0x7, v3;
	v4 =	vand.u32 $0xFFFFFFF0, v61  }
0x5b: {  	v3 =	vor.u32 v3, v4  }
0x5c: {  	v4 =	vperm.xlane v3, v0;
	_ =	sdelay $0x1  }
0x5d: {  	v3 =	vperm.xlane v3, v2;
	v4 =	vadd.s32 v1, v4;
	_ =	sdelay $0x1  }
0x5e: {  	v3 =	vadd.s32 v1, v3;
	_ =	sdelay $0x2  }
0x5f: {  	[tilespmem:s21], [sflag:$0x1] =	stream.indirect_vreg.gather [hbm4b:s3+s2], $0x80, v4, vm0, $0xb8;
	[tilespmem:$0x9100] =	vst v63  }
0x60: {  	_ = 	snop  }
0x61: {  	[tilespmem:s22], [sflag:$0x1] =	stream.indirect_vreg.gather [hbm4b:s3+s2], $0x80, v3, vm0, $0xb8;
	[tilespmem:$0x9100] =	vst v63  }
0x62: {  	v3 =	vld [tilespmem:$0xB0];
	_ =	sdelay $0x4  }
0x63: {  	v62 =	vshll.u32 v3, $0x1  }
0x64: {  	v3 =	vand.u32 $0x7, v3;
	v4 =	vand.u32 $0xFFFFFFF0, v62  }
0x65: {  	v3 =	vor.u32 v3, v4  }
0x66: {  	v4 =	vperm.xlane v3, v0;
	_ =	sdelay $0x1  }
0x67: {  	v3 =	vperm.xlane v3, v2;
	v4 =	vadd.s32 v1, v4;
	_ =	sdelay $0x1  }
0x68: {  	v3 =	vadd.s32 v1, v3;
	_ =	sdelay $0x2  }
0x69: {  	[tilespmem:s23], [sflag:$0x1] =	stream.indirect_vreg.gather [hbm4b:s3+s2], $0x80, v4, vm0, $0xb8;
	[tilespmem:$0x9100] =	vst v63  }
0x6a: {  	_ = 	snop  }
0x6b: {  	[tilespmem:s24], [sflag:$0x1] =	stream.indirect_vreg.gather [hbm4b:s3+s2], $0x80, v3, vm0, $0xb8;
	[tilespmem:$0x9100] =	vst v63  }
0x6c: {  	v3 =	vld.msk [tilespmem:$0xC0], $0xff;
	_ =	sdelay $0x4  }
0x6d: {  	v63 =	vshll.u32 v3, $0x1  }
0x6e: {  	v3 =	vand.u32 $0x7, v3;
	v4 =	vand.u32 $0xFFFFFFF0, v63  }
0x6f: {  	v3 =	vor.u32 v3, v4  }
0x70: {  	v3 =	vperm.xlane v3, v0;
	_ =	sdelay $0x1  }
0x71: {  	v3 =	vadd.s32 v1, v3;
	_ =	sdelay $0x4  }
0x72: {  	[tilespmem:s25], [sflag:$0x1] =	stream.indirect_vreg.gather [hbm4b:s3+s2], $0x80, v3, vm0, $0xb8;
	[tilespmem:$0x9100] =	vst v63  }
0x73: {  	_ =	swait.ge [sflag:s26], $0x4800  }
0x74: {  	[sflag:s26] =	ssyncset.done $0x0  }
0x75: {  	[sflag:s26] =	ssyncadd.s32 $0xFFFFB800  }
0x76: {  	_ =	swait.ge [sflag:s26], $0x4800  }
0x77: {  	p0 =	sne.s32 s6, $0x1;
	[sflag:s26] =	ssyncset.done $0x0  }
.Ltmp0:
0x78: {  	[sflag:s26] =	ssyncadd.s32 $0xFFFFB800;
	(pc) =	sbr.rel @p0 .LBB2_1-.Ltmp0, $4  }
0x79: {  	[hbm4b:s5+s2] =	stream.linear.scatter [tilespmem:s8], [sflag:$0x2], $0x9000, $0x38;
	[tilespmem:$0x9100] =	vst v63  }
0x7a: {  	_ =	swait.ge [sflag:s7], $0x9000  }
0x7b: {  	[sflag:s7] =	ssyncset.done $0x0  }
0x7c: {  	s6 =	sadd.s32 $0xFFFFFFFF, s6;
	[sflag:s7] =	ssyncadd.s32 $0xFFFF7000  }
0x7d: {  	_ =	sfence.sel $0x180000  }
0x7e: {  	[bflag:$0x0] =	sbarrier.arrive $0xFFFF  }
0x7f: {  	p0 =	sne.s32 s1, $0x0;
	_ =	strace $0x9000004D  }
0x80: {  	s0 =	sadd.s32 @!p0 $0x100000, s0;
	[bflag:$0x2] =	sbarrier.arrive $0xFFFF  }
0x81: {  	[sflag:s0] =	ssyncadd.tile.s32 @!p0 $0x1;
	_ =	shalt  }
.Lfunc_end2:
_tile_overlayer_lowered:
.L_overlay_start_2:
0x82: {  	(tag) =	ssettag $0x2  }
0x83: {  	s0 =	rddreg [dreg:$0x0];
	s2 =	stileid.u32  }
0x84: {  	s1 =	rddreg [dreg:$0x1];
	p0 =	sne.s32 s2, $0x0  }
0x85: {  	s3 =	rddreg [dreg:$0x2];
	[bflag:$0x3] =	sbarrier.arrive $0xFFFF;
	s2 =	simm.s32 @!p0 $0x1C02  }
0x86: {  	[timem:s3], [sflag:s2] =	dma.local @!p0 [hbm:s0], s1  }
0x87: {  	s0 =	simm.s32 @!p0 $0x2  }
0x88: {  	_ =	swait.ge @!p0 [sflag:s0], s1  }
0x89: {  	s1 =	ssub.s32 @!p0 $0x0, s1;
	[sflag:s0] =	ssyncset.done @!p0 $0x0  }
0x8a: {  	[sflag:s0] =	ssyncadd.s32 @!p0 s1  }
0x8b: {  	[bflag:$0x3] =	sbarrier.arrive $0xFFFF  }
0x8c: {  	_ =	shalt  }

// kernel: kernel.20.cloned.1.call-start
scs
__scs_entry_jumppad:
0x0: {  	(pc) =	sbr.rel $0x88, $3  }
0x1: {  	(tag) =	ssettag $0x0;
	lr =	simm.s32 $0x1  }
0x2: {  	[smem:$0x3F9F] =	sst lr;
	_ =	strace $0xD0000000  }
0x3: {  	_ = 	snop  }
0x4: {  	_ = 	snop  }
0x5: {  	_ = 	snop  }
0x6: {  	_ = 	snop  }
0x7: {  	_ = 	snop  }
__scs_overlays_trampoline_lowered:
0x8: {  	[smem:$0x3FAE] =	sst s0  }
0x9: {  	[smem:$0x3FAF] =	sst s1  }
0xa: {  	[smem:$0x3FB0] =	sst s2  }
0xb: {  	[smem:$0x3FB1] =	sst s3  }
0xc: {  	[smem:$0x3FB2] =	sst s4  }
0xd: {  	[smem:$0x3FB3] =	sst s5  }
0xe: {  	[smem:$0x3FB4] =	sst s6  }
0xf: {  	[smem:$0x3FB5] =	sst s7  }
0x10: {  	[smem:$0x3FB6] =	sst s8  }
0x11: {  	[smem:$0x3FB7] =	sst s9;
	s0 =	simm.s32 @!p0 $0x0  }
0x12: {  	s1 =	sld [smem:$0x3F9D];
	s0 =	simm.s32 @p0 $0x1  }
0x13: {  	[smem:$0x3FB8] =	sst s0;
	s0 =	simm.s32 @!p1 $0x0  }
0x14: {  	s2 =	sld [smem:$0x3F9C];
	s0 =	simm.s32 @p1 $0x1  }
0x15: {  	[smem:$0x3FB9] =	sst s0;
	s0 =	simm.s32 @!p2 $0x0  }
0x16: {  	s3 =	sld [smem:$0x3FDB];
	s0 =	simm.s32 @p2 $0x1  }
0x17: {  	s4 =	simm.s32 $0x1BF5;
	[smem:$0x3FBB] =	sst s0  }
0x18: {  	s0 =	sld [smem:$0x3F9E];
	_ =	swait.ge [sflag:s4], $0x0  }
0x19: {  	s7 =	sld [smem:$0x3F9F]  }
0x1a: {  	s8 =	sadd.s32 $0xFFFFE003, lr  }
0x1b: {  	s9 =	sadd.s32 $0xFFFFFEF7, lr;
	s5 =	simm.s32 $0xFFFFFFFF;
	p2 =	slt.u32 s8, $0xFFFFF086  }
0x1c: {  	p1 =	slt.u32 s9, $0xF7A;
	s5 =	simm.s32 @!p2 $0x0  }
0x1d: {  	s5 =	simm.s32 @p1 $0x1;
	p0 =	seq.s32 s7, s2  }
0x1e: {  	s7 =	smul.u32 @!p0 $0xF7A, s2;
	p2 =	seq.s32 @!p0 s5, $0x0  }
0x1f: {  	s9 =	smul.u32 $0xF7A, s1;
	s8 =	simm.s32 @!p0 $0x1BF5;
	p2 =	por !p2, p0  }
0x20: {  	[sflag:s8] =	ssyncset.s32 @!p0 $0xFFFFF086;
	s6 =	sadd.s32 @!p0 s3, s7;
	s7 =	simm.s32 @!p0 $0x108  }
0x21: {  	s3 =	sadd.s32 s3, s9;
	s6 =	sadd.s32 @!p0 $0x88, s6;
	s7 =	simm.s32 @p2 $0x1082  }
0x22: {  	[simem:s7], [sflag:s8] =	dma.local @!p0 [hbm:s6], $0xF7A  }
0x23: {  	s9 =	sor.u32 $0xD0000000, s2;
	s6 =	simm.s32 $0x108;
	_ =	swait.ge @!p0 [sflag:s8], $0x0  }
0x24: {  	s3 =	sadd.s32 $0x88, s3;
	s6 =	simm.s32 @!p1 $0x1082;
	[sflag:s4] =	ssyncset.s32 $0xFFFFF086  }
0x25: {  	[simem:s6], [sflag:s4] =	dma.local [hbm:s3], $0xF7A  }
0x26: {  	[smem:$0x3F9F] =	sst s1;
	(tag) =	ssettag s2;
	_ =	strace s9  }
0x27: {  	s1 =	sld [smem:$0x3FAF]  }
0x28: {  	s2 =	sld [smem:$0x3FB0]  }
0x29: {  	s4 =	sld [smem:$0x3FB2]  }
0x2a: {  	p0 =	seq.s32 s5, $0x0;
	s5 =	sld [smem:$0x3FB3]  }
0x2b: {  	s6 =	sld [smem:$0x3FB4]  }
0x2c: {  	s7 =	sld [smem:$0x3FB5]  }
0x2d: {  	s3 =	simm.s32 $0x108;
	s8 =	sld [smem:$0x3FB6]  }
0x2e: {  	s3 =	simm.s32 @!p0 $0x1082;
	s9 =	sld [smem:$0x3FB7]  }
0x2f: {  	lr =	sadd.s32 s0, s3;
	s0 =	sld [smem:$0x3FAE]  }
0x30: {  	s3 =	sld [smem:$0x3FB1]  }
0x31: {  	[smem:$0x3FBA] =	sst s10  }
0x32: {  	s10 =	sld [smem:$0x3FB8];
	_ =	sdelay $0x3  }
0x33: {  	p0 =	seq.s32 s10, $0x1;
	s10 =	sld [smem:$0x3FBA];
	_ =	sdelay $0x3  }
0x34: {  	[smem:$0x3FBA] =	sst s10  }
0x35: {  	s10 =	sld [smem:$0x3FB9];
	_ =	sdelay $0x3  }
0x36: {  	p1 =	seq.s32 s10, $0x1;
	s10 =	sld [smem:$0x3FBA];
	_ =	sdelay $0x3  }
0x37: {  	[smem:$0x3FBA] =	sst s10  }
0x38: {  	s10 =	sld [smem:$0x3FBB]  }
0x39: {  	_ = 	snop;
	(pc) =	sbr.ind lr, $3  }
0x3a: {  	_ = 	snop  }
0x3b: {  	_ = 	snop  }
0x3c: {  	p2 =	seq.s32 s10, $0x1;
	s10 =	sld [smem:$0x3FBA]  }
0x3d: {  	_ =	shalt  }
0x3e: {  	_ =	shalt  }
0x3f: {  	_ =	shalt  }
0x40: {  	_ =	shalt  }
0x41: {  	_ =	shalt  }
0x42: {  	_ =	shalt  }
0x43: {  	_ =	shalt  }
0x44: {  	_ =	shalt  }
0x45: {  	_ =	shalt  }
0x46: {  	_ =	shalt  }
0x47: {  	_ =	shalt  }
0x48: {  	_ =	shalt  }
0x49: {  	_ =	shalt  }
0x4a: {  	_ =	shalt  }
0x4b: {  	_ =	shalt  }
0x4c: {  	_ =	shalt  }
0x4d: {  	_ =	shalt  }
0x4e: {  	_ =	shalt  }
0x4f: {  	_ =	shalt  }
0x50: {  	_ =	shalt  }
0x51: {  	_ =	shalt  }
0x52: {  	_ =	shalt  }
0x53: {  	_ =	shalt  }
0x54: {  	_ =	shalt  }
0x55: {  	_ =	shalt  }
0x56: {  	_ =	shalt  }
0x57: {  	_ =	shalt  }
0x58: {  	_ =	shalt  }
0x59: {  	_ =	shalt  }
0x5a: {  	_ =	shalt  }
0x5b: {  	_ =	shalt  }
0x5c: {  	_ =	shalt  }
0x5d: {  	_ =	shalt  }
0x5e: {  	_ =	shalt  }
0x5f: {  	_ =	shalt  }
0x60: {  	_ =	shalt  }
0x61: {  	_ =	shalt  }
0x62: {  	_ =	shalt  }
0x63: {  	_ =	shalt  }
0x64: {  	_ =	shalt  }
0x65: {  	_ =	shalt  }
0x66: {  	_ =	shalt  }
0x67: {  	_ =	shalt  }
0x68: {  	_ =	shalt  }
0x69: {  	_ =	shalt  }
0x6a: {  	_ =	shalt  }
0x6b: {  	_ =	shalt  }
0x6c: {  	_ =	shalt  }
0x6d: {  	_ =	shalt  }
0x6e: {  	_ =	shalt  }
0x6f: {  	_ =	shalt  }
0x70: {  	_ =	shalt  }
0x71: {  	_ =	shalt  }
0x72: {  	_ =	shalt  }
0x73: {  	_ =	shalt  }
0x74: {  	_ =	shalt  }
0x75: {  	_ =	shalt  }
0x76: {  	_ =	shalt  }
0x77: {  	_ =	shalt  }
0x78: {  	_ =	shalt  }
0x79: {  	_ =	shalt  }
0x7a: {  	_ =	shalt  }
0x7b: {  	_ =	shalt  }
0x7c: {  	_ =	shalt  }
0x7d: {  	_ =	shalt  }
0x7e: {  	_ =	shalt  }
0x7f: {  	_ =	shalt  }
0x80: {  	_ =	shalt  }
0x81: {  	_ =	shalt  }
0x82: {  	_ =	shalt  }
0x83: {  	_ =	shalt  }
0x84: {  	_ =	shalt  }
0x85: {  	_ =	shalt  }
0x86: {  	_ =	shalt  }
0x87: {  	_ =	shalt  }
.Lfunc_end0:
.L_simem_size_0:
called_computation.3_lowered:
.L_overlay_start_0:
0x88: {  	s2 =	sld [smem:$0x3FD9]  }
0x89: {  	s3 =	sld [smem:$0x3FFE];
	_ =	sdelay $0x1  }
0x8a: {  	s1 =	srdreg.scid  }
0x8b: {  	s0 =	sand.u32 $0x1, s1  }
0x8c: {  	s14 =	sshll.u32 s0, $0xA;
	s2 =	sadd.s32 s3, s2  }
0x8d: {  	s2 =	sadd.s32 s2, s14  }
0x8e: {  	[smem:$0x3FC6] =	sst s2  }
0x8f: {  	_ = 	snop  }
0x90: {  	s2 =	sld [smem:$0x3FD0];
	_ =	sdelay $0x2  }
0x91: {  	s15 =	simm.s32 $0xA;
	s4 =	simm.s32 $0x10  }
0x92: {  	[smem:s4], [sflag:s15] =	dma.local [hbm:s2], $0x1  }
0x93: {  	_ =	swait.eq [sflag:s15], $0x1  }
0x94: {  	[sflag:s15] =	ssyncset.done $0x0  }
0x95: {  	[sflag:s15] =	ssyncadd.s32 $0xFFFFFFFF  }
0x96: {  	s16 =	sld [smem:$0x10];
	(tm) =	ssettm $0x1  }
0x97: {  	s17 =	sld [smem:$0x3FFB];
	_ =	sdelay $0x3  }
0x98: {  	_ =	strace s17  }
0x99: {  	s3 =	sld [smem:$0x3FFC];
	_ =	sdelay $0x3  }
0x9a: {  	_ =	strace s3  }
0x9b: {  	s3 =	sld [smem:$0x3FFD];
	_ =	sdelay $0x3  }
0x9c: {  	_ =	strace s3  }
0x9d: {  	_ =	strace $0x8FFFFFFF  }
0x9e: {  	s18 =	sld [smem:$0x3FDB];
	_ =	sdelay $0x1  }
0x9f: {  	s19 =	simm.s32 $_scs_section_size  }
0xa0: {  	s5 =	simm.s32 $_size__tile_overlayer_lowered;
	s6 =	simm.s32 $_tile_overlayer_lowered  }
0xa1: {  	s22 =	simm.s32 $0x1BFF;
	s21 =	sshll.u32 s6, $0x1;
	s3 =	sadd.s32 s19, s18  }
0xa2: {  	s7 =	simm.s32 $0x0;
	s20 =	sshll.u32 s5, $0x1;
	s5 =	sadd.s32 s21, s3  }
0xa3: {  	[timem:s7], [sflag:s22] =	dma.local [hbm:s5], s20  }
0xa4: {  	_ =	swait.ge [sflag:s22], s20  }
0xa5: {  	s4 =	ssub.s32 $0x0, s20;
	[sflag:s22] =	ssyncset.done $0x0  }
0xa6: {  	[sflag:s22] =	ssyncadd.s32 s4;
	_ =	sdelay $0x1  }
0xa7: {  	s23 =	simm.s32 $0x1B8B  }
0xa8: {  	_ =	swait.ge [sflag:s23], $0x1  }
0xa9: {  	[sflag:s23] =	ssyncset.done $0x0  }
0xaa: {  	s25 =	simm.s32 $0x1B8E;
	s24 =	sld [smem:$0x3FFE];
	[sflag:s23] =	ssyncadd.s32 $0xFFFFFFFF  }
0xab: {  	s26 =	simm.s32 $execute0_lowered;
	[smem:$0x3FD2] =	sst s25  }
0xac: {  	s5 =	sshll.u32 s26, $0x1;
	_ =	strace $0x8000004F;
	[dreg:$0x1] =	wrdreg $0xFFFFFFFF  }
0xad: {  	s28 =	simm.s32 $_size_execute0_lowered;
	s3 =	sadd.s32 s3, s5;
	[dreg:$0x0] =	wrdreg $0x0  }
0xae: {  	s5 =	sshll.u32 s28, $0x1;
	[dreg:$0x2] =	wrdreg s3  }
0xaf: {  	[dreg:$0x3] =	wrdreg s5  }
0xb0: {  	[dreg:$0x4] =	wrdreg $0xC0  }
0xb1: {  	_ =	task [dreg:s7], $0x5FFFF  }
0xb2: {  	[dreg:$0x1] =	wrdreg $0xFFFFFFFF  }
0xb3: {  	[dreg:$0x0] =	wrdreg $0x60  }
0xb4: {  	[dreg:$0x2] =	wrdreg s24  }
0xb5: {  	[dreg:$0x3] =	wrdreg s16  }
0xb6: {  	[dreg:$0x4] =	wrdreg $0x9  }
0xb7: {  	_ =	task.clear_ibuf [dreg:s7], $0x5FFFF;
	_ =	strace $0x9000004F  }
0xb8: {  	s29 =	simm.s32 $0x9;
	_ =	strace $0x80000051  }
0xb9: {  	_ =	swait.ge [sflag:s29], $0x1  }
0xba: {  	[sflag:s29] =	ssyncadd.s32 $0xFFFFFFFF  }
0xbb: {  	_ =	strace $0x90000051  }
0xbc: {  	_ =	sfence  }
0xbd: {  	s30 =	sld [smem:$0x0];
	_ =	sdelay $0x2  }
0xbe: {  	s31 =	sshll.u32 s1, $0xD;
	s1 =	sshrl.u32 s1, $0x2  }
0xbf: {  	s3 =	sand.u32 $0x4000, s31;
	s1 =	sadd.s32 s1, s30  }
0xc0: {  	s0 =	sor.u32 s3, s0;
	s1 =	sshll.u32 s1, $0x11  }
0xc1: {  	s0 =	sor.u32 s1, s0  }
0xc2: {  	s0 =	sadd.s32 $0x8F2B, s0  }
0xc3: {  	[sflag:s0] =	ssyncadd.remote.s32 $0x1  }
0xc4: {  	_ =	sfence.sel $0xFFFF  }
0xc5: {  	[dreg:$0x0] =	wrdreg $0xFFFFFFFF;
	(pc) =	sbr.abs _section_cstart, $3  }
0xc6: {  	[dreg:$0x1] =	wrdreg $0xFFFFFFFF  }
0xc7: {  	_ =	task.clear_ibuf [dreg:s7], $0x2FFFF;
	_ =	strace $0x9FFFFFFF  }
0xc8: {  	(tm) =	ssettm $0x7FFFFFFF  }
0xc9: {  	_ =	shalt  }
tec
execute0_lowered:
.L_overlay_start_1:
0x0: {  	(tag) =	ssettag $0x1  }
0x1: {  	s0 =	rddreg [dreg:$0x0]  }
0x2: {  	s1 =	rddreg [dreg:$0x1];
	s2 =	simm.s32 $0x0;
	s3 =	srdreg.scid  }
0x3: {  	s5 =	stileid.u32;
	s12 =	simm.s32 $0x2;
	s13 =	simm.s32 $0x100  }
0x4: {  	s20 =	simm.s32 $0x3900;
	s21 =	simm.s32 $0x4100;
	s22 =	simm.s32 $0x4900  }
0x5: {  	s23 =	simm.s32 $0x5100;
	s24 =	simm.s32 $0x5900;
	s28 =	simm.s32 $0x7100  }
0x6: {  	s29 =	simm.s32 $0x7900;
	s30 =	simm.s32 $0x8100;
	s31 =	simm.s32 $0x8900  }
0x7: {  	s14 =	simm.s32 $0x9100;
	s15 =	simm.s32 $0x9200;
	s16 =	simm.s32 $0x1  }
0x8: {  	s17 =	simm.s32 $0x0;
	[smem:$0x7FF] =	sst s2;
	s4 =	sand.u32 $0x1, s3  }
0x9: {  	s25 =	sshll.u32 s5, $0x1;
	s3 =	sadd.s32 $0x81000, s0;
	s5 =	sshrl.u32 s5, $0x2  }
0xa: {  	_ =	strace $0x80000050;
	s7 =	sor.u32 s4, s25;
	s9 =	sshll.u32 s5, $0xB  }
0xb: {  	s5 =	sshll.u32 s5, $0x10;
	s4 =	ssub.s32 $0x2, s4;
	s25 =	simm.s32 $0x6100  }
0xc: {  	s6 =	sshll.u32 s7, $0x7;
	s8 =	sshll.u32 s7, $0x5;
	s26 =	sshrl.u32 s4, $0x1  }
0xd: {  	s10 =	smul.u32 $0x1200, s7;
	s6 =	sand.u32 $0x380, s6;
	s8 =	sadd.s32 s8, s0  }
0xe: {  	s11 =	ssub.s32 s4, s26;
	s26 =	simm.s32 $0x6900;
	s9 =	sor.u32 s9, s6  }
0xf: {  	s5 =	sor.u32 s5, s6;
	s4 =	sadd.s32 $0x2400, s8;
	s10 =	sadd.s32 s1, s10  }
0x10: {  	s11 =	smax.u32 s11, $0x1;
	s9 =	sshrl.u32 s9, $0x3;
	s5 =	sshrl.u32 s5, $0x3  }
0x11: {  	v2 =	vlaneseq.u32;
	vm0 =	vmmov $0xffff;
	s1 =	simm.s32 $0x400;
	s9 =	sadd.s32 s9, s0;
	s0 =	sadd.s32 s5, s0  }
0x12: {  	v3 =	vimm.f32 $0.0e+00;
	v4 =	vimm.f32 $1.000000000e+00;
	v1 =	vshrl.u32 v2, $0x3;
	s5 =	sadd.s32 $0x1200, s9;
	s6 =	sadd.s32 $0x1600, s9;
	s7 =	sadd.s32 $0x1A00, s9  }
0x13: {  	v0 =	vand.u32 $0x7, v2;
	v2 =	vor.u32 $0x8, v2;
	v1 =	vmul.u32 $0x8, v1;
	s8 =	sadd.s32 $0x2000, s9;
	s9 =	sadd.s32 $0x2800, s0;
	s0 =	simm.s32 $0x80  }
.LBB2_1:
0x14: {  	[tilespmem:s2], [sflag:$0x2] =	stream.linear.gather [hbm4b:s4+s2], $0x100, $0x38;
	[tilespmem:$0xB200] =	vst v63  }
0x15: {  	_ =	swait.ge [sflag:s12], $0x100  }
0x16: {  	[sflag:s12] =	ssyncset.done $0x0  }
0x17: {  	[sflag:s12] =	ssyncadd.s32 $0xFFFFFF00  }
0x18: {  	v5 =	vld [tilespmem:$0x0];
	_ =	sdelay $0x4  }
0x19: {  	v6 =	vshll.u32 v5, $0x1  }
0x1a: {  	v5 =	vand.u32 $0x7, v5;
	v6 =	vand.u32 $0xFFFFFFF0, v6  }
0x1b: {  	v5 =	vor.u32 v5, v6  }
0x1c: {  	v6 =	vperm.xlane v5, v0;
	_ =	sdelay $0x1  }
0x1d: {  	v5 =	vperm.xlane v5, v2;
	v6 =	vadd.s32 v1, v6;
	_ =	sdelay $0x1  }
0x1e: {  	v5 =	vadd.s32 v1, v5;
	_ =	sdelay $0x2  }
0x1f: {  	[tilespmem:s13], [sflag:$0x1] =	stream.indirect_vreg.gather [hbm4b:s3+s2], $0x80, v6, vm0, $0xb8;
	[tilespmem:$0xB200] =	vst v63  }
0x20: {  	s18 =	simm.s32 $0x900  }
0x21: {  	[tilespmem:s18], [sflag:$0x1] =	stream.indirect_vreg.gather [hbm4b:s3+s2], $0x80, v5, vm0, $0xb8;
	[tilespmem:$0xB200] =	vst v63  }
0x22: {  	v5 =	vld [tilespmem:$0x10];
	_ =	sdelay $0x4  }
0x23: {  	v6 =	vshll.u32 v5, $0x1  }
0x24: {  	v5 =	vand.u32 $0x7, v5;
	v6 =	vand.u32 $0xFFFFFFF0, v6  }
0x25: {  	v5 =	vor.u32 v5, v6  }
0x26: {  	v6 =	vperm.xlane v5, v0;
	_ =	sdelay $0x1  }
0x27: {  	v5 =	vperm.xlane v5, v2;
	v6 =	vadd.s32 v1, v6;
	_ =	sdelay $0x1  }
0x28: {  	v5 =	vadd.s32 v1, v5;
	_ =	sdelay $0x1  }
0x29: {  	s19 =	simm.s32 $0x1100  }
0x2a: {  	[tilespmem:s19], [sflag:$0x1] =	stream.indirect_vreg.gather [hbm4b:s3+s2], $0x80, v6, vm0, $0xb8;
	[tilespmem:$0xB200] =	vst v63  }
0x2b: {  	s19 =	simm.s32 $0x1900  }
0x2c: {  	[tilespmem:s19], [sflag:$0x1] =	stream.indirect_vreg.gather [hbm4b:s3+s2], $0x80, v5, vm0, $0xb8;
	[tilespmem:$0xB200] =	vst v63  }
0x2d: {  	v5 =	vld [tilespmem:$0x20];
	_ =	sdelay $0x4  }
0x2e: {  	v6 =	vshll.u32 v5, $0x1  }
0x2f: {  	v5 =	vand.u32 $0x7, v5;
	v6 =	vand.u32 $0xFFFFFFF0, v6  }
0x30: {  	v5 =	vor.u32 v5, v6  }
0x31: {  	v6 =	vperm.xlane v5, v0;
	_ =	sdelay $0x1  }
0x32: {  	v5 =	vperm.xlane v5, v2;
	v6 =	vadd.s32 v1, v6;
	_ =	sdelay $0x1  }
0x33: {  	v5 =	vadd.s32 v1, v5;
	_ =	sdelay $0x1  }
0x34: {  	s19 =	simm.s32 $0x2100  }
0x35: {  	[tilespmem:s19], [sflag:$0x1] =	stream.indirect_vreg.gather [hbm4b:s3+s2], $0x80, v6, vm0, $0xb8;
	[tilespmem:$0xB200] =	vst v63  }
0x36: {  	s19 =	simm.s32 $0x2900  }
0x37: {  	[tilespmem:s19], [sflag:$0x1] =	stream.indirect_vreg.gather [hbm4b:s3+s2], $0x80, v5, vm0, $0xb8;
	[tilespmem:$0xB200] =	vst v63  }
0x38: {  	v5 =	vld [tilespmem:$0x30];
	_ =	sdelay $0x4  }
0x39: {  	v6 =	vshll.u32 v5, $0x1  }
0x3a: {  	v5 =	vand.u32 $0x7, v5;
	v6 =	vand.u32 $0xFFFFFFF0, v6  }
0x3b: {  	v5 =	vor.u32 v5, v6  }
0x3c: {  	v6 =	vperm.xlane v5, v0;
	_ =	sdelay $0x1  }
0x3d: {  	v5 =	vperm.xlane v5, v2;
	v6 =	vadd.s32 v1, v6;
	_ =	sdelay $0x1  }
0x3e: {  	v5 =	vadd.s32 v1, v5;
	_ =	sdelay $0x1  }
0x3f: {  	s19 =	simm.s32 $0x3100  }
0x40: {  	[tilespmem:s19], [sflag:$0x1] =	stream.indirect_vreg.gather [hbm4b:s3+s2], $0x80, v6, vm0, $0xb8;
	[tilespmem:$0xB200] =	vst v63  }
0x41: {  	_ = 	snop  }
0x42: {  	[tilespmem:s20], [sflag:$0x1] =	stream.indirect_vreg.gather [hbm4b:s3+s2], $0x80, v5, vm0, $0xb8;
	[tilespmem:$0xB200] =	vst v63  }
0x43: {  	v5 =	vld.msk [tilespmem:$0x40], $0xff;
	_ =	sdelay $0x4  }
0x44: {  	v6 =	vshll.u32 v5, $0x1  }
0x45: {  	v5 =	vand.u32 $0x7, v5;
	v6 =	vand.u32 $0xFFFFFFF0, v6  }
0x46: {  	v5 =	vor.u32 v5, v6  }
0x47: {  	v5 =	vperm.xlane v5, v0;
	_ =	sdelay $0x1  }
0x48: {  	v5 =	vadd.s32 v1, v5;
	_ =	sdelay $0x4  }
0x49: {  	[tilespmem:s21], [sflag:$0x1] =	stream.indirect_vreg.gather [hbm4b:s3+s2], $0x80, v5, vm0, $0xb8;
	[tilespmem:$0xB200] =	vst v63  }
0x4a: {  	v5 =	vld [tilespmem:$0x80];
	_ =	sdelay $0x4  }
0x4b: {  	v6 =	vshll.u32 v5, $0x1  }
0x4c: {  	v5 =	vand.u32 $0x7, v5;
	v6 =	vand.u32 $0xFFFFFFF0, v6  }
0x4d: {  	v5 =	vor.u32 v5, v6  }
0x4e: {  	v6 =	vperm.xlane v5, v0;
	_ =	sdelay $0x1  }
0x4f: {  	v5 =	vperm.xlane v5, v2;
	v6 =	vadd.s32 v1, v6;
	_ =	sdelay $0x1  }
0x50: {  	v5 =	vadd.s32 v1, v5;
	_ =	sdelay $0x2  }
0x51: {  	[tilespmem:s22], [sflag:$0x1] =	stream.indirect_vreg.gather [hbm4b:s3+s2], $0x80, v6, vm0, $0xb8;
	[tilespmem:$0xB200] =	vst v63  }
0x52: {  	_ = 	snop  }
0x53: {  	[tilespmem:s23], [sflag:$0x1] =	stream.indirect_vreg.gather [hbm4b:s3+s2], $0x80, v5, vm0, $0xb8;
	[tilespmem:$0xB200] =	vst v63  }
0x54: {  	v5 =	vld [tilespmem:$0x90];
	_ =	sdelay $0x4  }
0x55: {  	v6 =	vshll.u32 v5, $0x1  }
0x56: {  	v5 =	vand.u32 $0x7, v5;
	v6 =	vand.u32 $0xFFFFFFF0, v6  }
0x57: {  	v5 =	vor.u32 v5, v6  }
0x58: {  	v6 =	vperm.xlane v5, v0;
	_ =	sdelay $0x1  }
0x59: {  	v5 =	vperm.xlane v5, v2;
	v6 =	vadd.s32 v1, v6;
	_ =	sdelay $0x1  }
0x5a: {  	v5 =	vadd.s32 v1, v5;
	_ =	sdelay $0x2  }
0x5b: {  	[tilespmem:s24], [sflag:$0x1] =	stream.indirect_vreg.gather [hbm4b:s3+s2], $0x80, v6, vm0, $0xb8;
	[tilespmem:$0xB200] =	vst v63  }
0x5c: {  	_ = 	snop  }
0x5d: {  	[tilespmem:s25], [sflag:$0x1] =	stream.indirect_vreg.gather [hbm4b:s3+s2], $0x80, v5, vm0, $0xb8;
	[tilespmem:$0xB200] =	vst v63  }
0x5e: {  	v5 =	vld [tilespmem:$0xA0];
	_ =	sdelay $0x4  }
0x5f: {  	v6 =	vshll.u32 v5, $0x1  }
0x60: {  	v5 =	vand.u32 $0x7, v5;
	v6 =	vand.u32 $0xFFFFFFF0, v6  }
0x61: {  	v5 =	vor.u32 v5, v6  }
0x62: {  	v6 =	vperm.xlane v5, v0;
	_ =	sdelay $0x1  }
0x63: {  	v5 =	vperm.xlane v5, v2;
	v6 =	vadd.s32 v1, v6;
	_ =	sdelay $0x1  }
0x64: {  	v5 =	vadd.s32 v1, v5;
	_ =	sdelay $0x2  }
0x65: {  	[tilespmem:s26], [sflag:$0x1] =	stream.indirect_vreg.gather [hbm4b:s3+s2], $0x80, v6, vm0, $0xb8;
	[tilespmem:$0xB200] =	vst v63  }
0x66: {  	_ = 	snop  }
0x67: {  	[tilespmem:s28], [sflag:$0x1] =	stream.indirect_vreg.gather [hbm4b:s3+s2], $0x80, v5, vm0, $0xb8;
	[tilespmem:$0xB200] =	vst v63  }
0x68: {  	v5 =	vld [tilespmem:$0xB0];
	_ =	sdelay $0x4  }
0x69: {  	v6 =	vshll.u32 v5, $0x1  }
0x6a: {  	v5 =	vand.u32 $0x7, v5;
	v6 =	vand.u32 $0xFFFFFFF0, v6  }
0x6b: {  	v5 =	vor.u32 v5, v6  }
0x6c: {  	v6 =	vperm.xlane v5, v0;
	_ =	sdelay $0x1  }
0x6d: {  	v5 =	vperm.xlane v5, v2;
	v6 =	vadd.s32 v1, v6;
	_ =	sdelay $0x1  }
0x6e: {  	v5 =	vadd.s32 v1, v5;
	_ =	sdelay $0x2  }
0x6f: {  	[tilespmem:s29], [sflag:$0x1] =	stream.indirect_vreg.gather [hbm4b:s3+s2], $0x80, v6, vm0, $0xb8;
	[tilespmem:$0xB200] =	vst v63  }
0x70: {  	_ = 	snop  }
0x71: {  	[tilespmem:s30], [sflag:$0x1] =	stream.indirect_vreg.gather [hbm4b:s3+s2], $0x80, v5, vm0, $0xb8;
	[tilespmem:$0xB200] =	vst v63  }
0x72: {  	v5 =	vld.msk [tilespmem:$0xC0], $0xff;
	_ =	sdelay $0x4  }
0x73: {  	v6 =	vshll.u32 v5, $0x1  }
0x74: {  	v5 =	vand.u32 $0x7, v5;
	v6 =	vand.u32 $0xFFFFFFF0, v6  }
0x75: {  	v5 =	vor.u32 v5, v6  }
0x76: {  	v5 =	vperm.xlane v5, v0;
	_ =	sdelay $0x1  }
0x77: {  	v5 =	vadd.s32 v1, v5;
	_ =	sdelay $0x3  }
0x78: {  	s18 =	simm.s32 $0x40;
	s19 =	simm.s32 $0x0  }
0x79: {  	[tilespmem:s31], [sflag:$0x1] =	stream.indirect_vreg.gather [hbm4b:s3+s2], $0x80, v5, vm0, $0xb8;
	[tilespmem:$0xB200] =	vst v63  }
.LBB2_2:
0x7a: {  	p0 =	sne.s32 s18, $0x7FC0;
	[tilespmem:s19+$0x9200] =	vst v3;
	s19 =	smov.u32 s18;
	s18 =	sadd.s32 $0x40, s18  }
.Ltmp0:
0x7b: {  	(pc) =	sbr.rel @p0 .LBB2_2-.Ltmp0, $2  }
0x7c: {  	_ =	sdelay $0x2  }
0x7d: {  	s19 =	sshra.s32 s19, $0x2  }
0x7e: {  	[tilespmem:s19+$0x9200] =	vst v3  }
0x7f: {  	[tilespmem:s14], [sflag:$0x2] =	stream.strided.gather [hbm4b:s5+s0], $0x100, s1, s0, $0x38;
	[tilespmem:$0xB200] =	vst v63  }
0x80: {  	_ =	swait.ge [sflag:s12], $0x100  }
0x81: {  	[sflag:s12] =	ssyncset.done $0x0  }
0x82: {  	[sflag:s12] =	ssyncadd.s32 $0xFFFFFF00  }
0x83: {  	v5 =	vld [tilespmem:$0x9100];
	_ =	sdelay $0x7  }
0x84: {  	[tilespmem:v5+s15+$0x0] =	vst.idx.add.f32.msk $0xffff, v4  }
0x85: {  	v5 =	vld [tilespmem:$0x9110];
	_ =	sdelay $0x7  }
0x86: {  	[tilespmem:v5+s15+$0x0] =	vst.idx.add.f32.msk $0xffff, v4  }
0x87: {  	v5 =	vld [tilespmem:$0x9120];
	_ =	sdelay $0x7  }
0x88: {  	[tilespmem:v5+s15+$0x0] =	vst.idx.add.f32.msk $0xffff, v4  }
0x89: {  	v5 =	vld [tilespmem:$0x9130];
	_ =	sdelay $0x7  }
0x8a: {  	[tilespmem:v5+s15+$0x0] =	vst.idx.add.f32.msk $0xffff, v4  }
0x8b: {  	v5 =	vld [tilespmem:$0x9140];
	_ =	sdelay $0x7  }
0x8c: {  	[tilespmem:v5+s15+$0x0] =	vst.idx.add.f32.msk $0xffff, v4  }
0x8d: {  	v5 =	vld [tilespmem:$0x9150];
	_ =	sdelay $0x7  }
0x8e: {  	[tilespmem:v5+s15+$0x0] =	vst.idx.add.f32.msk $0xffff, v4  }
0x8f: {  	v5 =	vld [tilespmem:$0x9160];
	_ =	sdelay $0x7  }
0x90: {  	[tilespmem:v5+s15+$0x0] =	vst.idx.add.f32.msk $0xffff, v4  }
0x91: {  	v5 =	vld [tilespmem:$0x9170];
	_ =	sdelay $0x7  }
0x92: {  	[tilespmem:v5+s15+$0x0] =	vst.idx.add.f32.msk $0xffff, v4  }
0x93: {  	v5 =	vld [tilespmem:$0x9180];
	_ =	sdelay $0x7  }
0x94: {  	[tilespmem:v5+s15+$0x0] =	vst.idx.add.f32.msk $0xffff, v4  }
0x95: {  	[tilespmem:s14], [sflag:$0x2] =	stream.strided.gather [hbm4b:s6+s0], $0x100, s1, s0, $0x38;
	[tilespmem:$0xB200] =	vst v63  }
0x96: {  	_ =	swait.ge [sflag:s12], $0x100  }
0x97: {  	[sflag:s12] =	ssyncset.done $0x0  }
0x98: {  	[sflag:s12] =	ssyncadd.s32 $0xFFFFFF00  }
0x99: {  	v5 =	vld [tilespmem:$0x9100];
	_ =	sdelay $0x7  }
0x9a: {  	[tilespmem:v5+s15+$0x0] =	vst.idx.add.f32.msk $0xffff, v4  }
0x9b: {  	v5 =	vld [tilespmem:$0x9110];
	_ =	sdelay $0x7  }
0x9c: {  	[tilespmem:v5+s15+$0x0] =	vst.idx.add.f32.msk $0xffff, v4  }
0x9d: {  	v5 =	vld [tilespmem:$0x9120];
	_ =	sdelay $0x7  }
0x9e: {  	[tilespmem:v5+s15+$0x0] =	vst.idx.add.f32.msk $0xffff, v4  }
0x9f: {  	v5 =	vld [tilespmem:$0x9130];
	_ =	sdelay $0x7  }
0xa0: {  	[tilespmem:v5+s15+$0x0] =	vst.idx.add.f32.msk $0xffff, v4  }
0xa1: {  	v5 =	vld [tilespmem:$0x9140];
	_ =	sdelay $0x7  }
0xa2: {  	[tilespmem:v5+s15+$0x0] =	vst.idx.add.f32.msk $0xffff, v4  }
0xa3: {  	v5 =	vld [tilespmem:$0x9150];
	_ =	sdelay $0x7  }
0xa4: {  	[tilespmem:v5+s15+$0x0] =	vst.idx.add.f32.msk $0xffff, v4  }
0xa5: {  	v5 =	vld [tilespmem:$0x9160];
	_ =	sdelay $0x7  }
0xa6: {  	[tilespmem:v5+s15+$0x0] =	vst.idx.add.f32.msk $0xffff, v4  }
0xa7: {  	v5 =	vld [tilespmem:$0x9170];
	_ =	sdelay $0x7  }
0xa8: {  	[tilespmem:v5+s15+$0x0] =	vst.idx.add.f32.msk $0xffff, v4  }
0xa9: {  	v5 =	vld [tilespmem:$0x9180];
	_ =	sdelay $0x7  }
0xaa: {  	[tilespmem:v5+s15+$0x0] =	vst.idx.add.f32.msk $0xffff, v4  }
0xab: {  	[tilespmem:s14], [sflag:$0x2] =	stream.strided.gather [hbm4b:s7+s0], $0x100, s1, s0, $0x38;
	[tilespmem:$0xB200] =	vst v63  }
0xac: {  	_ =	swait.ge [sflag:s12], $0x100  }
0xad: {  	[sflag:s12] =	ssyncset.done $0x0  }
0xae: {  	[sflag:s12] =	ssyncadd.s32 $0xFFFFFF00  }
0xaf: {  	v5 =	vld [tilespmem:$0x9100];
	_ =	sdelay $0x7  }
0xb0: {  	[tilespmem:v5+s15+$0x0] =	vst.idx.add.f32.msk $0xffff, v4  }
0xb1: {  	v5 =	vld [tilespmem:$0x9110];
	_ =	sdelay $0x7  }
0xb2: {  	[tilespmem:v5+s15+$0x0] =	vst.idx.add.f32.msk $0xffff, v4  }
0xb3: {  	v5 =	vld [tilespmem:$0x9120];
	_ =	sdelay $0x7  }
0xb4: {  	[tilespmem:v5+s15+$0x0] =	vst.idx.add.f32.msk $0xffff, v4  }
0xb5: {  	v5 =	vld [tilespmem:$0x9130];
	_ =	sdelay $0x7  }
0xb6: {  	[tilespmem:v5+s15+$0x0] =	vst.idx.add.f32.msk $0xffff, v4  }
0xb7: {  	v5 =	vld [tilespmem:$0x9140];
	_ =	sdelay $0x7  }
0xb8: {  	[tilespmem:v5+s15+$0x0] =	vst.idx.add.f32.msk $0xffff, v4  }
0xb9: {  	v5 =	vld [tilespmem:$0x9150];
	_ =	sdelay $0x7  }
0xba: {  	[tilespmem:v5+s15+$0x0] =	vst.idx.add.f32.msk $0xffff, v4  }
0xbb: {  	v5 =	vld [tilespmem:$0x9160];
	_ =	sdelay $0x7  }
0xbc: {  	[tilespmem:v5+s15+$0x0] =	vst.idx.add.f32.msk $0xffff, v4  }
0xbd: {  	v5 =	vld [tilespmem:$0x9170];
	_ =	sdelay $0x7  }
0xbe: {  	[tilespmem:v5+s15+$0x0] =	vst.idx.add.f32.msk $0xffff, v4  }
0xbf: {  	v5 =	vld [tilespmem:$0x9180];
	_ =	sdelay $0x7  }
0xc0: {  	[tilespmem:v5+s15+$0x0] =	vst.idx.add.f32.msk $0xffff, v4  }
0xc1: {  	[tilespmem:s14], [sflag:$0x2] =	stream.strided.gather [hbm4b:s8+s0], $0x100, s1, s0, $0x38;
	[tilespmem:$0xB200] =	vst v63  }
0xc2: {  	_ =	swait.ge [sflag:s12], $0x100  }
0xc3: {  	[sflag:s12] =	ssyncset.done $0x0  }
0xc4: {  	[sflag:s12] =	ssyncadd.s32 $0xFFFFFF00  }
0xc5: {  	v5 =	vld [tilespmem:$0x9100];
	_ =	sdelay $0x7  }
0xc6: {  	[tilespmem:v5+s15+$0x0] =	vst.idx.add.f32.msk $0xffff, v4  }
0xc7: {  	v5 =	vld [tilespmem:$0x9110];
	_ =	sdelay $0x7  }
0xc8: {  	[tilespmem:v5+s15+$0x0] =	vst.idx.add.f32.msk $0xffff, v4  }
0xc9: {  	v5 =	vld [tilespmem:$0x9120];
	_ =	sdelay $0x7  }
0xca: {  	[tilespmem:v5+s15+$0x0] =	vst.idx.add.f32.msk $0xffff, v4  }
0xcb: {  	v5 =	vld [tilespmem:$0x9130];
	_ =	sdelay $0x7  }
0xcc: {  	[tilespmem:v5+s15+$0x0] =	vst.idx.add.f32.msk $0xffff, v4  }
0xcd: {  	v5 =	vld [tilespmem:$0x9140];
	_ =	sdelay $0x7  }
0xce: {  	[tilespmem:v5+s15+$0x0] =	vst.idx.add.f32.msk $0xffff, v4  }
0xcf: {  	v5 =	vld [tilespmem:$0x9150];
	_ =	sdelay $0x7  }
0xd0: {  	[tilespmem:v5+s15+$0x0] =	vst.idx.add.f32.msk $0xffff, v4  }
0xd1: {  	v5 =	vld [tilespmem:$0x9160];
	_ =	sdelay $0x7  }
0xd2: {  	[tilespmem:v5+s15+$0x0] =	vst.idx.add.f32.msk $0xffff, v4  }
0xd3: {  	v5 =	vld [tilespmem:$0x9170];
	_ =	sdelay $0x7  }
0xd4: {  	[tilespmem:v5+s15+$0x0] =	vst.idx.add.f32.msk $0xffff, v4  }
0xd5: {  	v5 =	vld [tilespmem:$0x9180];
	_ =	sdelay $0x7  }
0xd6: {  	[tilespmem:v5+s15+$0x0] =	vst.idx.add.f32.msk $0xffff, v4  }
0xd7: {  	[hbm4b:s9+s0] =	stream.strided.scatter [tilespmem:s15], [sflag:$0x2], $0x2000, s1, s0, $0x38;
	[tilespmem:$0xB200] =	vst v63  }
0xd8: {  	_ =	swait.ge [sflag:s12], $0x2000  }
0xd9: {  	[sflag:s12] =	ssyncset.done $0x0  }
0xda: {  	[sflag:s12] =	ssyncadd.s32 $0xFFFFE000  }
0xdb: {  	_ =	swait.ge [sflag:s16], $0x4800  }
0xdc: {  	[sflag:s16] =	ssyncset.done $0x0  }
0xdd: {  	[sflag:s16] =	ssyncadd.s32 $0xFFFFB800  }
0xde: {  	s17 =	sadd.s32 $0x1, s17;
	_ =	swait.ge [sflag:s16], $0x4800  }
0xdf: {  	p0 =	sne.s32 s17, s11;
	[sflag:s16] =	ssyncset.done $0x0  }
.Ltmp1:
0xe0: {  	[sflag:s16] =	ssyncadd.s32 $0xFFFFB800;
	(pc) =	sbr.rel @p0 .LBB2_1-.Ltmp1, $4  }
0xe1: {  	[hbm4b:s10+s2] =	stream.linear.scatter [tilespmem:s13], [sflag:$0x2], $0x9000, $0x38;
	[tilespmem:$0xB200] =	vst v63  }
0xe2: {  	_ =	swait.ge [sflag:s12], $0x9000  }
0xe3: {  	[sflag:s12] =	ssyncset.done $0x0  }
0xe4: {  	[sflag:s12] =	ssyncadd.s32 $0xFFFF7000  }
0xe5: {  	_ =	sfence.sel $0x180000  }
0xe6: {  	[bflag:$0x0] =	sbarrier.arrive $0xFFFF  }
0xe7: {  	_ =	strace $0x90000050  }
0xe8: {  	s0 =	stileid.u32;
	[bflag:$0x2] =	sbarrier.arrive $0xFFFF  }
0xe9: {  	p0 =	sne.s32 s0, $0x0;
	s0 =	rddreg [dreg:$0x2]  }
0xea: {  	s0 =	sadd.s32 @!p0 $0x100000, s0  }
0xeb: {  	[sflag:s0] =	ssyncadd.tile.s32 @!p0 $0x1;
	_ =	shalt  }
.Lfunc_end2:
_tile_overlayer_lowered:
.L_overlay_start_2:
0xec: {  	(tag) =	ssettag $0x2  }
0xed: {  	s0 =	rddreg [dreg:$0x0];
	s2 =	stileid.u32  }
0xee: {  	s1 =	rddreg [dreg:$0x1];
	p0 =	sne.s32 s2, $0x0  }
0xef: {  	s3 =	rddreg [dreg:$0x2];
	[bflag:$0x3] =	sbarrier.arrive $0xFFFF;
	s2 =	simm.s32 @!p0 $0x1C02  }
0xf0: {  	[timem:s3], [sflag:s2] =	dma.local @!p0 [hbm:s0], s1  }
0xf1: {  	s0 =	simm.s32 @!p0 $0x2  }
0xf2: {  	_ =	swait.ge @!p0 [sflag:s0], s1  }
0xf3: {  	s1 =	ssub.s32 @!p0 $0x0, s1;
	[sflag:s0] =	ssyncset.done @!p0 $0x0  }
0xf4: {  	[sflag:s0] =	ssyncadd.s32 @!p0 s1  }
0xf5: {  	[bflag:$0x3] =	sbarrier.arrive $0xFFFF  }
0xf6: {  	_ =	shalt  }

</sc_bundles>
